<compile_context>
chip_gen: v7x
topology: tpu7x:2x2x1
jax: 0.10.2.dev20260603
libtpu: 0.0.44.dev20260713+nightly
codegen_flags: <defaults>
</compile_context>

<pallas_src>
import functools

import jax
import jax.numpy as jnp
from jax import lax
from jax.experimental import pallas as pl
from jax.experimental.pallas import tpu as pltpu
from jax.experimental.pallas import tpu_sc as plsc

N = 10000
NP = 10240
E = 320000
D = 128
NC, NS = 2, 16
NW = NC * NS

MESH = plsc.VectorSubcoreMesh(core_axis_name="c", subcore_axis_name="s")

CB = 128
EPT_E = E // NW
EPT_F = E // NS
NCH_E = 80
CBP = 80
NCHP_E = EPT_E // CBP
NCHP_F = EPT_F // CBP
RPT = NP // NS



NBUF = 4


def _pipe_loop(p_hbm, acc, row_hbm, col_hbm, rbase, cbase,
               row_v, col_v, buf, gsem, ssem, nch):
    k0 = nch % NBUF
    for k in range(k0):
        pltpu.sync_copy(row_hbm.at[pl.ds(rbase + k * CBP, CBP)], row_v[0])
        pltpu.sync_copy(col_hbm.at[pl.ds(cbase + k * CBP, CBP)], col_v[0])
        pltpu.async_copy(p_hbm.at[row_v[0]], buf[0], gsem[0]).wait()
        pltpu.sync_copy(buf[0], acc.at[col_v[0]], add=True)

    for b in range(NBUF):
        pltpu.sync_copy(row_hbm.at[pl.ds(rbase + (k0 + b) * CBP, CBP)],
                        row_v[b])
        pltpu.sync_copy(col_hbm.at[pl.ds(cbase + (k0 + b) * CBP, CBP)],
                        col_v[b])
        pltpu.async_copy(p_hbm.at[row_v[b]], buf[b], gsem[b])

    def group_body(t, _):
        k = k0 + NBUF * t
        for b in range(NBUF):
            pltpu.make_async_copy(p_hbm.at[row_v[b]], buf[b], gsem[b]).wait()
            pltpu.async_copy(buf[b], acc.at[col_v[b]], ssem[b], add=True)
        for b in range(NBUF):
            @pl.when(k + b + NBUF < nch)
            def _():
                pltpu.make_async_copy(buf[b], acc.at[col_v[b]],
                                      ssem[b]).wait()
                pltpu.sync_copy(
                    row_hbm.at[pl.ds(rbase + (k + b + NBUF) * CBP, CBP)],
                    row_v[b])
                pltpu.sync_copy(
                    col_hbm.at[pl.ds(cbase + (k + b + NBUF) * CBP, CBP)],
                    col_v[b])
                pltpu.async_copy(p_hbm.at[row_v[b]], buf[b], gsem[b])
        return 0

    lax.fori_loop(0, (nch - k0) // NBUF, group_body, 0)
    for b in range(NBUF):
        pltpu.make_async_copy(buf[b], acc.at[col_v[b]], ssem[b]).wait()


_PROP_SCRATCH = (
    [pltpu.VMEM((CBP,), jnp.int32)] * (2 * NBUF)
    + [pltpu.VMEM((CBP, D), jnp.float32)] * NBUF
    + [pltpu.VMEM_SHARED((NP, D), jnp.float32)]
    + [pltpu.SemaphoreType.DMA] * (2 * NBUF)
)


@functools.partial(
    pl.kernel,
    out_type=jax.ShapeDtypeStruct((2 * NP, D), jnp.float32),
    mesh=MESH,
    scratch_types=_PROP_SCRATCH,
)
def _prop_edge(p_hbm, z_hbm, row_hbm, col_hbm, out_hbm,
               r0, r1, r2, r3, c0, c1, c2, c3, b0, b1, b2, b3, acc,
               g0, g1, g2, g3, s0, s1, s2, s3):
    c = lax.axis_index("c")
    s = lax.axis_index("s")
    wid = c * NS + s
    stripe = pl.ds(s * RPT, RPT)

    @pl.when(c == 0)
    def _():
        pltpu.sync_copy(p_hbm.at[stripe], acc.at[stripe])

    @pl.when(c != 0)
    def _():
        pltpu.sync_copy(z_hbm.at[stripe], acc.at[stripe])

    plsc.subcore_barrier()

    ebase = wid * EPT_E
    _pipe_loop(p_hbm, acc, row_hbm, col_hbm, ebase, ebase,
               [r0, r1, r2, r3], [c0, c1, c2, c3], [b0, b1, b2, b3],
               [g0, g1, g2, g3], [s0, s1, s2, s3], NCHP_E)

    plsc.subcore_barrier()
    pltpu.sync_copy(acc.at[stripe], out_hbm.at[pl.ds(c * NP + s * RPT, RPT)])


@functools.partial(
    pl.kernel,
    out_type=jax.ShapeDtypeStruct((2 * NP, D), jnp.float32),
    mesh=MESH,
    scratch_types=_PROP_SCRATCH,
)
def _prop_feat(p_hbm, row_hbm, col_hbm, out_hbm,
               r0, r1, r2, r3, c0, c1, c2, c3, b0, b1, b2, b3, acc,
               g0, g1, g2, g3, s0, s1, s2, s3):
    c = lax.axis_index("c")
    s = lax.axis_index("s")
    wid = c * NS + s
    stripe = pl.ds(s * RPT, RPT)
    pltpu.sync_copy(p_hbm.at[pl.ds(c * NP + s * RPT, RPT)], acc.at[stripe])
    plsc.subcore_barrier()

    rbase = wid * EPT_F
    cbase = s * EPT_F
    _pipe_loop(p_hbm, acc, row_hbm, col_hbm, rbase, cbase,
               [r0, r1, r2, r3], [c0, c1, c2, c3], [b0, b1, b2, b3],
               [g0, g1, g2, g3], [s0, s1, s2, s3], NCHP_F)

    plsc.subcore_barrier()
    pltpu.sync_copy(acc.at[stripe], out_hbm.at[pl.ds(c * NP + s * RPT, RPT)])


@functools.partial(
    pl.kernel,
    out_type=jax.ShapeDtypeStruct((2 * NP, D), jnp.float32),
    mesh=MESH,
    scratch_types=[
        pltpu.VMEM((CB,), jnp.int32),
        pltpu.VMEM((CB,), jnp.int32),
        pltpu.VMEM((CB, D), jnp.float32),
        pltpu.VMEM_SHARED((NP, D), jnp.float32),
        pltpu.SemaphoreType.DMA,
        pltpu.SemaphoreType.DMA,
    ],
)
def _deg_kernel(col_hbm, ones_hbm, z_hbm, out_hbm,
                col_v0, col_v1, ones_v, acc, sem0, sem1):
    c = lax.axis_index("c")
    s = lax.axis_index("s")
    wid = c * NS + s
    stripe = pl.ds(s * RPT, RPT)
    pltpu.sync_copy(z_hbm.at[stripe], acc.at[stripe])
    pltpu.sync_copy(ones_hbm, ones_v)
    plsc.subcore_barrier()

    ebase = wid * (NCH_E * CB)

    def pair_body(t, _):
        k0 = 2 * t
        pltpu.sync_copy(col_hbm.at[pl.ds(ebase + (k0 + 1) * CB, CB)], col_v1)
        pltpu.async_copy(ones_v, acc.at[col_v1], sem1, add=True)
        pltpu.make_async_copy(ones_v, acc.at[col_v0], sem0).wait()

        @pl.when(t + 1 < NCH_E // 2)
        def _():
            pltpu.sync_copy(col_hbm.at[pl.ds(ebase + (k0 + 2) * CB, CB)],
                            col_v0)
            pltpu.async_copy(ones_v, acc.at[col_v0], sem0, add=True)

        pltpu.make_async_copy(ones_v, acc.at[col_v1], sem1).wait()
        return 0

    pltpu.sync_copy(col_hbm.at[pl.ds(ebase, CB)], col_v0)
    pltpu.async_copy(ones_v, acc.at[col_v0], sem0, add=True)
    lax.fori_loop(0, NCH_E // 2, pair_body, 0)

    plsc.subcore_barrier()
    pltpu.sync_copy(acc.at[stripe], out_hbm.at[pl.ds(c * NP + s * RPT, RPT)])



MB = 1024


def _mm1_body(x_ref, w_ref, out_ref):
    out_ref[...] = jnp.dot(x_ref[...], w_ref[...],
                           preferred_element_type=jnp.float32)


def _mm1(x, W):
    d_in, d_out = W.shape
    return pl.pallas_call(
        _mm1_body,
        grid=(NP // MB,),
        in_specs=[
            pl.BlockSpec((MB, d_in), lambda i: (i, 0)),
            pl.BlockSpec((d_in, d_out), lambda i: (0, 0)),
        ],
        out_specs=pl.BlockSpec((MB, d_out), lambda i: (i, 0)),
        out_shape=jax.ShapeDtypeStruct((NP, d_out), jnp.float32),
    )(x, W)


def _dinv_p1_body(deg_ref, h1_ref, dinv_ref, p1_ref):
    deg = deg_ref[0, :, :1] + deg_ref[1, :, :1] + 1.0
    dinv = lax.rsqrt(deg)
    dinv_ref[...] = dinv
    p1_ref[...] = dinv * h1_ref[...]


def _dinv_p1(deg_parts, h1):
    return pl.pallas_call(
        _dinv_p1_body,
        grid=(NP // MB,),
        in_specs=[
            pl.BlockSpec((2, MB, D), lambda i: (0, i, 0)),
            pl.BlockSpec((MB, D), lambda i: (i, 0)),
        ],
        out_specs=[
            pl.BlockSpec((MB, 1), lambda i: (i, 0)),
            pl.BlockSpec((MB, D), lambda i: (i, 0)),
        ],
        out_shape=[
            jax.ShapeDtypeStruct((NP, 1), jnp.float32),
            jax.ShapeDtypeStruct((NP, D), jnp.float32),
        ],
    )(deg_parts, h1)


def _fuse12_body(sp_ref, dinv_ref, b_ref, w_ref, out_ref):
    dinv = dinv_ref[...]
    sp = sp_ref[0] + sp_ref[1]
    a = jnp.maximum(dinv * sp + b_ref[...], 0.0)
    h = jnp.dot(a, w_ref[0], preferred_element_type=jnp.float32)
    out_ref[0] = dinv * h


def _fuse12(sp_parts, dinv, b, W):
    d_in, d_out = W.shape
    dh = d_out // 2
    w_split = W.reshape(d_in, 2, dh).transpose(1, 0, 2)
    return pl.pallas_call(
        _fuse12_body,
        grid=(NP // MB, 2),
        in_specs=[
            pl.BlockSpec((2, MB, d_in), lambda i, c: (0, i, 0)),
            pl.BlockSpec((MB, 1), lambda i, c: (i, 0)),
            pl.BlockSpec((1, d_in), lambda i, c: (0, 0)),
            pl.BlockSpec((1, d_in, dh), lambda i, c: (c, 0, 0)),
        ],
        out_specs=pl.BlockSpec((1, MB, dh), lambda i, c: (c, i, 0)),
        out_shape=jax.ShapeDtypeStruct((2, NP, dh), jnp.float32),
    )(sp_parts, dinv, b, w_split)


def _fuse23_body(sp_ref, dinv_ref, b_ref, w_ref, out_ref):
    dinv = dinv_ref[...]
    a0 = jnp.maximum(dinv * sp_ref[0] + b_ref[0, :D], 0.0)
    a1 = jnp.maximum(dinv * sp_ref[1] + b_ref[0, D:], 0.0)
    h = (jnp.dot(a0, w_ref[:D], preferred_element_type=jnp.float32)
         + jnp.dot(a1, w_ref[D:], preferred_element_type=jnp.float32))
    out_ref[...] = dinv * h


def _fuse23(sp_halves, dinv, b, W):
    d_in, d_out = W.shape
    return pl.pallas_call(
        _fuse23_body,
        grid=(NP // MB,),
        in_specs=[
            pl.BlockSpec((2, MB, D), lambda i: (0, i, 0)),
            pl.BlockSpec((MB, 1), lambda i: (i, 0)),
            pl.BlockSpec((1, d_in), lambda i: (0, 0)),
            pl.BlockSpec((d_in, d_out), lambda i: (0, 0)),
        ],
        out_specs=pl.BlockSpec((MB, d_out), lambda i: (i, 0)),
        out_shape=jax.ShapeDtypeStruct((NP, d_out), jnp.float32),
    )(sp_halves, dinv, b, W)


def _final_body(sp_ref, dinv_ref, b_ref, out_ref):
    z = sp_ref[0] + sp_ref[1]
    z = dinv_ref[...] * z + b_ref[...]
    m = jnp.max(z, axis=1, keepdims=True)
    lse = jnp.log(jnp.sum(jnp.exp(z - m), axis=1, keepdims=True)) + m
    out_ref[...] = z - lse


def _final(sp_parts, dinv, b):
    return pl.pallas_call(
        _final_body,
        grid=(NP // MB,),
        in_specs=[
            pl.BlockSpec((2, MB, D), lambda i: (0, i, 0)),
            pl.BlockSpec((MB, 1), lambda i: (i, 0)),
            pl.BlockSpec((1, D), lambda i: (0, 0)),
        ],
        out_specs=pl.BlockSpec((MB, D), lambda i: (i, 0)),
        out_shape=jax.ShapeDtypeStruct((NP, D), jnp.float32),
    )(sp_parts, dinv, b)




def kernel(x, edge_index, W1, b1, W2, b2, W3, b3):
    row = edge_index[0].astype(jnp.int32)
    col = edge_index[1].astype(jnp.int32)

    row_e1 = row
    col_e1 = col
    row_f1 = jnp.stack([row, row + NP]).reshape(-1)
    col_f1 = col
    pad_e = NCH_E * CB - EPT_E
    pe = N + (jnp.arange(pad_e, dtype=jnp.int32) % (NP - N))
    col_deg = jnp.concatenate(
        [col.reshape(NW, EPT_E), jnp.broadcast_to(pe, (NW, pad_e))],
        axis=1).reshape(-1)

    zeros = jnp.zeros((NP, D), jnp.float32)
    ones_cb = jnp.ones((CB, D), jnp.float32)

    deg_parts = _deg_kernel(col_deg, ones_cb, zeros).reshape(2, NP, D)
    x_pad = jnp.zeros((NP, x.shape[1]), jnp.float32).at[:N].set(x)
    h1 = _mm1(x_pad, W1)
    dinv, p1 = _dinv_p1(deg_parts, h1)

    sp1 = _prop_edge(p1, zeros, row_e1, col_e1).reshape(2, NP, D)
    p2 = _fuse12(sp1, dinv, b1.reshape(1, -1), W2)
    sp2 = _prop_feat(p2.reshape(2 * NP, D), row_f1, col_f1).reshape(2, NP, D)
    p3 = _fuse23(sp2, dinv, b2.reshape(1, -1), W3)
    sp3 = _prop_edge(p3, zeros, row_e1, col_e1).reshape(2, NP, D)
    return _final(sp3, dinv, b3.reshape(1, -1))[:N]

# --- scband reference (transcript-rebuilt; emitter-appended) ---
"""Pipeline reference for scband-gcn4deep-18176301597602 (READ-ONLY COPY).

The authoritative reference and input builder live on the scoring server;
editing this copy changes nothing except your own understanding.
"""

import jax, jax.numpy as jnp
import numpy as np

N_NODES = 10000


def gcn_conv(x, edge_index, W, b):
    n = x.shape[0]
    row = edge_index[0]
    col = edge_index[1]
    # add self loops (GCNConv default add_self_loops=True)
    loop = jnp.arange(n, dtype=edge_index.dtype)
    row = jnp.concatenate([row, loop])
    col = jnp.concatenate([col, loop])
    # linear transform
    h = x @ W
    # symmetric normalization: D^{-1/2} (A+I) D^{-1/2}
    ones = jnp.ones(row.shape[0], dtype=x.dtype)
    deg = jax.ops.segment_sum(ones, col, num_segments=n)
    dinv = jnp.where(deg > 0, 1.0 / jnp.sqrt(deg), 0.0)
    norm = dinv[row] * dinv[col]
    # gather messages from source nodes, scale, scatter-add to dst
    msg = h[row] * norm[:, None]
    out = jax.ops.segment_sum(msg, col, num_segments=n)
    return out + b


def setup_inputs(seed: int = 0) -> dict:
    key = jax.random.key(seed)
    ks = jax.random.split(key, 9)
    d_in, d_f, d_out = 128, 128, 128
    x = jax.random.normal(ks[0], (N_NODES, d_in), dtype=jnp.float32)
    edge_index = jax.random.randint(ks[1], (2, 320000), 0, N_NODES, dtype=jnp.int64)
    W1 = jax.random.normal(ks[2], (d_in, d_f), dtype=jnp.float32) * (1.0 / np.sqrt(d_in))
    b1 = jnp.zeros((d_f,), dtype=jnp.float32)
    W2 = jax.random.normal(ks[3], (d_f, 2 * d_f), dtype=jnp.float32) * (1.0 / np.sqrt(d_f))
    b2 = jnp.zeros((2 * d_f,), dtype=jnp.float32)
    W3 = jax.random.normal(ks[4], (2 * d_f, d_out), dtype=jnp.float32) * (1.0 / np.sqrt(2 * d_f))
    b3 = jnp.zeros((d_out,), dtype=jnp.float32)
    return {"x": x, "edge_index": edge_index, "W1": W1, "b1": b1, "W2": W2, "b2": b2, "W3": W3, "b3": b3}


def reference(x, edge_index, W1, b1, W2, b2, W3, b3):
    # eval mode: dropout is identity
    h = jax.nn.relu(gcn_conv(x, edge_index, W1, b1))
    h = jax.nn.relu(gcn_conv(h, edge_index, W2, b2))
    h = gcn_conv(h, edge_index, W3, b3)
    return jax.nn.log_softmax(h, axis=1)

if __name__ == "__main__":
    import jax
    _d = setup_inputs()
    print(jax.jit(kernel)(*tuple(_d.values())))

</pallas_src>

<mosaic_0001>
#map = affine_map<(d0, d1) -> (0, 0)>
#map1 = affine_map<(d0, d1) -> (0)>
module attributes {stable_mosaic.version = 14 : i64} {
  func.func @_prop_edge(%arg0: i32, %arg1: i32, %arg2: memref<10240x128xf32, #tpu.memory_space<hbm>>, %arg3: memref<10240x128xf32, #tpu.memory_space<hbm>>, %arg4: memref<320000xi32, #tpu.memory_space<hbm>>, %arg5: memref<320000xi32, #tpu.memory_space<hbm>>, %arg6: memref<20480x128xf32, #tpu.memory_space<hbm>>, %arg7: memref<80xi32, #tpu.memory_space<vmem>>, %arg8: memref<80xi32, #tpu.memory_space<vmem>>, %arg9: memref<80xi32, #tpu.memory_space<vmem>>, %arg10: memref<80xi32, #tpu.memory_space<vmem>>, %arg11: memref<80xi32, #tpu.memory_space<vmem>>, %arg12: memref<80xi32, #tpu.memory_space<vmem>>, %arg13: memref<80xi32, #tpu.memory_space<vmem>>, %arg14: memref<80xi32, #tpu.memory_space<vmem>>, %arg15: memref<80x128xf32, #tpu.memory_space<vmem>>, %arg16: memref<80x128xf32, #tpu.memory_space<vmem>>, %arg17: memref<80x128xf32, #tpu.memory_space<vmem>>, %arg18: memref<80x128xf32, #tpu.memory_space<vmem>>, %arg19: memref<10240x128xf32, #tpu.memory_space<vmem_shared>>, %arg20: memref<!tpu.dma_semaphore, #tpu.memory_space<semaphore_mem>>, %arg21: memref<!tpu.dma_semaphore, #tpu.memory_space<semaphore_mem>>, %arg22: memref<!tpu.dma_semaphore, #tpu.memory_space<semaphore_mem>>, %arg23: memref<!tpu.dma_semaphore, #tpu.memory_space<semaphore_mem>>, %arg24: memref<!tpu.dma_semaphore, #tpu.memory_space<semaphore_mem>>, %arg25: memref<!tpu.dma_semaphore, #tpu.memory_space<semaphore_mem>>, %arg26: memref<!tpu.dma_semaphore, #tpu.memory_space<semaphore_mem>>, %arg27: memref<!tpu.dma_semaphore, #tpu.memory_space<semaphore_mem>>) attributes {dimension_semantics = [#tpu.dimension_semantics<core_parallel>, #tpu.dimension_semantics<subcore_parallel>], iteration_bounds = array<i64: 2, 16>, scalar_prefetch = 0 : i64, scratch_operands = 21 : i64, tpu.core_type = #tpu.core_type<sc_vector_subcore>, window_params = [{transform_indices = #map}, {transform_indices = #map}, {transform_indices = #map1}, {transform_indices = #map1}, {transform_indices = #map}]} {
    %mul3A = arith.constant 16 : i32
    %mul3A_0 = arith.muli %arg0, %mul3A : i32
    %add3A = arith.addi %mul3A_0, %arg1 : i32
    %mul3A_1 = arith.constant 640 : i32
    %mul3A_2 = arith.muli %arg1, %mul3A_1 : i32
    %eq3A = arith.constant 0 : i32
    %eq3A_3 = arith.cmpi eq, %arg0, %eq3A : i32
    %convert_element_type3A = arith.extui %eq3A_3 : i1 to i32
    %cond3A = arith.constant 0 : i32
    %cond3A_4 = arith.cmpi ne, %convert_element_type3A, %cond3A : i32
    scf.if %cond3A_4 {
      "tpu.region"() ({
        %run_scoped3A = tpu.sem_alloc : memref<!tpu.dma_semaphore, #tpu.memory_space<semaphore_mem>>
        %dma_start3A_71 = arith.constant 0 : i32
        %dma_start3A_72 = tpu.memref_slice %arg19[%mul3A_2, %dma_start3A_71] : memref<10240x128xf32, #tpu.memory_space<vmem_shared>> -> memref<640x128xf32, #tpu.memory_space<vmem_shared>>
        %dma_start3A_73 = arith.constant 0 : i32
        %dma_start3A_74 = tpu.memref_slice %arg2[%mul3A_2, %dma_start3A_73] : memref<10240x128xf32, #tpu.memory_space<hbm>> -> memref<640x128xf32, #tpu.memory_space<hbm>>
        tpu.enqueue_dma source(%dma_start3A_74 : memref<640x128xf32, #tpu.memory_space<hbm>>) target(%dma_start3A_72 : memref<640x128xf32, #tpu.memory_space<vmem_shared>>) target_semaphore(%run_scoped3A : memref<!tpu.dma_semaphore, #tpu.memory_space<semaphore_mem>>)
        %dma_wait3A_75 = arith.constant 0 : i32
        %dma_wait3A_76 = tpu.memref_slice %arg19[%mul3A_2, %dma_wait3A_75] : memref<10240x128xf32, #tpu.memory_space<vmem_shared>> -> memref<640x128xf32, #tpu.memory_space<vmem_shared>>
        %dma_wait3A_77 = arith.constant 0 : i32
        %dma_wait3A_78 = tpu.memref_slice %arg2[%mul3A_2, %dma_wait3A_77] : memref<10240x128xf32, #tpu.memory_space<hbm>> -> memref<640x128xf32, #tpu.memory_space<hbm>>
        tpu.wait_dma2 semaphore(%run_scoped3A : memref<!tpu.dma_semaphore, #tpu.memory_space<semaphore_mem>>) src(%dma_wait3A_78 : memref<640x128xf32, #tpu.memory_space<hbm>>) dst(%dma_wait3A_76 : memref<640x128xf32, #tpu.memory_space<vmem_shared>>)
        tpu.yield
      }) : () -> ()
    } else {
    }
    %ne3A = arith.constant 0 : i32
    %ne3A_5 = arith.cmpi ne, %arg0, %ne3A : i32
    %convert_element_type3A_6 = arith.extui %ne3A_5 : i1 to i32
    %cond3A_7 = arith.constant 0 : i32
    %cond3A_8 = arith.cmpi ne, %convert_element_type3A_6, %cond3A_7 : i32
    scf.if %cond3A_8 {
      "tpu.region"() ({
        %run_scoped3A = tpu.sem_alloc : memref<!tpu.dma_semaphore, #tpu.memory_space<semaphore_mem>>
        %dma_start3A_71 = arith.constant 0 : i32
        %dma_start3A_72 = tpu.memref_slice %arg19[%mul3A_2, %dma_start3A_71] : memref<10240x128xf32, #tpu.memory_space<vmem_shared>> -> memref<640x128xf32, #tpu.memory_space<vmem_shared>>
        %dma_start3A_73 = arith.constant 0 : i32
        %dma_start3A_74 = tpu.memref_slice %arg3[%mul3A_2, %dma_start3A_73] : memref<10240x128xf32, #tpu.memory_space<hbm>> -> memref<640x128xf32, #tpu.memory_space<hbm>>
        tpu.enqueue_dma source(%dma_start3A_74 : memref<640x128xf32, #tpu.memory_space<hbm>>) target(%dma_start3A_72 : memref<640x128xf32, #tpu.memory_space<vmem_shared>>) target_semaphore(%run_scoped3A : memref<!tpu.dma_semaphore, #tpu.memory_space<semaphore_mem>>)
        %dma_wait3A_75 = arith.constant 0 : i32
        %dma_wait3A_76 = tpu.memref_slice %arg19[%mul3A_2, %dma_wait3A_75] : memref<10240x128xf32, #tpu.memory_space<vmem_shared>> -> memref<640x128xf32, #tpu.memory_space<vmem_shared>>
        %dma_wait3A_77 = arith.constant 0 : i32
        %dma_wait3A_78 = tpu.memref_slice %arg3[%mul3A_2, %dma_wait3A_77] : memref<10240x128xf32, #tpu.memory_space<hbm>> -> memref<640x128xf32, #tpu.memory_space<hbm>>
        tpu.wait_dma2 semaphore(%run_scoped3A : memref<!tpu.dma_semaphore, #tpu.memory_space<semaphore_mem>>) src(%dma_wait3A_78 : memref<640x128xf32, #tpu.memory_space<hbm>>) dst(%dma_wait3A_76 : memref<640x128xf32, #tpu.memory_space<vmem_shared>>)
        tpu.yield
      }) : () -> ()
    } else {
    }
    %barrier3A = arith.constant 0 : index
    tpu.barrier barrier_id(%barrier3A)
    %mul3A_9 = arith.constant 10000 : i32
    %mul3A_10 = arith.muli %add3A, %mul3A_9 : i32
    %add3A_11 = arith.constant 0 : i32
    %add3A_12 = arith.addi %mul3A_10, %add3A_11 : i32
    "tpu.region"() ({
      %run_scoped3A = tpu.sem_alloc : memref<!tpu.dma_semaphore, #tpu.memory_space<semaphore_mem>>
      %dma_start3A_71 = tpu.memref_slice %arg4[%add3A_12] : memref<320000xi32, #tpu.memory_space<hbm>> -> memref<80xi32, #tpu.memory_space<hbm>>
      %dma_start3A_72 = tpu.memref_slice %arg4[%add3A_12] : memref<320000xi32, #tpu.memory_space<hbm>> -> memref<80xi32, #tpu.memory_space<hbm>>
      tpu.enqueue_dma source(%dma_start3A_72 : memref<80xi32, #tpu.memory_space<hbm>>) target(%arg7 : memref<80xi32, #tpu.memory_space<vmem>>) target_semaphore(%run_scoped3A : memref<!tpu.dma_semaphore, #tpu.memory_space<semaphore_mem>>)
      %dma_wait3A_73 = tpu.memref_slice %arg4[%add3A_12] : memref<320000xi32, #tpu.memory_space<hbm>> -> memref<80xi32, #tpu.memory_space<hbm>>
      %dma_wait3A_74 = tpu.memref_slice %arg4[%add3A_12] : memref<320000xi32, #tpu.memory_space<hbm>> -> memref<80xi32, #tpu.memory_space<hbm>>
      tpu.wait_dma2 semaphore(%run_scoped3A : memref<!tpu.dma_semaphore, #tpu.memory_space<semaphore_mem>>) src(%dma_wait3A_74 : memref<80xi32, #tpu.memory_space<hbm>>) dst(%arg7 : memref<80xi32, #tpu.memory_space<vmem>>)
      tpu.yield
    }) : () -> ()
    %add3A_13 = arith.constant 0 : i32
    %add3A_14 = arith.addi %mul3A_10, %add3A_13 : i32
    "tpu.region"() ({
      %run_scoped3A = tpu.sem_alloc : memref<!tpu.dma_semaphore, #tpu.memory_space<semaphore_mem>>
      %dma_start3A_71 = tpu.memref_slice %arg5[%add3A_14] : memref<320000xi32, #tpu.memory_space<hbm>> -> memref<80xi32, #tpu.memory_space<hbm>>
      %dma_start3A_72 = tpu.memref_slice %arg5[%add3A_14] : memref<320000xi32, #tpu.memory_space<hbm>> -> memref<80xi32, #tpu.memory_space<hbm>>
      tpu.enqueue_dma source(%dma_start3A_72 : memref<80xi32, #tpu.memory_space<hbm>>) target(%arg11 : memref<80xi32, #tpu.memory_space<vmem>>) target_semaphore(%run_scoped3A : memref<!tpu.dma_semaphore, #tpu.memory_space<semaphore_mem>>)
      %dma_wait3A_73 = tpu.memref_slice %arg5[%add3A_14] : memref<320000xi32, #tpu.memory_space<hbm>> -> memref<80xi32, #tpu.memory_space<hbm>>
      %dma_wait3A_74 = tpu.memref_slice %arg5[%add3A_14] : memref<320000xi32, #tpu.memory_space<hbm>> -> memref<80xi32, #tpu.memory_space<hbm>>
      tpu.wait_dma2 semaphore(%run_scoped3A : memref<!tpu.dma_semaphore, #tpu.memory_space<semaphore_mem>>) src(%dma_wait3A_74 : memref<80xi32, #tpu.memory_space<hbm>>) dst(%arg11 : memref<80xi32, #tpu.memory_space<vmem>>)
      tpu.yield
    }) : () -> ()
    %dma_start3A = arith.constant 0 : i32
    %dma_start3A_15 = arith.constant 0 : i32
    %dma_start3A_16 = tpu.memref_slice %arg2[%dma_start3A, %dma_start3A_15] : memref<10240x128xf32, #tpu.memory_space<hbm>> -> memref<10240x128xf32, #tpu.memory_space<hbm>>
    tpu.enqueue_indirect_dma source(%dma_start3A_16 : memref<10240x128xf32, #tpu.memory_space<hbm>>) target(%arg15 : memref<80x128xf32, #tpu.memory_space<vmem>>) offsets(%arg7 : memref<80xi32, #tpu.memory_space<vmem>>) semaphore(%arg20 : memref<!tpu.dma_semaphore, #tpu.memory_space<semaphore_mem>>)
    %dma_wait3A = arith.constant 0 : i32
    %dma_wait3A_17 = arith.constant 0 : i32
    %dma_wait3A_18 = tpu.memref_slice %arg2[%dma_wait3A, %dma_wait3A_17] : memref<10240x128xf32, #tpu.memory_space<hbm>> -> memref<10240x128xf32, #tpu.memory_space<hbm>>
    tpu.wait_indirect_dma semaphore(%arg20 : memref<!tpu.dma_semaphore, #tpu.memory_space<semaphore_mem>>) src(%dma_wait3A_18 : memref<10240x128xf32, #tpu.memory_space<hbm>>) dst(%arg15 : memref<80x128xf32, #tpu.memory_space<vmem>>)
    "tpu.region"() ({
      %run_scoped3A = tpu.sem_alloc : memref<!tpu.dma_semaphore, #tpu.memory_space<semaphore_mem>>
      %dma_start3A_71 = arith.constant 0 : i32
      %dma_start3A_72 = arith.constant 0 : i32
      %dma_start3A_73 = tpu.memref_slice %arg19[%dma_start3A_71, %dma_start3A_72] : memref<10240x128xf32, #tpu.memory_space<vmem_shared>> -> memref<10240x128xf32, #tpu.memory_space<vmem_shared>>
      tpu.enqueue_indirect_dma source(%arg15 : memref<80x128xf32, #tpu.memory_space<vmem>>) target(%dma_start3A_73 : memref<10240x128xf32, #tpu.memory_space<vmem_shared>>) offsets(%arg11 : memref<80xi32, #tpu.memory_space<vmem>>) semaphore(%run_scoped3A : memref<!tpu.dma_semaphore, #tpu.memory_space<semaphore_mem>>) {add = true}
      %dma_wait3A_74 = arith.constant 0 : i32
      %dma_wait3A_75 = arith.constant 0 : i32
      %dma_wait3A_76 = tpu.memref_slice %arg19[%dma_wait3A_74, %dma_wait3A_75] : memref<10240x128xf32, #tpu.memory_space<vmem_shared>> -> memref<10240x128xf32, #tpu.memory_space<vmem_shared>>
      tpu.wait_indirect_dma semaphore(%run_scoped3A : memref<!tpu.dma_semaphore, #tpu.memory_space<semaphore_mem>>) src(%arg15 : memref<80x128xf32, #tpu.memory_space<vmem>>) dst(%dma_wait3A_76 : memref<10240x128xf32, #tpu.memory_space<vmem_shared>>)
      tpu.yield
    }) : () -> ()
    %add3A_19 = arith.constant 80 : i32
    %add3A_20 = arith.addi %mul3A_10, %add3A_19 : i32
    "tpu.region"() ({
      %run_scoped3A = tpu.sem_alloc : memref<!tpu.dma_semaphore, #tpu.memory_space<semaphore_mem>>
      %dma_start3A_71 = tpu.memref_slice %arg4[%add3A_20] : memref<320000xi32, #tpu.memory_space<hbm>> -> memref<80xi32, #tpu.memory_space<hbm>>
      %dma_start3A_72 = tpu.memref_slice %arg4[%add3A_20] : memref<320000xi32, #tpu.memory_space<hbm>> -> memref<80xi32, #tpu.memory_space<hbm>>
      tpu.enqueue_dma source(%dma_start3A_72 : memref<80xi32, #tpu.memory_space<hbm>>) target(%arg7 : memref<80xi32, #tpu.memory_space<vmem>>) target_semaphore(%run_scoped3A : memref<!tpu.dma_semaphore, #tpu.memory_space<semaphore_mem>>)
      %dma_wait3A_73 = tpu.memref_slice %arg4[%add3A_20] : memref<320000xi32, #tpu.memory_space<hbm>> -> memref<80xi32, #tpu.memory_space<hbm>>
      %dma_wait3A_74 = tpu.memref_slice %arg4[%add3A_20] : memref<320000xi32, #tpu.memory_space<hbm>> -> memref<80xi32, #tpu.memory_space<hbm>>
      tpu.wait_dma2 semaphore(%run_scoped3A : memref<!tpu.dma_semaphore, #tpu.memory_space<semaphore_mem>>) src(%dma_wait3A_74 : memref<80xi32, #tpu.memory_space<hbm>>) dst(%arg7 : memref<80xi32, #tpu.memory_space<vmem>>)
      tpu.yield
    }) : () -> ()
    %add3A_21 = arith.constant 80 : i32
    %add3A_22 = arith.addi %mul3A_10, %add3A_21 : i32
    "tpu.region"() ({
      %run_scoped3A = tpu.sem_alloc : memref<!tpu.dma_semaphore, #tpu.memory_space<semaphore_mem>>
      %dma_start3A_71 = tpu.memref_slice %arg5[%add3A_22] : memref<320000xi32, #tpu.memory_space<hbm>> -> memref<80xi32, #tpu.memory_space<hbm>>
      %dma_start3A_72 = tpu.memref_slice %arg5[%add3A_22] : memref<320000xi32, #tpu.memory_space<hbm>> -> memref<80xi32, #tpu.memory_space<hbm>>
      tpu.enqueue_dma source(%dma_start3A_72 : memref<80xi32, #tpu.memory_space<hbm>>) target(%arg11 : memref<80xi32, #tpu.memory_space<vmem>>) target_semaphore(%run_scoped3A : memref<!tpu.dma_semaphore, #tpu.memory_space<semaphore_mem>>)
      %dma_wait3A_73 = tpu.memref_slice %arg5[%add3A_22] : memref<320000xi32, #tpu.memory_space<hbm>> -> memref<80xi32, #tpu.memory_space<hbm>>
      %dma_wait3A_74 = tpu.memref_slice %arg5[%add3A_22] : memref<320000xi32, #tpu.memory_space<hbm>> -> memref<80xi32, #tpu.memory_space<hbm>>
      tpu.wait_dma2 semaphore(%run_scoped3A : memref<!tpu.dma_semaphore, #tpu.memory_space<semaphore_mem>>) src(%dma_wait3A_74 : memref<80xi32, #tpu.memory_space<hbm>>) dst(%arg11 : memref<80xi32, #tpu.memory_space<vmem>>)
      tpu.yield
    }) : () -> ()
    %dma_start3A_23 = arith.constant 0 : i32
    %dma_start3A_24 = arith.constant 0 : i32
    %dma_start3A_25 = tpu.memref_slice %arg2[%dma_start3A_23, %dma_start3A_24] : memref<10240x128xf32, #tpu.memory_space<hbm>> -> memref<10240x128xf32, #tpu.memory_space<hbm>>
    tpu.enqueue_indirect_dma source(%dma_start3A_25 : memref<10240x128xf32, #tpu.memory_space<hbm>>) target(%arg15 : memref<80x128xf32, #tpu.memory_space<vmem>>) offsets(%arg7 : memref<80xi32, #tpu.memory_space<vmem>>) semaphore(%arg20 : memref<!tpu.dma_semaphore, #tpu.memory_space<semaphore_mem>>)
    %add3A_26 = arith.constant 160 : i32
    %add3A_27 = arith.addi %mul3A_10, %add3A_26 : i32
    "tpu.region"() ({
      %run_scoped3A = tpu.sem_alloc : memref<!tpu.dma_semaphore, #tpu.memory_space<semaphore_mem>>
      %dma_start3A_71 = tpu.memref_slice %arg4[%add3A_27] : memref<320000xi32, #tpu.memory_space<hbm>> -> memref<80xi32, #tpu.memory_space<hbm>>
      %dma_start3A_72 = tpu.memref_slice %arg4[%add3A_27] : memref<320000xi32, #tpu.memory_space<hbm>> -> memref<80xi32, #tpu.memory_space<hbm>>
      tpu.enqueue_dma source(%dma_start3A_72 : memref<80xi32, #tpu.memory_space<hbm>>) target(%arg8 : memref<80xi32, #tpu.memory_space<vmem>>) target_semaphore(%run_scoped3A : memref<!tpu.dma_semaphore, #tpu.memory_space<semaphore_mem>>)
      %dma_wait3A_73 = tpu.memref_slice %arg4[%add3A_27] : memref<320000xi32, #tpu.memory_space<hbm>> -> memref<80xi32, #tpu.memory_space<hbm>>
      %dma_wait3A_74 = tpu.memref_slice %arg4[%add3A_27] : memref<320000xi32, #tpu.memory_space<hbm>> -> memref<80xi32, #tpu.memory_space<hbm>>
      tpu.wait_dma2 semaphore(%run_scoped3A : memref<!tpu.dma_semaphore, #tpu.memory_space<semaphore_mem>>) src(%dma_wait3A_74 : memref<80xi32, #tpu.memory_space<hbm>>) dst(%arg8 : memref<80xi32, #tpu.memory_space<vmem>>)
      tpu.yield
    }) : () -> ()
    %add3A_28 = arith.constant 160 : i32
    %add3A_29 = arith.addi %mul3A_10, %add3A_28 : i32
    "tpu.region"() ({
      %run_scoped3A = tpu.sem_alloc : memref<!tpu.dma_semaphore, #tpu.memory_space<semaphore_mem>>
      %dma_start3A_71 = tpu.memref_slice %arg5[%add3A_29] : memref<320000xi32, #tpu.memory_space<hbm>> -> memref<80xi32, #tpu.memory_space<hbm>>
      %dma_start3A_72 = tpu.memref_slice %arg5[%add3A_29] : memref<320000xi32, #tpu.memory_space<hbm>> -> memref<80xi32, #tpu.memory_space<hbm>>
      tpu.enqueue_dma source(%dma_start3A_72 : memref<80xi32, #tpu.memory_space<hbm>>) target(%arg12 : memref<80xi32, #tpu.memory_space<vmem>>) target_semaphore(%run_scoped3A : memref<!tpu.dma_semaphore, #tpu.memory_space<semaphore_mem>>)
      %dma_wait3A_73 = tpu.memref_slice %arg5[%add3A_29] : memref<320000xi32, #tpu.memory_space<hbm>> -> memref<80xi32, #tpu.memory_space<hbm>>
      %dma_wait3A_74 = tpu.memref_slice %arg5[%add3A_29] : memref<320000xi32, #tpu.memory_space<hbm>> -> memref<80xi32, #tpu.memory_space<hbm>>
      tpu.wait_dma2 semaphore(%run_scoped3A : memref<!tpu.dma_semaphore, #tpu.memory_space<semaphore_mem>>) src(%dma_wait3A_74 : memref<80xi32, #tpu.memory_space<hbm>>) dst(%arg12 : memref<80xi32, #tpu.memory_space<vmem>>)
      tpu.yield
    }) : () -> ()
    %dma_start3A_30 = arith.constant 0 : i32
    %dma_start3A_31 = arith.constant 0 : i32
    %dma_start3A_32 = tpu.memref_slice %arg2[%dma_start3A_30, %dma_start3A_31] : memref<10240x128xf32, #tpu.memory_space<hbm>> -> memref<10240x128xf32, #tpu.memory_space<hbm>>
    tpu.enqueue_indirect_dma source(%dma_start3A_32 : memref<10240x128xf32, #tpu.memory_space<hbm>>) target(%arg16 : memref<80x128xf32, #tpu.memory_space<vmem>>) offsets(%arg8 : memref<80xi32, #tpu.memory_space<vmem>>) semaphore(%arg21 : memref<!tpu.dma_semaphore, #tpu.memory_space<semaphore_mem>>)
    %add3A_33 = arith.constant 240 : i32
    %add3A_34 = arith.addi %mul3A_10, %add3A_33 : i32
    "tpu.region"() ({
      %run_scoped3A = tpu.sem_alloc : memref<!tpu.dma_semaphore, #tpu.memory_space<semaphore_mem>>
      %dma_start3A_71 = tpu.memref_slice %arg4[%add3A_34] : memref<320000xi32, #tpu.memory_space<hbm>> -> memref<80xi32, #tpu.memory_space<hbm>>
      %dma_start3A_72 = tpu.memref_slice %arg4[%add3A_34] : memref<320000xi32, #tpu.memory_space<hbm>> -> memref<80xi32, #tpu.memory_space<hbm>>
      tpu.enqueue_dma source(%dma_start3A_72 : memref<80xi32, #tpu.memory_space<hbm>>) target(%arg9 : memref<80xi32, #tpu.memory_space<vmem>>) target_semaphore(%run_scoped3A : memref<!tpu.dma_semaphore, #tpu.memory_space<semaphore_mem>>)
      %dma_wait3A_73 = tpu.memref_slice %arg4[%add3A_34] : memref<320000xi32, #tpu.memory_space<hbm>> -> memref<80xi32, #tpu.memory_space<hbm>>
      %dma_wait3A_74 = tpu.memref_slice %arg4[%add3A_34] : memref<320000xi32, #tpu.memory_space<hbm>> -> memref<80xi32, #tpu.memory_space<hbm>>
      tpu.wait_dma2 semaphore(%run_scoped3A : memref<!tpu.dma_semaphore, #tpu.memory_space<semaphore_mem>>) src(%dma_wait3A_74 : memref<80xi32, #tpu.memory_space<hbm>>) dst(%arg9 : memref<80xi32, #tpu.memory_space<vmem>>)
      tpu.yield
    }) : () -> ()
    %add3A_35 = arith.constant 240 : i32
    %add3A_36 = arith.addi %mul3A_10, %add3A_35 : i32
    "tpu.region"() ({
      %run_scoped3A = tpu.sem_alloc : memref<!tpu.dma_semaphore, #tpu.memory_space<semaphore_mem>>
      %dma_start3A_71 = tpu.memref_slice %arg5[%add3A_36] : memref<320000xi32, #tpu.memory_space<hbm>> -> memref<80xi32, #tpu.memory_space<hbm>>
      %dma_start3A_72 = tpu.memref_slice %arg5[%add3A_36] : memref<320000xi32, #tpu.memory_space<hbm>> -> memref<80xi32, #tpu.memory_space<hbm>>
      tpu.enqueue_dma source(%dma_start3A_72 : memref<80xi32, #tpu.memory_space<hbm>>) target(%arg13 : memref<80xi32, #tpu.memory_space<vmem>>) target_semaphore(%run_scoped3A : memref<!tpu.dma_semaphore, #tpu.memory_space<semaphore_mem>>)
      %dma_wait3A_73 = tpu.memref_slice %arg5[%add3A_36] : memref<320000xi32, #tpu.memory_space<hbm>> -> memref<80xi32, #tpu.memory_space<hbm>>
      %dma_wait3A_74 = tpu.memref_slice %arg5[%add3A_36] : memref<320000xi32, #tpu.memory_space<hbm>> -> memref<80xi32, #tpu.memory_space<hbm>>
      tpu.wait_dma2 semaphore(%run_scoped3A : memref<!tpu.dma_semaphore, #tpu.memory_space<semaphore_mem>>) src(%dma_wait3A_74 : memref<80xi32, #tpu.memory_space<hbm>>) dst(%arg13 : memref<80xi32, #tpu.memory_space<vmem>>)
      tpu.yield
    }) : () -> ()
    %dma_start3A_37 = arith.constant 0 : i32
    %dma_start3A_38 = arith.constant 0 : i32
    %dma_start3A_39 = tpu.memref_slice %arg2[%dma_start3A_37, %dma_start3A_38] : memref<10240x128xf32, #tpu.memory_space<hbm>> -> memref<10240x128xf32, #tpu.memory_space<hbm>>
    tpu.enqueue_indirect_dma source(%dma_start3A_39 : memref<10240x128xf32, #tpu.memory_space<hbm>>) target(%arg17 : memref<80x128xf32, #tpu.memory_space<vmem>>) offsets(%arg9 : memref<80xi32, #tpu.memory_space<vmem>>) semaphore(%arg22 : memref<!tpu.dma_semaphore, #tpu.memory_space<semaphore_mem>>)
    %add3A_40 = arith.constant 320 : i32
    %add3A_41 = arith.addi %mul3A_10, %add3A_40 : i32
    "tpu.region"() ({
      %run_scoped3A = tpu.sem_alloc : memref<!tpu.dma_semaphore, #tpu.memory_space<semaphore_mem>>
      %dma_start3A_71 = tpu.memref_slice %arg4[%add3A_41] : memref<320000xi32, #tpu.memory_space<hbm>> -> memref<80xi32, #tpu.memory_space<hbm>>
      %dma_start3A_72 = tpu.memref_slice %arg4[%add3A_41] : memref<320000xi32, #tpu.memory_space<hbm>> -> memref<80xi32, #tpu.memory_space<hbm>>
      tpu.enqueue_dma source(%dma_start3A_72 : memref<80xi32, #tpu.memory_space<hbm>>) target(%arg10 : memref<80xi32, #tpu.memory_space<vmem>>) target_semaphore(%run_scoped3A : memref<!tpu.dma_semaphore, #tpu.memory_space<semaphore_mem>>)
      %dma_wait3A_73 = tpu.memref_slice %arg4[%add3A_41] : memref<320000xi32, #tpu.memory_space<hbm>> -> memref<80xi32, #tpu.memory_space<hbm>>
      %dma_wait3A_74 = tpu.memref_slice %arg4[%add3A_41] : memref<320000xi32, #tpu.memory_space<hbm>> -> memref<80xi32, #tpu.memory_space<hbm>>
      tpu.wait_dma2 semaphore(%run_scoped3A : memref<!tpu.dma_semaphore, #tpu.memory_space<semaphore_mem>>) src(%dma_wait3A_74 : memref<80xi32, #tpu.memory_space<hbm>>) dst(%arg10 : memref<80xi32, #tpu.memory_space<vmem>>)
      tpu.yield
    }) : () -> ()
    %add3A_42 = arith.constant 320 : i32
    %add3A_43 = arith.addi %mul3A_10, %add3A_42 : i32
    "tpu.region"() ({
      %run_scoped3A = tpu.sem_alloc : memref<!tpu.dma_semaphore, #tpu.memory_space<semaphore_mem>>
      %dma_start3A_71 = tpu.memref_slice %arg5[%add3A_43] : memref<320000xi32, #tpu.memory_space<hbm>> -> memref<80xi32, #tpu.memory_space<hbm>>
      %dma_start3A_72 = tpu.memref_slice %arg5[%add3A_43] : memref<320000xi32, #tpu.memory_space<hbm>> -> memref<80xi32, #tpu.memory_space<hbm>>
      tpu.enqueue_dma source(%dma_start3A_72 : memref<80xi32, #tpu.memory_space<hbm>>) target(%arg14 : memref<80xi32, #tpu.memory_space<vmem>>) target_semaphore(%run_scoped3A : memref<!tpu.dma_semaphore, #tpu.memory_space<semaphore_mem>>)
      %dma_wait3A_73 = tpu.memref_slice %arg5[%add3A_43] : memref<320000xi32, #tpu.memory_space<hbm>> -> memref<80xi32, #tpu.memory_space<hbm>>
      %dma_wait3A_74 = tpu.memref_slice %arg5[%add3A_43] : memref<320000xi32, #tpu.memory_space<hbm>> -> memref<80xi32, #tpu.memory_space<hbm>>
      tpu.wait_dma2 semaphore(%run_scoped3A : memref<!tpu.dma_semaphore, #tpu.memory_space<semaphore_mem>>) src(%dma_wait3A_74 : memref<80xi32, #tpu.memory_space<hbm>>) dst(%arg14 : memref<80xi32, #tpu.memory_space<vmem>>)
      tpu.yield
    }) : () -> ()
    %dma_start3A_44 = arith.constant 0 : i32
    %dma_start3A_45 = arith.constant 0 : i32
    %dma_start3A_46 = tpu.memref_slice %arg2[%dma_start3A_44, %dma_start3A_45] : memref<10240x128xf32, #tpu.memory_space<hbm>> -> memref<10240x128xf32, #tpu.memory_space<hbm>>
    tpu.enqueue_indirect_dma source(%dma_start3A_46 : memref<10240x128xf32, #tpu.memory_space<hbm>>) target(%arg18 : memref<80x128xf32, #tpu.memory_space<vmem>>) offsets(%arg10 : memref<80xi32, #tpu.memory_space<vmem>>) semaphore(%arg23 : memref<!tpu.dma_semaphore, #tpu.memory_space<semaphore_mem>>)
    %scan3A = arith.constant 0 : i32
    %scan3A_47 = arith.constant 0 : i32
    %scan3A_48 = arith.constant 31 : i32
    %scan3A_49 = arith.addi %scan3A_47, %scan3A_48 : i32
    %scan3A_50 = arith.constant 1 : i32
    %scan3A_51 = scf.for %scan3A_71 = %scan3A_47 to %scan3A_49 step %scan3A_50 iter_args(%scan3A_72 = %scan3A) -> (i32)  : i32 {
      %mul3A_73 = arith.constant 4 : i32
      %mul3A_74 = arith.muli %mul3A_73, %scan3A_71 : i32
      %add3A_75 = arith.constant 1 : i32
      %add3A_76 = arith.addi %add3A_75, %mul3A_74 : i32
      %dma_wait3A_77 = arith.constant 0 : i32
      %dma_wait3A_78 = arith.constant 0 : i32
      %dma_wait3A_79 = tpu.memref_slice %arg2[%dma_wait3A_77, %dma_wait3A_78] : memref<10240x128xf32, #tpu.memory_space<hbm>> -> memref<10240x128xf32, #tpu.memory_space<hbm>>
      tpu.wait_indirect_dma semaphore(%arg20 : memref<!tpu.dma_semaphore, #tpu.memory_space<semaphore_mem>>) src(%dma_wait3A_79 : memref<10240x128xf32, #tpu.memory_space<hbm>>) dst(%arg15 : memref<80x128xf32, #tpu.memory_space<vmem>>)
      %dma_start3A_80 = arith.constant 0 : i32
      %dma_start3A_81 = arith.constant 0 : i32
      %dma_start3A_82 = tpu.memref_slice %arg19[%dma_start3A_80, %dma_start3A_81] : memref<10240x128xf32, #tpu.memory_space<vmem_shared>> -> memref<10240x128xf32, #tpu.memory_space<vmem_shared>>
      tpu.enqueue_indirect_dma source(%arg15 : memref<80x128xf32, #tpu.memory_space<vmem>>) target(%dma_start3A_82 : memref<10240x128xf32, #tpu.memory_space<vmem_shared>>) offsets(%arg11 : memref<80xi32, #tpu.memory_space<vmem>>) semaphore(%arg24 : memref<!tpu.dma_semaphore, #tpu.memory_space<semaphore_mem>>) {add = true}
      %dma_wait3A_83 = arith.constant 0 : i32
      %dma_wait3A_84 = arith.constant 0 : i32
      %dma_wait3A_85 = tpu.memref_slice %arg2[%dma_wait3A_83, %dma_wait3A_84] : memref<10240x128xf32, #tpu.memory_space<hbm>> -> memref<10240x128xf32, #tpu.memory_space<hbm>>
      tpu.wait_indirect_dma semaphore(%arg21 : memref<!tpu.dma_semaphore, #tpu.memory_space<semaphore_mem>>) src(%dma_wait3A_85 : memref<10240x128xf32, #tpu.memory_space<hbm>>) dst(%arg16 : memref<80x128xf32, #tpu.memory_space<vmem>>)
      %dma_start3A_86 = arith.constant 0 : i32
      %dma_start3A_87 = arith.constant 0 : i32
      %dma_start3A_88 = tpu.memref_slice %arg19[%dma_start3A_86, %dma_start3A_87] : memref<10240x128xf32, #tpu.memory_space<vmem_shared>> -> memref<10240x128xf32, #tpu.memory_space<vmem_shared>>
      tpu.enqueue_indirect_dma source(%arg16 : memref<80x128xf32, #tpu.memory_space<vmem>>) target(%dma_start3A_88 : memref<10240x128xf32, #tpu.memory_space<vmem_shared>>) offsets(%arg12 : memref<80xi32, #tpu.memory_space<vmem>>) semaphore(%arg25 : memref<!tpu.dma_semaphore, #tpu.memory_space<semaphore_mem>>) {add = true}
      %dma_wait3A_89 = arith.constant 0 : i32
      %dma_wait3A_90 = arith.constant 0 : i32
      %dma_wait3A_91 = tpu.memref_slice %arg2[%dma_wait3A_89, %dma_wait3A_90] : memref<10240x128xf32, #tpu.memory_space<hbm>> -> memref<10240x128xf32, #tpu.memory_space<hbm>>
      tpu.wait_indirect_dma semaphore(%arg22 : memref<!tpu.dma_semaphore, #tpu.memory_space<semaphore_mem>>) src(%dma_wait3A_91 : memref<10240x128xf32, #tpu.memory_space<hbm>>) dst(%arg17 : memref<80x128xf32, #tpu.memory_space<vmem>>)
      %dma_start3A_92 = arith.constant 0 : i32
      %dma_start3A_93 = arith.constant 0 : i32
      %dma_start3A_94 = tpu.memref_slice %arg19[%dma_start3A_92, %dma_start3A_93] : memref<10240x128xf32, #tpu.memory_space<vmem_shared>> -> memref<10240x128xf32, #tpu.memory_space<vmem_shared>>
      tpu.enqueue_indirect_dma source(%arg17 : memref<80x128xf32, #tpu.memory_space<vmem>>) target(%dma_start3A_94 : memref<10240x128xf32, #tpu.memory_space<vmem_shared>>) offsets(%arg13 : memref<80xi32, #tpu.memory_space<vmem>>) semaphore(%arg26 : memref<!tpu.dma_semaphore, #tpu.memory_space<semaphore_mem>>) {add = true}
      %dma_wait3A_95 = arith.constant 0 : i32
      %dma_wait3A_96 = arith.constant 0 : i32
      %dma_wait3A_97 = tpu.memref_slice %arg2[%dma_wait3A_95, %dma_wait3A_96] : memref<10240x128xf32, #tpu.memory_space<hbm>> -> memref<10240x128xf32, #tpu.memory_space<hbm>>
      tpu.wait_indirect_dma semaphore(%arg23 : memref<!tpu.dma_semaphore, #tpu.memory_space<semaphore_mem>>) src(%dma_wait3A_97 : memref<10240x128xf32, #tpu.memory_space<hbm>>) dst(%arg18 : memref<80x128xf32, #tpu.memory_space<vmem>>)
      %dma_start3A_98 = arith.constant 0 : i32
      %dma_start3A_99 = arith.constant 0 : i32
      %dma_start3A_100 = tpu.memref_slice %arg19[%dma_start3A_98, %dma_start3A_99] : memref<10240x128xf32, #tpu.memory_space<vmem_shared>> -> memref<10240x128xf32, #tpu.memory_space<vmem_shared>>
      tpu.enqueue_indirect_dma source(%arg18 : memref<80x128xf32, #tpu.memory_space<vmem>>) target(%dma_start3A_100 : memref<10240x128xf32, #tpu.memory_space<vmem_shared>>) offsets(%arg14 : memref<80xi32, #tpu.memory_space<vmem>>) semaphore(%arg27 : memref<!tpu.dma_semaphore, #tpu.memory_space<semaphore_mem>>) {add = true}
      %add3A_101 = arith.constant 0 : i32
      %add3A_102 = arith.addi %add3A_76, %add3A_101 : i32
      %add3A_103 = arith.constant 4 : i32
      %add3A_104 = arith.addi %add3A_102, %add3A_103 : i32
      %lt3A = arith.constant 125 : i32
      %lt3A_105 = arith.cmpi slt, %add3A_104, %lt3A : i32
      %convert_element_type3A_106 = arith.extui %lt3A_105 : i1 to i32
      %cond3A_107 = arith.constant 0 : i32
      %cond3A_108 = arith.cmpi ne, %convert_element_type3A_106, %cond3A_107 : i32
      scf.if %cond3A_108 {
        %dma_wait3A_137 = arith.constant 0 : i32
        %dma_wait3A_138 = arith.constant 0 : i32
        %dma_wait3A_139 = tpu.memref_slice %arg19[%dma_wait3A_137, %dma_wait3A_138] : memref<10240x128xf32, #tpu.memory_space<vmem_shared>> -> memref<10240x128xf32, #tpu.memory_space<vmem_shared>>
        tpu.wait_indirect_dma semaphore(%arg24 : memref<!tpu.dma_semaphore, #tpu.memory_space<semaphore_mem>>) src(%arg15 : memref<80x128xf32, #tpu.memory_space<vmem>>) dst(%dma_wait3A_139 : memref<10240x128xf32, #tpu.memory_space<vmem_shared>>)
        %add3A_140 = arith.constant 0 : i32
        %add3A_141 = arith.addi %add3A_76, %add3A_140 : i32
        %add3A_142 = arith.constant 4 : i32
        %add3A_143 = arith.addi %add3A_141, %add3A_142 : i32
        %mul3A_144 = arith.constant 80 : i32
        %mul3A_145 = arith.muli %add3A_143, %mul3A_144 : i32
        %add3A_146 = arith.addi %mul3A_10, %mul3A_145 : i32
        "tpu.region"() ({
          %run_scoped3A = tpu.sem_alloc : memref<!tpu.dma_semaphore, #tpu.memory_space<semaphore_mem>>
          %dma_start3A_157 = tpu.memref_slice %arg4[%add3A_146] : memref<320000xi32, #tpu.memory_space<hbm>> -> memref<80xi32, #tpu.memory_space<hbm>>
          %dma_start3A_158 = tpu.memref_slice %arg4[%add3A_146] : memref<320000xi32, #tpu.memory_space<hbm>> -> memref<80xi32, #tpu.memory_space<hbm>>
          tpu.enqueue_dma source(%dma_start3A_158 : memref<80xi32, #tpu.memory_space<hbm>>) target(%arg7 : memref<80xi32, #tpu.memory_space<vmem>>) target_semaphore(%run_scoped3A : memref<!tpu.dma_semaphore, #tpu.memory_space<semaphore_mem>>)
          %dma_wait3A_159 = tpu.memref_slice %arg4[%add3A_146] : memref<320000xi32, #tpu.memory_space<hbm>> -> memref<80xi32, #tpu.memory_space<hbm>>
          %dma_wait3A_160 = tpu.memref_slice %arg4[%add3A_146] : memref<320000xi32, #tpu.memory_space<hbm>> -> memref<80xi32, #tpu.memory_space<hbm>>
          tpu.wait_dma2 semaphore(%run_scoped3A : memref<!tpu.dma_semaphore, #tpu.memory_space<semaphore_mem>>) src(%dma_wait3A_160 : memref<80xi32, #tpu.memory_space<hbm>>) dst(%arg7 : memref<80xi32, #tpu.memory_space<vmem>>)
          tpu.yield
        }) : () -> ()
        %add3A_147 = arith.constant 0 : i32
        %add3A_148 = arith.addi %add3A_76, %add3A_147 : i32
        %add3A_149 = arith.constant 4 : i32
        %add3A_150 = arith.addi %add3A_148, %add3A_149 : i32
        %mul3A_151 = arith.constant 80 : i32
        %mul3A_152 = arith.muli %add3A_150, %mul3A_151 : i32
        %add3A_153 = arith.addi %mul3A_10, %mul3A_152 : i32
        "tpu.region"() ({
          %run_scoped3A = tpu.sem_alloc : memref<!tpu.dma_semaphore, #tpu.memory_space<semaphore_mem>>
          %dma_start3A_157 = tpu.memref_slice %arg5[%add3A_153] : memref<320000xi32, #tpu.memory_space<hbm>> -> memref<80xi32, #tpu.memory_space<hbm>>
          %dma_start3A_158 = tpu.memref_slice %arg5[%add3A_153] : memref<320000xi32, #tpu.memory_space<hbm>> -> memref<80xi32, #tpu.memory_space<hbm>>
          tpu.enqueue_dma source(%dma_start3A_158 : memref<80xi32, #tpu.memory_space<hbm>>) target(%arg11 : memref<80xi32, #tpu.memory_space<vmem>>) target_semaphore(%run_scoped3A : memref<!tpu.dma_semaphore, #tpu.memory_space<semaphore_mem>>)
          %dma_wait3A_159 = tpu.memref_slice %arg5[%add3A_153] : memref<320000xi32, #tpu.memory_space<hbm>> -> memref<80xi32, #tpu.memory_space<hbm>>
          %dma_wait3A_160 = tpu.memref_slice %arg5[%add3A_153] : memref<320000xi32, #tpu.memory_space<hbm>> -> memref<80xi32, #tpu.memory_space<hbm>>
          tpu.wait_dma2 semaphore(%run_scoped3A : memref<!tpu.dma_semaphore, #tpu.memory_space<semaphore_mem>>) src(%dma_wait3A_160 : memref<80xi32, #tpu.memory_space<hbm>>) dst(%arg11 : memref<80xi32, #tpu.memory_space<vmem>>)
          tpu.yield
        }) : () -> ()
        %dma_start3A_154 = arith.constant 0 : i32
        %dma_start3A_155 = arith.constant 0 : i32
        %dma_start3A_156 = tpu.memref_slice %arg2[%dma_start3A_154, %dma_start3A_155] : memref<10240x128xf32, #tpu.memory_space<hbm>> -> memref<10240x128xf32, #tpu.memory_space<hbm>>
        tpu.enqueue_indirect_dma source(%dma_start3A_156 : memref<10240x128xf32, #tpu.memory_space<hbm>>) target(%arg15 : memref<80x128xf32, #tpu.memory_space<vmem>>) offsets(%arg7 : memref<80xi32, #tpu.memory_space<vmem>>) semaphore(%arg20 : memref<!tpu.dma_semaphore, #tpu.memory_space<semaphore_mem>>)
      } else {
      }
      %add3A_109 = arith.constant 1 : i32
      %add3A_110 = arith.addi %add3A_76, %add3A_109 : i32
      %add3A_111 = arith.constant 4 : i32
      %add3A_112 = arith.addi %add3A_110, %add3A_111 : i32
      %lt3A_113 = arith.constant 125 : i32
      %lt3A_114 = arith.cmpi slt, %add3A_112, %lt3A_113 : i32
      %convert_element_type3A_115 = arith.extui %lt3A_114 : i1 to i32
      %cond3A_116 = arith.constant 0 : i32
      %cond3A_117 = arith.cmpi ne, %convert_element_type3A_115, %cond3A_116 : i32
      scf.if %cond3A_117 {
        %dma_wait3A_137 = arith.constant 0 : i32
        %dma_wait3A_138 = arith.constant 0 : i32
        %dma_wait3A_139 = tpu.memref_slice %arg19[%dma_wait3A_137, %dma_wait3A_138] : memref<10240x128xf32, #tpu.memory_space<vmem_shared>> -> memref<10240x128xf32, #tpu.memory_space<vmem_shared>>
        tpu.wait_indirect_dma semaphore(%arg25 : memref<!tpu.dma_semaphore, #tpu.memory_space<semaphore_mem>>) src(%arg16 : memref<80x128xf32, #tpu.memory_space<vmem>>) dst(%dma_wait3A_139 : memref<10240x128xf32, #tpu.memory_space<vmem_shared>>)
        %add3A_140 = arith.constant 1 : i32
        %add3A_141 = arith.addi %add3A_76, %add3A_140 : i32
        %add3A_142 = arith.constant 4 : i32
        %add3A_143 = arith.addi %add3A_141, %add3A_142 : i32
        %mul3A_144 = arith.constant 80 : i32
        %mul3A_145 = arith.muli %add3A_143, %mul3A_144 : i32
        %add3A_146 = arith.addi %mul3A_10, %mul3A_145 : i32
        "tpu.region"() ({
          %run_scoped3A = tpu.sem_alloc : memref<!tpu.dma_semaphore, #tpu.memory_space<semaphore_mem>>
          %dma_start3A_157 = tpu.memref_slice %arg4[%add3A_146] : memref<320000xi32, #tpu.memory_space<hbm>> -> memref<80xi32, #tpu.memory_space<hbm>>
          %dma_start3A_158 = tpu.memref_slice %arg4[%add3A_146] : memref<320000xi32, #tpu.memory_space<hbm>> -> memref<80xi32, #tpu.memory_space<hbm>>
          tpu.enqueue_dma source(%dma_start3A_158 : memref<80xi32, #tpu.memory_space<hbm>>) target(%arg8 : memref<80xi32, #tpu.memory_space<vmem>>) target_semaphore(%run_scoped3A : memref<!tpu.dma_semaphore, #tpu.memory_space<semaphore_mem>>)
          %dma_wait3A_159 = tpu.memref_slice %arg4[%add3A_146] : memref<320000xi32, #tpu.memory_space<hbm>> -> memref<80xi32, #tpu.memory_space<hbm>>
          %dma_wait3A_160 = tpu.memref_slice %arg4[%add3A_146] : memref<320000xi32, #tpu.memory_space<hbm>> -> memref<80xi32, #tpu.memory_space<hbm>>
          tpu.wait_dma2 semaphore(%run_scoped3A : memref<!tpu.dma_semaphore, #tpu.memory_space<semaphore_mem>>) src(%dma_wait3A_160 : memref<80xi32, #tpu.memory_space<hbm>>) dst(%arg8 : memref<80xi32, #tpu.memory_space<vmem>>)
          tpu.yield
        }) : () -> ()
        %add3A_147 = arith.constant 1 : i32
        %add3A_148 = arith.addi %add3A_76, %add3A_147 : i32
        %add3A_149 = arith.constant 4 : i32
        %add3A_150 = arith.addi %add3A_148, %add3A_149 : i32
        %mul3A_151 = arith.constant 80 : i32
        %mul3A_152 = arith.muli %add3A_150, %mul3A_151 : i32
        %add3A_153 = arith.addi %mul3A_10, %mul3A_152 : i32
        "tpu.region"() ({
          %run_scoped3A = tpu.sem_alloc : memref<!tpu.dma_semaphore, #tpu.memory_space<semaphore_mem>>
          %dma_start3A_157 = tpu.memref_slice %arg5[%add3A_153] : memref<320000xi32, #tpu.memory_space<hbm>> -> memref<80xi32, #tpu.memory_space<hbm>>
          %dma_start3A_158 = tpu.memref_slice %arg5[%add3A_153] : memref<320000xi32, #tpu.memory_space<hbm>> -> memref<80xi32, #tpu.memory_space<hbm>>
          tpu.enqueue_dma source(%dma_start3A_158 : memref<80xi32, #tpu.memory_space<hbm>>) target(%arg12 : memref<80xi32, #tpu.memory_space<vmem>>) target_semaphore(%run_scoped3A : memref<!tpu.dma_semaphore, #tpu.memory_space<semaphore_mem>>)
          %dma_wait3A_159 = tpu.memref_slice %arg5[%add3A_153] : memref<320000xi32, #tpu.memory_space<hbm>> -> memref<80xi32, #tpu.memory_space<hbm>>
          %dma_wait3A_160 = tpu.memref_slice %arg5[%add3A_153] : memref<320000xi32, #tpu.memory_space<hbm>> -> memref<80xi32, #tpu.memory_space<hbm>>
          tpu.wait_dma2 semaphore(%run_scoped3A : memref<!tpu.dma_semaphore, #tpu.memory_space<semaphore_mem>>) src(%dma_wait3A_160 : memref<80xi32, #tpu.memory_space<hbm>>) dst(%arg12 : memref<80xi32, #tpu.memory_space<vmem>>)
          tpu.yield
        }) : () -> ()
        %dma_start3A_154 = arith.constant 0 : i32
        %dma_start3A_155 = arith.constant 0 : i32
        %dma_start3A_156 = tpu.memref_slice %arg2[%dma_start3A_154, %dma_start3A_155] : memref<10240x128xf32, #tpu.memory_space<hbm>> -> memref<10240x128xf32, #tpu.memory_space<hbm>>
        tpu.enqueue_indirect_dma source(%dma_start3A_156 : memref<10240x128xf32, #tpu.memory_space<hbm>>) target(%arg16 : memref<80x128xf32, #tpu.memory_space<vmem>>) offsets(%arg8 : memref<80xi32, #tpu.memory_space<vmem>>) semaphore(%arg21 : memref<!tpu.dma_semaphore, #tpu.memory_space<semaphore_mem>>)
      } else {
      }
      %add3A_118 = arith.constant 2 : i32
      %add3A_119 = arith.addi %add3A_76, %add3A_118 : i32
      %add3A_120 = arith.constant 4 : i32
      %add3A_121 = arith.addi %add3A_119, %add3A_120 : i32
      %lt3A_122 = arith.constant 125 : i32
      %lt3A_123 = arith.cmpi slt, %add3A_121, %lt3A_122 : i32
      %convert_element_type3A_124 = arith.extui %lt3A_123 : i1 to i32
      %cond3A_125 = arith.constant 0 : i32
      %cond3A_126 = arith.cmpi ne, %convert_element_type3A_124, %cond3A_125 : i32
      scf.if %cond3A_126 {
        %dma_wait3A_137 = arith.constant 0 : i32
        %dma_wait3A_138 = arith.constant 0 : i32
        %dma_wait3A_139 = tpu.memref_slice %arg19[%dma_wait3A_137, %dma_wait3A_138] : memref<10240x128xf32, #tpu.memory_space<vmem_shared>> -> memref<10240x128xf32, #tpu.memory_space<vmem_shared>>
        tpu.wait_indirect_dma semaphore(%arg26 : memref<!tpu.dma_semaphore, #tpu.memory_space<semaphore_mem>>) src(%arg17 : memref<80x128xf32, #tpu.memory_space<vmem>>) dst(%dma_wait3A_139 : memref<10240x128xf32, #tpu.memory_space<vmem_shared>>)
        %add3A_140 = arith.constant 2 : i32
        %add3A_141 = arith.addi %add3A_76, %add3A_140 : i32
        %add3A_142 = arith.constant 4 : i32
        %add3A_143 = arith.addi %add3A_141, %add3A_142 : i32
        %mul3A_144 = arith.constant 80 : i32
        %mul3A_145 = arith.muli %add3A_143, %mul3A_144 : i32
        %add3A_146 = arith.addi %mul3A_10, %mul3A_145 : i32
        "tpu.region"() ({
          %run_scoped3A = tpu.sem_alloc : memref<!tpu.dma_semaphore, #tpu.memory_space<semaphore_mem>>
          %dma_start3A_157 = tpu.memref_slice %arg4[%add3A_146] : memref<320000xi32, #tpu.memory_space<hbm>> -> memref<80xi32, #tpu.memory_space<hbm>>
          %dma_start3A_158 = tpu.memref_slice %arg4[%add3A_146] : memref<320000xi32, #tpu.memory_space<hbm>> -> memref<80xi32, #tpu.memory_space<hbm>>
          tpu.enqueue_dma source(%dma_start3A_158 : memref<80xi32, #tpu.memory_space<hbm>>) target(%arg9 : memref<80xi32, #tpu.memory_space<vmem>>) target_semaphore(%run_scoped3A : memref<!tpu.dma_semaphore, #tpu.memory_space<semaphore_mem>>)
          %dma_wait3A_159 = tpu.memref_slice %arg4[%add3A_146] : memref<320000xi32, #tpu.memory_space<hbm>> -> memref<80xi32, #tpu.memory_space<hbm>>
          %dma_wait3A_160 = tpu.memref_slice %arg4[%add3A_146] : memref<320000xi32, #tpu.memory_space<hbm>> -> memref<80xi32, #tpu.memory_space<hbm>>
          tpu.wait_dma2 semaphore(%run_scoped3A : memref<!tpu.dma_semaphore, #tpu.memory_space<semaphore_mem>>) src(%dma_wait3A_160 : memref<80xi32, #tpu.memory_space<hbm>>) dst(%arg9 : memref<80xi32, #tpu.memory_space<vmem>>)
          tpu.yield
        }) : () -> ()
        %add3A_147 = arith.constant 2 : i32
        %add3A_148 = arith.addi %add3A_76, %add3A_147 : i32
        %add3A_149 = arith.constant 4 : i32
        %add3A_150 = arith.addi %add3A_148, %add3A_149 : i32
        %mul3A_151 = arith.constant 80 : i32
        %mul3A_152 = arith.muli %add3A_150, %mul3A_151 : i32
        %add3A_153 = arith.addi %mul3A_10, %mul3A_152 : i32
        "tpu.region"() ({
          %run_scoped3A = tpu.sem_alloc : memref<!tpu.dma_semaphore, #tpu.memory_space<semaphore_mem>>
          %dma_start3A_157 = tpu.memref_slice %arg5[%add3A_153] : memref<320000xi32, #tpu.memory_space<hbm>> -> memref<80xi32, #tpu.memory_space<hbm>>
          %dma_start3A_158 = tpu.memref_slice %arg5[%add3A_153] : memref<320000xi32, #tpu.memory_space<hbm>> -> memref<80xi32, #tpu.memory_space<hbm>>
          tpu.enqueue_dma source(%dma_start3A_158 : memref<80xi32, #tpu.memory_space<hbm>>) target(%arg13 : memref<80xi32, #tpu.memory_space<vmem>>) target_semaphore(%run_scoped3A : memref<!tpu.dma_semaphore, #tpu.memory_space<semaphore_mem>>)
          %dma_wait3A_159 = tpu.memref_slice %arg5[%add3A_153] : memref<320000xi32, #tpu.memory_space<hbm>> -> memref<80xi32, #tpu.memory_space<hbm>>
          %dma_wait3A_160 = tpu.memref_slice %arg5[%add3A_153] : memref<320000xi32, #tpu.memory_space<hbm>> -> memref<80xi32, #tpu.memory_space<hbm>>
          tpu.wait_dma2 semaphore(%run_scoped3A : memref<!tpu.dma_semaphore, #tpu.memory_space<semaphore_mem>>) src(%dma_wait3A_160 : memref<80xi32, #tpu.memory_space<hbm>>) dst(%arg13 : memref<80xi32, #tpu.memory_space<vmem>>)
          tpu.yield
        }) : () -> ()
        %dma_start3A_154 = arith.constant 0 : i32
        %dma_start3A_155 = arith.constant 0 : i32
        %dma_start3A_156 = tpu.memref_slice %arg2[%dma_start3A_154, %dma_start3A_155] : memref<10240x128xf32, #tpu.memory_space<hbm>> -> memref<10240x128xf32, #tpu.memory_space<hbm>>
        tpu.enqueue_indirect_dma source(%dma_start3A_156 : memref<10240x128xf32, #tpu.memory_space<hbm>>) target(%arg17 : memref<80x128xf32, #tpu.memory_space<vmem>>) offsets(%arg9 : memref<80xi32, #tpu.memory_space<vmem>>) semaphore(%arg22 : memref<!tpu.dma_semaphore, #tpu.memory_space<semaphore_mem>>)
      } else {
      }
      %add3A_127 = arith.constant 3 : i32
      %add3A_128 = arith.addi %add3A_76, %add3A_127 : i32
      %add3A_129 = arith.constant 4 : i32
      %add3A_130 = arith.addi %add3A_128, %add3A_129 : i32
      %lt3A_131 = arith.constant 125 : i32
      %lt3A_132 = arith.cmpi slt, %add3A_130, %lt3A_131 : i32
      %convert_element_type3A_133 = arith.extui %lt3A_132 : i1 to i32
      %cond3A_134 = arith.constant 0 : i32
      %cond3A_135 = arith.cmpi ne, %convert_element_type3A_133, %cond3A_134 : i32
      scf.if %cond3A_135 {
        %dma_wait3A_137 = arith.constant 0 : i32
        %dma_wait3A_138 = arith.constant 0 : i32
        %dma_wait3A_139 = tpu.memref_slice %arg19[%dma_wait3A_137, %dma_wait3A_138] : memref<10240x128xf32, #tpu.memory_space<vmem_shared>> -> memref<10240x128xf32, #tpu.memory_space<vmem_shared>>
        tpu.wait_indirect_dma semaphore(%arg27 : memref<!tpu.dma_semaphore, #tpu.memory_space<semaphore_mem>>) src(%arg18 : memref<80x128xf32, #tpu.memory_space<vmem>>) dst(%dma_wait3A_139 : memref<10240x128xf32, #tpu.memory_space<vmem_shared>>)
        %add3A_140 = arith.constant 3 : i32
        %add3A_141 = arith.addi %add3A_76, %add3A_140 : i32
        %add3A_142 = arith.constant 4 : i32
        %add3A_143 = arith.addi %add3A_141, %add3A_142 : i32
        %mul3A_144 = arith.constant 80 : i32
        %mul3A_145 = arith.muli %add3A_143, %mul3A_144 : i32
        %add3A_146 = arith.addi %mul3A_10, %mul3A_145 : i32
        "tpu.region"() ({
          %run_scoped3A = tpu.sem_alloc : memref<!tpu.dma_semaphore, #tpu.memory_space<semaphore_mem>>
          %dma_start3A_157 = tpu.memref_slice %arg4[%add3A_146] : memref<320000xi32, #tpu.memory_space<hbm>> -> memref<80xi32, #tpu.memory_space<hbm>>
          %dma_start3A_158 = tpu.memref_slice %arg4[%add3A_146] : memref<320000xi32, #tpu.memory_space<hbm>> -> memref<80xi32, #tpu.memory_space<hbm>>
          tpu.enqueue_dma source(%dma_start3A_158 : memref<80xi32, #tpu.memory_space<hbm>>) target(%arg10 : memref<80xi32, #tpu.memory_space<vmem>>) target_semaphore(%run_scoped3A : memref<!tpu.dma_semaphore, #tpu.memory_space<semaphore_mem>>)
          %dma_wait3A_159 = tpu.memref_slice %arg4[%add3A_146] : memref<320000xi32, #tpu.memory_space<hbm>> -> memref<80xi32, #tpu.memory_space<hbm>>
          %dma_wait3A_160 = tpu.memref_slice %arg4[%add3A_146] : memref<320000xi32, #tpu.memory_space<hbm>> -> memref<80xi32, #tpu.memory_space<hbm>>
          tpu.wait_dma2 semaphore(%run_scoped3A : memref<!tpu.dma_semaphore, #tpu.memory_space<semaphore_mem>>) src(%dma_wait3A_160 : memref<80xi32, #tpu.memory_space<hbm>>) dst(%arg10 : memref<80xi32, #tpu.memory_space<vmem>>)
          tpu.yield
        }) : () -> ()
        %add3A_147 = arith.constant 3 : i32
        %add3A_148 = arith.addi %add3A_76, %add3A_147 : i32
        %add3A_149 = arith.constant 4 : i32
        %add3A_150 = arith.addi %add3A_148, %add3A_149 : i32
        %mul3A_151 = arith.constant 80 : i32
        %mul3A_152 = arith.muli %add3A_150, %mul3A_151 : i32
        %add3A_153 = arith.addi %mul3A_10, %mul3A_152 : i32
        "tpu.region"() ({
          %run_scoped3A = tpu.sem_alloc : memref<!tpu.dma_semaphore, #tpu.memory_space<semaphore_mem>>
          %dma_start3A_157 = tpu.memref_slice %arg5[%add3A_153] : memref<320000xi32, #tpu.memory_space<hbm>> -> memref<80xi32, #tpu.memory_space<hbm>>
          %dma_start3A_158 = tpu.memref_slice %arg5[%add3A_153] : memref<320000xi32, #tpu.memory_space<hbm>> -> memref<80xi32, #tpu.memory_space<hbm>>
          tpu.enqueue_dma source(%dma_start3A_158 : memref<80xi32, #tpu.memory_space<hbm>>) target(%arg14 : memref<80xi32, #tpu.memory_space<vmem>>) target_semaphore(%run_scoped3A : memref<!tpu.dma_semaphore, #tpu.memory_space<semaphore_mem>>)
          %dma_wait3A_159 = tpu.memref_slice %arg5[%add3A_153] : memref<320000xi32, #tpu.memory_space<hbm>> -> memref<80xi32, #tpu.memory_space<hbm>>
          %dma_wait3A_160 = tpu.memref_slice %arg5[%add3A_153] : memref<320000xi32, #tpu.memory_space<hbm>> -> memref<80xi32, #tpu.memory_space<hbm>>
          tpu.wait_dma2 semaphore(%run_scoped3A : memref<!tpu.dma_semaphore, #tpu.memory_space<semaphore_mem>>) src(%dma_wait3A_160 : memref<80xi32, #tpu.memory_space<hbm>>) dst(%arg14 : memref<80xi32, #tpu.memory_space<vmem>>)
          tpu.yield
        }) : () -> ()
        %dma_start3A_154 = arith.constant 0 : i32
        %dma_start3A_155 = arith.constant 0 : i32
        %dma_start3A_156 = tpu.memref_slice %arg2[%dma_start3A_154, %dma_start3A_155] : memref<10240x128xf32, #tpu.memory_space<hbm>> -> memref<10240x128xf32, #tpu.memory_space<hbm>>
        tpu.enqueue_indirect_dma source(%dma_start3A_156 : memref<10240x128xf32, #tpu.memory_space<hbm>>) target(%arg18 : memref<80x128xf32, #tpu.memory_space<vmem>>) offsets(%arg10 : memref<80xi32, #tpu.memory_space<vmem>>) semaphore(%arg23 : memref<!tpu.dma_semaphore, #tpu.memory_space<semaphore_mem>>)
      } else {
      }
      %scan3A_136 = arith.constant 0 : i32
      scf.yield %scan3A_136 : i32
    }
    %scan3A_52 = arith.constant 31 : i32
    %dma_wait3A_53 = arith.constant 0 : i32
    %dma_wait3A_54 = arith.constant 0 : i32
    %dma_wait3A_55 = tpu.memref_slice %arg19[%dma_wait3A_53, %dma_wait3A_54] : memref<10240x128xf32, #tpu.memory_space<vmem_shared>> -> memref<10240x128xf32, #tpu.memory_space<vmem_shared>>
    tpu.wait_indirect_dma semaphore(%arg24 : memref<!tpu.dma_semaphore, #tpu.memory_space<semaphore_mem>>) src(%arg15 : memref<80x128xf32, #tpu.memory_space<vmem>>) dst(%dma_wait3A_55 : memref<10240x128xf32, #tpu.memory_space<vmem_shared>>)
    %dma_wait3A_56 = arith.constant 0 : i32
    %dma_wait3A_57 = arith.constant 0 : i32
    %dma_wait3A_58 = tpu.memref_slice %arg19[%dma_wait3A_56, %dma_wait3A_57] : memref<10240x128xf32, #tpu.memory_space<vmem_shared>> -> memref<10240x128xf32, #tpu.memory_space<vmem_shared>>
    tpu.wait_indirect_dma semaphore(%arg25 : memref<!tpu.dma_semaphore, #tpu.memory_space<semaphore_mem>>) src(%arg16 : memref<80x128xf32, #tpu.memory_space<vmem>>) dst(%dma_wait3A_58 : memref<10240x128xf32, #tpu.memory_space<vmem_shared>>)
    %dma_wait3A_59 = arith.constant 0 : i32
    %dma_wait3A_60 = arith.constant 0 : i32
    %dma_wait3A_61 = tpu.memref_slice %arg19[%dma_wait3A_59, %dma_wait3A_60] : memref<10240x128xf32, #tpu.memory_space<vmem_shared>> -> memref<10240x128xf32, #tpu.memory_space<vmem_shared>>
    tpu.wait_indirect_dma semaphore(%arg26 : memref<!tpu.dma_semaphore, #tpu.memory_space<semaphore_mem>>) src(%arg17 : memref<80x128xf32, #tpu.memory_space<vmem>>) dst(%dma_wait3A_61 : memref<10240x128xf32, #tpu.memory_space<vmem_shared>>)
    %dma_wait3A_62 = arith.constant 0 : i32
    %dma_wait3A_63 = arith.constant 0 : i32
    %dma_wait3A_64 = tpu.memref_slice %arg19[%dma_wait3A_62, %dma_wait3A_63] : memref<10240x128xf32, #tpu.memory_space<vmem_shared>> -> memref<10240x128xf32, #tpu.memory_space<vmem_shared>>
    tpu.wait_indirect_dma semaphore(%arg27 : memref<!tpu.dma_semaphore, #tpu.memory_space<semaphore_mem>>) src(%arg18 : memref<80x128xf32, #tpu.memory_space<vmem>>) dst(%dma_wait3A_64 : memref<10240x128xf32, #tpu.memory_space<vmem_shared>>)
    %barrier3A_65 = arith.constant 0 : index
    tpu.barrier barrier_id(%barrier3A_65)
    %mul3A_66 = arith.constant 10240 : i32
    %mul3A_67 = arith.muli %arg0, %mul3A_66 : i32
    %mul3A_68 = arith.constant 640 : i32
    %mul3A_69 = arith.muli %arg1, %mul3A_68 : i32
    %add3A_70 = arith.addi %mul3A_67, %mul3A_69 : i32
    "tpu.region"() ({
      %run_scoped3A = tpu.sem_alloc : memref<!tpu.dma_semaphore, #tpu.memory_space<semaphore_mem>>
      %dma_start3A_71 = arith.constant 0 : i32
      %dma_start3A_72 = tpu.memref_slice %arg6[%add3A_70, %dma_start3A_71] : memref<20480x128xf32, #tpu.memory_space<hbm>> -> memref<640x128xf32, #tpu.memory_space<hbm>>
      %dma_start3A_73 = arith.constant 0 : i32
      %dma_start3A_74 = tpu.memref_slice %arg19[%mul3A_2, %dma_start3A_73] : memref<10240x128xf32, #tpu.memory_space<vmem_shared>> -> memref<640x128xf32, #tpu.memory_space<vmem_shared>>
      tpu.enqueue_dma source(%dma_start3A_74 : memref<640x128xf32, #tpu.memory_space<vmem_shared>>) target(%dma_start3A_72 : memref<640x128xf32, #tpu.memory_space<hbm>>) target_semaphore(%run_scoped3A : memref<!tpu.dma_semaphore, #tpu.memory_space<semaphore_mem>>)
      %dma_wait3A_75 = arith.constant 0 : i32
      %dma_wait3A_76 = tpu.memref_slice %arg6[%add3A_70, %dma_wait3A_75] : memref<20480x128xf32, #tpu.memory_space<hbm>> -> memref<640x128xf32, #tpu.memory_space<hbm>>
      %dma_wait3A_77 = arith.constant 0 : i32
      %dma_wait3A_78 = tpu.memref_slice %arg19[%mul3A_2, %dma_wait3A_77] : memref<10240x128xf32, #tpu.memory_space<vmem_shared>> -> memref<640x128xf32, #tpu.memory_space<vmem_shared>>
      tpu.wait_dma2 semaphore(%run_scoped3A : memref<!tpu.dma_semaphore, #tpu.memory_space<semaphore_mem>>) src(%dma_wait3A_78 : memref<640x128xf32, #tpu.memory_space<vmem_shared>>) dst(%dma_wait3A_76 : memref<640x128xf32, #tpu.memory_space<hbm>>)
      tpu.yield
    }) : () -> ()
    return
  }
}

#map = affine_map<(d0, d1) -> (0)>
#map1 = affine_map<(d0, d1) -> (0, 0)>
module attributes {stable_mosaic.version = 14 : i64} {
  func.func @_deg_kernel(%arg0: i32, %arg1: i32, %arg2: memref<327680xi32, #tpu.memory_space<hbm>>, %arg3: memref<128x128xf32, #tpu.memory_space<hbm>>, %arg4: memref<10240x128xf32, #tpu.memory_space<hbm>>, %arg5: memref<20480x128xf32, #tpu.memory_space<hbm>>, %arg6: memref<128xi32, #tpu.memory_space<vmem>>, %arg7: memref<128xi32, #tpu.memory_space<vmem>>, %arg8: memref<128x128xf32, #tpu.memory_space<vmem>>, %arg9: memref<10240x128xf32, #tpu.memory_space<vmem_shared>>, %arg10: memref<!tpu.dma_semaphore, #tpu.memory_space<semaphore_mem>>, %arg11: memref<!tpu.dma_semaphore, #tpu.memory_space<semaphore_mem>>) attributes {dimension_semantics = [#tpu.dimension_semantics<core_parallel>, #tpu.dimension_semantics<subcore_parallel>], iteration_bounds = array<i64: 2, 16>, scalar_prefetch = 0 : i64, scratch_operands = 6 : i64, tpu.core_type = #tpu.core_type<sc_vector_subcore>, window_params = [{transform_indices = #map}, {transform_indices = #map1}, {transform_indices = #map1}, {transform_indices = #map1}]} {
    %mul3A = arith.constant 16 : i32
    %mul3A_0 = arith.muli %arg0, %mul3A : i32
    %add3A = arith.addi %mul3A_0, %arg1 : i32
    %mul3A_1 = arith.constant 640 : i32
    %mul3A_2 = arith.muli %arg1, %mul3A_1 : i32
    "tpu.region"() ({
      %run_scoped3A = tpu.sem_alloc : memref<!tpu.dma_semaphore, #tpu.memory_space<semaphore_mem>>
      %dma_start3A_19 = arith.constant 0 : i32
      %dma_start3A_20 = tpu.memref_slice %arg9[%mul3A_2, %dma_start3A_19] : memref<10240x128xf32, #tpu.memory_space<vmem_shared>> -> memref<640x128xf32, #tpu.memory_space<vmem_shared>>
      %dma_start3A_21 = arith.constant 0 : i32
      %dma_start3A_22 = tpu.memref_slice %arg4[%mul3A_2, %dma_start3A_21] : memref<10240x128xf32, #tpu.memory_space<hbm>> -> memref<640x128xf32, #tpu.memory_space<hbm>>
      tpu.enqueue_dma source(%dma_start3A_22 : memref<640x128xf32, #tpu.memory_space<hbm>>) target(%dma_start3A_20 : memref<640x128xf32, #tpu.memory_space<vmem_shared>>) target_semaphore(%run_scoped3A : memref<!tpu.dma_semaphore, #tpu.memory_space<semaphore_mem>>)
      %dma_wait3A = arith.constant 0 : i32
      %dma_wait3A_23 = tpu.memref_slice %arg9[%mul3A_2, %dma_wait3A] : memref<10240x128xf32, #tpu.memory_space<vmem_shared>> -> memref<640x128xf32, #tpu.memory_space<vmem_shared>>
      %dma_wait3A_24 = arith.constant 0 : i32
      %dma_wait3A_25 = tpu.memref_slice %arg4[%mul3A_2, %dma_wait3A_24] : memref<10240x128xf32, #tpu.memory_space<hbm>> -> memref<640x128xf32, #tpu.memory_space<hbm>>
      tpu.wait_dma2 semaphore(%run_scoped3A : memref<!tpu.dma_semaphore, #tpu.memory_space<semaphore_mem>>) src(%dma_wait3A_25 : memref<640x128xf32, #tpu.memory_space<hbm>>) dst(%dma_wait3A_23 : memref<640x128xf32, #tpu.memory_space<vmem_shared>>)
      tpu.yield
    }) : () -> ()
    "tpu.region"() ({
      %run_scoped3A = tpu.sem_alloc : memref<!tpu.dma_semaphore, #tpu.memory_space<semaphore_mem>>
      tpu.enqueue_dma source(%arg3 : memref<128x128xf32, #tpu.memory_space<hbm>>) target(%arg8 : memref<128x128xf32, #tpu.memory_space<vmem>>) target_semaphore(%run_scoped3A : memref<!tpu.dma_semaphore, #tpu.memory_space<semaphore_mem>>)
      tpu.wait_dma2 semaphore(%run_scoped3A : memref<!tpu.dma_semaphore, #tpu.memory_space<semaphore_mem>>) src(%arg3 : memref<128x128xf32, #tpu.memory_space<hbm>>) dst(%arg8 : memref<128x128xf32, #tpu.memory_space<vmem>>)
      tpu.yield
    }) : () -> ()
    %barrier3A = arith.constant 0 : index
    tpu.barrier barrier_id(%barrier3A)
    %mul3A_3 = arith.constant 10240 : i32
    %mul3A_4 = arith.muli %add3A, %mul3A_3 : i32
    "tpu.region"() ({
      %run_scoped3A = tpu.sem_alloc : memref<!tpu.dma_semaphore, #tpu.memory_space<semaphore_mem>>
      %dma_start3A_19 = tpu.memref_slice %arg2[%mul3A_4] : memref<327680xi32, #tpu.memory_space<hbm>> -> memref<128xi32, #tpu.memory_space<hbm>>
      %dma_start3A_20 = tpu.memref_slice %arg2[%mul3A_4] : memref<327680xi32, #tpu.memory_space<hbm>> -> memref<128xi32, #tpu.memory_space<hbm>>
      tpu.enqueue_dma source(%dma_start3A_20 : memref<128xi32, #tpu.memory_space<hbm>>) target(%arg6 : memref<128xi32, #tpu.memory_space<vmem>>) target_semaphore(%run_scoped3A : memref<!tpu.dma_semaphore, #tpu.memory_space<semaphore_mem>>)
      %dma_wait3A = tpu.memref_slice %arg2[%mul3A_4] : memref<327680xi32, #tpu.memory_space<hbm>> -> memref<128xi32, #tpu.memory_space<hbm>>
      %dma_wait3A_21 = tpu.memref_slice %arg2[%mul3A_4] : memref<327680xi32, #tpu.memory_space<hbm>> -> memref<128xi32, #tpu.memory_space<hbm>>
      tpu.wait_dma2 semaphore(%run_scoped3A : memref<!tpu.dma_semaphore, #tpu.memory_space<semaphore_mem>>) src(%dma_wait3A_21 : memref<128xi32, #tpu.memory_space<hbm>>) dst(%arg6 : memref<128xi32, #tpu.memory_space<vmem>>)
      tpu.yield
    }) : () -> ()
    %dma_start3A = arith.constant 0 : i32
    %dma_start3A_5 = arith.constant 0 : i32
    %dma_start3A_6 = tpu.memref_slice %arg9[%dma_start3A, %dma_start3A_5] : memref<10240x128xf32, #tpu.memory_space<vmem_shared>> -> memref<10240x128xf32, #tpu.memory_space<vmem_shared>>
    tpu.enqueue_indirect_dma source(%arg8 : memref<128x128xf32, #tpu.memory_space<vmem>>) target(%dma_start3A_6 : memref<10240x128xf32, #tpu.memory_space<vmem_shared>>) offsets(%arg6 : memref<128xi32, #tpu.memory_space<vmem>>) semaphore(%arg10 : memref<!tpu.dma_semaphore, #tpu.memory_space<semaphore_mem>>) {add = true}
    %scan3A = arith.constant 0 : i32
    %scan3A_7 = arith.constant 0 : i32
    %scan3A_8 = arith.constant 40 : i32
    %scan3A_9 = arith.addi %scan3A_7, %scan3A_8 : i32
    %scan3A_10 = arith.constant 1 : i32
    %scan3A_11 = scf.for %scan3A_19 = %scan3A_7 to %scan3A_9 step %scan3A_10 iter_args(%scan3A_20 = %scan3A) -> (i32)  : i32 {
      %mul3A_21 = arith.constant 2 : i32
      %mul3A_22 = arith.muli %mul3A_21, %scan3A_19 : i32
      %add3A_23 = arith.constant 1 : i32
      %add3A_24 = arith.addi %mul3A_22, %add3A_23 : i32
      %mul3A_25 = arith.constant 128 : i32
      %mul3A_26 = arith.muli %add3A_24, %mul3A_25 : i32
      %add3A_27 = arith.addi %mul3A_4, %mul3A_26 : i32
      "tpu.region"() ({
        %run_scoped3A = tpu.sem_alloc : memref<!tpu.dma_semaphore, #tpu.memory_space<semaphore_mem>>
        %dma_start3A_41 = tpu.memref_slice %arg2[%add3A_27] : memref<327680xi32, #tpu.memory_space<hbm>> -> memref<128xi32, #tpu.memory_space<hbm>>
        %dma_start3A_42 = tpu.memref_slice %arg2[%add3A_27] : memref<327680xi32, #tpu.memory_space<hbm>> -> memref<128xi32, #tpu.memory_space<hbm>>
        tpu.enqueue_dma source(%dma_start3A_42 : memref<128xi32, #tpu.memory_space<hbm>>) target(%arg7 : memref<128xi32, #tpu.memory_space<vmem>>) target_semaphore(%run_scoped3A : memref<!tpu.dma_semaphore, #tpu.memory_space<semaphore_mem>>)
        %dma_wait3A_43 = tpu.memref_slice %arg2[%add3A_27] : memref<327680xi32, #tpu.memory_space<hbm>> -> memref<128xi32, #tpu.memory_space<hbm>>
        %dma_wait3A_44 = tpu.memref_slice %arg2[%add3A_27] : memref<327680xi32, #tpu.memory_space<hbm>> -> memref<128xi32, #tpu.memory_space<hbm>>
        tpu.wait_dma2 semaphore(%run_scoped3A : memref<!tpu.dma_semaphore, #tpu.memory_space<semaphore_mem>>) src(%dma_wait3A_44 : memref<128xi32, #tpu.memory_space<hbm>>) dst(%arg7 : memref<128xi32, #tpu.memory_space<vmem>>)
        tpu.yield
      }) : () -> ()
      %dma_start3A_28 = arith.constant 0 : i32
      %dma_start3A_29 = arith.constant 0 : i32
      %dma_start3A_30 = tpu.memref_slice %arg9[%dma_start3A_28, %dma_start3A_29] : memref<10240x128xf32, #tpu.memory_space<vmem_shared>> -> memref<10240x128xf32, #tpu.memory_space<vmem_shared>>
      tpu.enqueue_indirect_dma source(%arg8 : memref<128x128xf32, #tpu.memory_space<vmem>>) target(%dma_start3A_30 : memref<10240x128xf32, #tpu.memory_space<vmem_shared>>) offsets(%arg7 : memref<128xi32, #tpu.memory_space<vmem>>) semaphore(%arg11 : memref<!tpu.dma_semaphore, #tpu.memory_space<semaphore_mem>>) {add = true}
      %dma_wait3A = arith.constant 0 : i32
      %dma_wait3A_31 = arith.constant 0 : i32
      %dma_wait3A_32 = tpu.memref_slice %arg9[%dma_wait3A, %dma_wait3A_31] : memref<10240x128xf32, #tpu.memory_space<vmem_shared>> -> memref<10240x128xf32, #tpu.memory_space<vmem_shared>>
      tpu.wait_indirect_dma semaphore(%arg10 : memref<!tpu.dma_semaphore, #tpu.memory_space<semaphore_mem>>) src(%arg8 : memref<128x128xf32, #tpu.memory_space<vmem>>) dst(%dma_wait3A_32 : memref<10240x128xf32, #tpu.memory_space<vmem_shared>>)
      %add3A_33 = arith.constant 1 : i32
      %add3A_34 = arith.addi %scan3A_19, %add3A_33 : i32
      %lt3A = arith.constant 40 : i32
      %lt3A_35 = arith.cmpi slt, %add3A_34, %lt3A : i32
      %convert_element_type3A = arith.extui %lt3A_35 : i1 to i32
      %cond3A = arith.constant 0 : i32
      %cond3A_36 = arith.cmpi ne, %convert_element_type3A, %cond3A : i32
      scf.if %cond3A_36 {
        %add3A_41 = arith.constant 2 : i32
        %add3A_42 = arith.addi %mul3A_22, %add3A_41 : i32
        %mul3A_43 = arith.constant 128 : i32
        %mul3A_44 = arith.muli %add3A_42, %mul3A_43 : i32
        %add3A_45 = arith.addi %mul3A_4, %mul3A_44 : i32
        "tpu.region"() ({
          %run_scoped3A = tpu.sem_alloc : memref<!tpu.dma_semaphore, #tpu.memory_space<semaphore_mem>>
          %dma_start3A_49 = tpu.memref_slice %arg2[%add3A_45] : memref<327680xi32, #tpu.memory_space<hbm>> -> memref<128xi32, #tpu.memory_space<hbm>>
          %dma_start3A_50 = tpu.memref_slice %arg2[%add3A_45] : memref<327680xi32, #tpu.memory_space<hbm>> -> memref<128xi32, #tpu.memory_space<hbm>>
          tpu.enqueue_dma source(%dma_start3A_50 : memref<128xi32, #tpu.memory_space<hbm>>) target(%arg6 : memref<128xi32, #tpu.memory_space<vmem>>) target_semaphore(%run_scoped3A : memref<!tpu.dma_semaphore, #tpu.memory_space<semaphore_mem>>)
          %dma_wait3A_51 = tpu.memref_slice %arg2[%add3A_45] : memref<327680xi32, #tpu.memory_space<hbm>> -> memref<128xi32, #tpu.memory_space<hbm>>
          %dma_wait3A_52 = tpu.memref_slice %arg2[%add3A_45] : memref<327680xi32, #tpu.memory_space<hbm>> -> memref<128xi32, #tpu.memory_space<hbm>>
          tpu.wait_dma2 semaphore(%run_scoped3A : memref<!tpu.dma_semaphore, #tpu.memory_space<semaphore_mem>>) src(%dma_wait3A_52 : memref<128xi32, #tpu.memory_space<hbm>>) dst(%arg6 : memref<128xi32, #tpu.memory_space<vmem>>)
          tpu.yield
        }) : () -> ()
        %dma_start3A_46 = arith.constant 0 : i32
        %dma_start3A_47 = arith.constant 0 : i32
        %dma_start3A_48 = tpu.memref_slice %arg9[%dma_start3A_46, %dma_start3A_47] : memref<10240x128xf32, #tpu.memory_space<vmem_shared>> -> memref<10240x128xf32, #tpu.memory_space<vmem_shared>>
        tpu.enqueue_indirect_dma source(%arg8 : memref<128x128xf32, #tpu.memory_space<vmem>>) target(%dma_start3A_48 : memref<10240x128xf32, #tpu.memory_space<vmem_shared>>) offsets(%arg6 : memref<128xi32, #tpu.memory_space<vmem>>) semaphore(%arg10 : memref<!tpu.dma_semaphore, #tpu.memory_space<semaphore_mem>>) {add = true}
      } else {
      }
      %dma_wait3A_37 = arith.constant 0 : i32
      %dma_wait3A_38 = arith.constant 0 : i32
      %dma_wait3A_39 = tpu.memref_slice %arg9[%dma_wait3A_37, %dma_wait3A_38] : memref<10240x128xf32, #tpu.memory_space<vmem_shared>> -> memref<10240x128xf32, #tpu.memory_space<vmem_shared>>
      tpu.wait_indirect_dma semaphore(%arg11 : memref<!tpu.dma_semaphore, #tpu.memory_space<semaphore_mem>>) src(%arg8 : memref<128x128xf32, #tpu.memory_space<vmem>>) dst(%dma_wait3A_39 : memref<10240x128xf32, #tpu.memory_space<vmem_shared>>)
      %scan3A_40 = arith.constant 0 : i32
      scf.yield %scan3A_40 : i32
    }
    %scan3A_12 = arith.constant 40 : i32
    %barrier3A_13 = arith.constant 0 : index
    tpu.barrier barrier_id(%barrier3A_13)
    %mul3A_14 = arith.constant 10240 : i32
    %mul3A_15 = arith.muli %arg0, %mul3A_14 : i32
    %mul3A_16 = arith.constant 640 : i32
    %mul3A_17 = arith.muli %arg1, %mul3A_16 : i32
    %add3A_18 = arith.addi %mul3A_15, %mul3A_17 : i32
    "tpu.region"() ({
      %run_scoped3A = tpu.sem_alloc : memref<!tpu.dma_semaphore, #tpu.memory_space<semaphore_mem>>
      %dma_start3A_19 = arith.constant 0 : i32
      %dma_start3A_20 = tpu.memref_slice %arg5[%add3A_18, %dma_start3A_19] : memref<20480x128xf32, #tpu.memory_space<hbm>> -> memref<640x128xf32, #tpu.memory_space<hbm>>
      %dma_start3A_21 = arith.constant 0 : i32
      %dma_start3A_22 = tpu.memref_slice %arg9[%mul3A_2, %dma_start3A_21] : memref<10240x128xf32, #tpu.memory_space<vmem_shared>> -> memref<640x128xf32, #tpu.memory_space<vmem_shared>>
      tpu.enqueue_dma source(%dma_start3A_22 : memref<640x128xf32, #tpu.memory_space<vmem_shared>>) target(%dma_start3A_20 : memref<640x128xf32, #tpu.memory_space<hbm>>) target_semaphore(%run_scoped3A : memref<!tpu.dma_semaphore, #tpu.memory_space<semaphore_mem>>)
      %dma_wait3A = arith.constant 0 : i32
      %dma_wait3A_23 = tpu.memref_slice %arg5[%add3A_18, %dma_wait3A] : memref<20480x128xf32, #tpu.memory_space<hbm>> -> memref<640x128xf32, #tpu.memory_space<hbm>>
      %dma_wait3A_24 = arith.constant 0 : i32
      %dma_wait3A_25 = tpu.memref_slice %arg9[%mul3A_2, %dma_wait3A_24] : memref<10240x128xf32, #tpu.memory_space<vmem_shared>> -> memref<640x128xf32, #tpu.memory_space<vmem_shared>>
      tpu.wait_dma2 semaphore(%run_scoped3A : memref<!tpu.dma_semaphore, #tpu.memory_space<semaphore_mem>>) src(%dma_wait3A_25 : memref<640x128xf32, #tpu.memory_space<vmem_shared>>) dst(%dma_wait3A_23 : memref<640x128xf32, #tpu.memory_space<hbm>>)
      tpu.yield
    }) : () -> ()
    return
  }
}

#map = affine_map<(d0, d1) -> (0, 0)>
#map1 = affine_map<(d0, d1) -> (0)>
module attributes {stable_mosaic.version = 14 : i64} {
  func.func @_prop_feat(%arg0: i32, %arg1: i32, %arg2: memref<20480x128xf32, #tpu.memory_space<hbm>>, %arg3: memref<640000xi32, #tpu.memory_space<hbm>>, %arg4: memref<320000xi32, #tpu.memory_space<hbm>>, %arg5: memref<20480x128xf32, #tpu.memory_space<hbm>>, %arg6: memref<80xi32, #tpu.memory_space<vmem>>, %arg7: memref<80xi32, #tpu.memory_space<vmem>>, %arg8: memref<80xi32, #tpu.memory_space<vmem>>, %arg9: memref<80xi32, #tpu.memory_space<vmem>>, %arg10: memref<80xi32, #tpu.memory_space<vmem>>, %arg11: memref<80xi32, #tpu.memory_space<vmem>>, %arg12: memref<80xi32, #tpu.memory_space<vmem>>, %arg13: memref<80xi32, #tpu.memory_space<vmem>>, %arg14: memref<80x128xf32, #tpu.memory_space<vmem>>, %arg15: memref<80x128xf32, #tpu.memory_space<vmem>>, %arg16: memref<80x128xf32, #tpu.memory_space<vmem>>, %arg17: memref<80x128xf32, #tpu.memory_space<vmem>>, %arg18: memref<10240x128xf32, #tpu.memory_space<vmem_shared>>, %arg19: memref<!tpu.dma_semaphore, #tpu.memory_space<semaphore_mem>>, %arg20: memref<!tpu.dma_semaphore, #tpu.memory_space<semaphore_mem>>, %arg21: memref<!tpu.dma_semaphore, #tpu.memory_space<semaphore_mem>>, %arg22: memref<!tpu.dma_semaphore, #tpu.memory_space<semaphore_mem>>, %arg23: memref<!tpu.dma_semaphore, #tpu.memory_space<semaphore_mem>>, %arg24: memref<!tpu.dma_semaphore, #tpu.memory_space<semaphore_mem>>, %arg25: memref<!tpu.dma_semaphore, #tpu.memory_space<semaphore_mem>>, %arg26: memref<!tpu.dma_semaphore, #tpu.memory_space<semaphore_mem>>) attributes {dimension_semantics = [#tpu.dimension_semantics<core_parallel>, #tpu.dimension_semantics<subcore_parallel>], iteration_bounds = array<i64: 2, 16>, scalar_prefetch = 0 : i64, scratch_operands = 21 : i64, tpu.core_type = #tpu.core_type<sc_vector_subcore>, window_params = [{transform_indices = #map}, {transform_indices = #map1}, {transform_indices = #map1}, {transform_indices = #map}]} {
    %mul3A = arith.constant 16 : i32
    %mul3A_0 = arith.muli %arg0, %mul3A : i32
    %add3A = arith.addi %mul3A_0, %arg1 : i32
    %mul3A_1 = arith.constant 640 : i32
    %mul3A_2 = arith.muli %arg1, %mul3A_1 : i32
    %mul3A_3 = arith.constant 10240 : i32
    %mul3A_4 = arith.muli %arg0, %mul3A_3 : i32
    %mul3A_5 = arith.constant 640 : i32
    %mul3A_6 = arith.muli %arg1, %mul3A_5 : i32
    %add3A_7 = arith.addi %mul3A_4, %mul3A_6 : i32
    "tpu.region"() ({
      %run_scoped3A = tpu.sem_alloc : memref<!tpu.dma_semaphore, #tpu.memory_space<semaphore_mem>>
      %dma_start3A_82 = arith.constant 0 : i32
      %dma_start3A_83 = tpu.memref_slice %arg18[%mul3A_2, %dma_start3A_82] : memref<10240x128xf32, #tpu.memory_space<vmem_shared>> -> memref<640x128xf32, #tpu.memory_space<vmem_shared>>
      %dma_start3A_84 = arith.constant 0 : i32
      %dma_start3A_85 = tpu.memref_slice %arg2[%add3A_7, %dma_start3A_84] : memref<20480x128xf32, #tpu.memory_space<hbm>> -> memref<640x128xf32, #tpu.memory_space<hbm>>
      tpu.enqueue_dma source(%dma_start3A_85 : memref<640x128xf32, #tpu.memory_space<hbm>>) target(%dma_start3A_83 : memref<640x128xf32, #tpu.memory_space<vmem_shared>>) target_semaphore(%run_scoped3A : memref<!tpu.dma_semaphore, #tpu.memory_space<semaphore_mem>>)
      %dma_wait3A_86 = arith.constant 0 : i32
      %dma_wait3A_87 = tpu.memref_slice %arg18[%mul3A_2, %dma_wait3A_86] : memref<10240x128xf32, #tpu.memory_space<vmem_shared>> -> memref<640x128xf32, #tpu.memory_space<vmem_shared>>
      %dma_wait3A_88 = arith.constant 0 : i32
      %dma_wait3A_89 = tpu.memref_slice %arg2[%add3A_7, %dma_wait3A_88] : memref<20480x128xf32, #tpu.memory_space<hbm>> -> memref<640x128xf32, #tpu.memory_space<hbm>>
      tpu.wait_dma2 semaphore(%run_scoped3A : memref<!tpu.dma_semaphore, #tpu.memory_space<semaphore_mem>>) src(%dma_wait3A_89 : memref<640x128xf32, #tpu.memory_space<hbm>>) dst(%dma_wait3A_87 : memref<640x128xf32, #tpu.memory_space<vmem_shared>>)
      tpu.yield
    }) : () -> ()
    %barrier3A = arith.constant 0 : index
    tpu.barrier barrier_id(%barrier3A)
    %mul3A_8 = arith.constant 20000 : i32
    %mul3A_9 = arith.muli %add3A, %mul3A_8 : i32
    %mul3A_10 = arith.constant 20000 : i32
    %mul3A_11 = arith.muli %arg1, %mul3A_10 : i32
    %add3A_12 = arith.constant 0 : i32
    %add3A_13 = arith.addi %mul3A_9, %add3A_12 : i32
    "tpu.region"() ({
      %run_scoped3A = tpu.sem_alloc : memref<!tpu.dma_semaphore, #tpu.memory_space<semaphore_mem>>
      %dma_start3A_82 = tpu.memref_slice %arg3[%add3A_13] : memref<640000xi32, #tpu.memory_space<hbm>> -> memref<80xi32, #tpu.memory_space<hbm>>
      %dma_start3A_83 = tpu.memref_slice %arg3[%add3A_13] : memref<640000xi32, #tpu.memory_space<hbm>> -> memref<80xi32, #tpu.memory_space<hbm>>
      tpu.enqueue_dma source(%dma_start3A_83 : memref<80xi32, #tpu.memory_space<hbm>>) target(%arg6 : memref<80xi32, #tpu.memory_space<vmem>>) target_semaphore(%run_scoped3A : memref<!tpu.dma_semaphore, #tpu.memory_space<semaphore_mem>>)
      %dma_wait3A_84 = tpu.memref_slice %arg3[%add3A_13] : memref<640000xi32, #tpu.memory_space<hbm>> -> memref<80xi32, #tpu.memory_space<hbm>>
      %dma_wait3A_85 = tpu.memref_slice %arg3[%add3A_13] : memref<640000xi32, #tpu.memory_space<hbm>> -> memref<80xi32, #tpu.memory_space<hbm>>
      tpu.wait_dma2 semaphore(%run_scoped3A : memref<!tpu.dma_semaphore, #tpu.memory_space<semaphore_mem>>) src(%dma_wait3A_85 : memref<80xi32, #tpu.memory_space<hbm>>) dst(%arg6 : memref<80xi32, #tpu.memory_space<vmem>>)
      tpu.yield
    }) : () -> ()
    %add3A_14 = arith.constant 0 : i32
    %add3A_15 = arith.addi %mul3A_11, %add3A_14 : i32
    "tpu.region"() ({
      %run_scoped3A = tpu.sem_alloc : memref<!tpu.dma_semaphore, #tpu.memory_space<semaphore_mem>>
      %dma_start3A_82 = tpu.memref_slice %arg4[%add3A_15] : memref<320000xi32, #tpu.memory_space<hbm>> -> memref<80xi32, #tpu.memory_space<hbm>>
      %dma_start3A_83 = tpu.memref_slice %arg4[%add3A_15] : memref<320000xi32, #tpu.memory_space<hbm>> -> memref<80xi32, #tpu.memory_space<hbm>>
      tpu.enqueue_dma source(%dma_start3A_83 : memref<80xi32, #tpu.memory_space<hbm>>) target(%arg10 : memref<80xi32, #tpu.memory_space<vmem>>) target_semaphore(%run_scoped3A : memref<!tpu.dma_semaphore, #tpu.memory_space<semaphore_mem>>)
      %dma_wait3A_84 = tpu.memref_slice %arg4[%add3A_15] : memref<320000xi32, #tpu.memory_space<hbm>> -> memref<80xi32, #tpu.memory_space<hbm>>
      %dma_wait3A_85 = tpu.memref_slice %arg4[%add3A_15] : memref<320000xi32, #tpu.memory_space<hbm>> -> memref<80xi32, #tpu.memory_space<hbm>>
      tpu.wait_dma2 semaphore(%run_scoped3A : memref<!tpu.dma_semaphore, #tpu.memory_space<semaphore_mem>>) src(%dma_wait3A_85 : memref<80xi32, #tpu.memory_space<hbm>>) dst(%arg10 : memref<80xi32, #tpu.memory_space<vmem>>)
      tpu.yield
    }) : () -> ()
    %dma_start3A = arith.constant 0 : i32
    %dma_start3A_16 = arith.constant 0 : i32
    %dma_start3A_17 = tpu.memref_slice %arg2[%dma_start3A, %dma_start3A_16] : memref<20480x128xf32, #tpu.memory_space<hbm>> -> memref<20480x128xf32, #tpu.memory_space<hbm>>
    tpu.enqueue_indirect_dma source(%dma_start3A_17 : memref<20480x128xf32, #tpu.memory_space<hbm>>) target(%arg14 : memref<80x128xf32, #tpu.memory_space<vmem>>) offsets(%arg6 : memref<80xi32, #tpu.memory_space<vmem>>) semaphore(%arg19 : memref<!tpu.dma_semaphore, #tpu.memory_space<semaphore_mem>>)
    %dma_wait3A = arith.constant 0 : i32
    %dma_wait3A_18 = arith.constant 0 : i32
    %dma_wait3A_19 = tpu.memref_slice %arg2[%dma_wait3A, %dma_wait3A_18] : memref<20480x128xf32, #tpu.memory_space<hbm>> -> memref<20480x128xf32, #tpu.memory_space<hbm>>
    tpu.wait_indirect_dma semaphore(%arg19 : memref<!tpu.dma_semaphore, #tpu.memory_space<semaphore_mem>>) src(%dma_wait3A_19 : memref<20480x128xf32, #tpu.memory_space<hbm>>) dst(%arg14 : memref<80x128xf32, #tpu.memory_space<vmem>>)
    "tpu.region"() ({
      %run_scoped3A = tpu.sem_alloc : memref<!tpu.dma_semaphore, #tpu.memory_space<semaphore_mem>>
      %dma_start3A_82 = arith.constant 0 : i32
      %dma_start3A_83 = arith.constant 0 : i32
      %dma_start3A_84 = tpu.memref_slice %arg18[%dma_start3A_82, %dma_start3A_83] : memref<10240x128xf32, #tpu.memory_space<vmem_shared>> -> memref<10240x128xf32, #tpu.memory_space<vmem_shared>>
      tpu.enqueue_indirect_dma source(%arg14 : memref<80x128xf32, #tpu.memory_space<vmem>>) target(%dma_start3A_84 : memref<10240x128xf32, #tpu.memory_space<vmem_shared>>) offsets(%arg10 : memref<80xi32, #tpu.memory_space<vmem>>) semaphore(%run_scoped3A : memref<!tpu.dma_semaphore, #tpu.memory_space<semaphore_mem>>) {add = true}
      %dma_wait3A_85 = arith.constant 0 : i32
      %dma_wait3A_86 = arith.constant 0 : i32
      %dma_wait3A_87 = tpu.memref_slice %arg18[%dma_wait3A_85, %dma_wait3A_86] : memref<10240x128xf32, #tpu.memory_space<vmem_shared>> -> memref<10240x128xf32, #tpu.memory_space<vmem_shared>>
      tpu.wait_indirect_dma semaphore(%run_scoped3A : memref<!tpu.dma_semaphore, #tpu.memory_space<semaphore_mem>>) src(%arg14 : memref<80x128xf32, #tpu.memory_space<vmem>>) dst(%dma_wait3A_87 : memref<10240x128xf32, #tpu.memory_space<vmem_shared>>)
      tpu.yield
    }) : () -> ()
    %add3A_20 = arith.constant 80 : i32
    %add3A_21 = arith.addi %mul3A_9, %add3A_20 : i32
    "tpu.region"() ({
      %run_scoped3A = tpu.sem_alloc : memref<!tpu.dma_semaphore, #tpu.memory_space<semaphore_mem>>
      %dma_start3A_82 = tpu.memref_slice %arg3[%add3A_21] : memref<640000xi32, #tpu.memory_space<hbm>> -> memref<80xi32, #tpu.memory_space<hbm>>
      %dma_start3A_83 = tpu.memref_slice %arg3[%add3A_21] : memref<640000xi32, #tpu.memory_space<hbm>> -> memref<80xi32, #tpu.memory_space<hbm>>
      tpu.enqueue_dma source(%dma_start3A_83 : memref<80xi32, #tpu.memory_space<hbm>>) target(%arg6 : memref<80xi32, #tpu.memory_space<vmem>>) target_semaphore(%run_scoped3A : memref<!tpu.dma_semaphore, #tpu.memory_space<semaphore_mem>>)
      %dma_wait3A_84 = tpu.memref_slice %arg3[%add3A_21] : memref<640000xi32, #tpu.memory_space<hbm>> -> memref<80xi32, #tpu.memory_space<hbm>>
      %dma_wait3A_85 = tpu.memref_slice %arg3[%add3A_21] : memref<640000xi32, #tpu.memory_space<hbm>> -> memref<80xi32, #tpu.memory_space<hbm>>
      tpu.wait_dma2 semaphore(%run_scoped3A : memref<!tpu.dma_semaphore, #tpu.memory_space<semaphore_mem>>) src(%dma_wait3A_85 : memref<80xi32, #tpu.memory_space<hbm>>) dst(%arg6 : memref<80xi32, #tpu.memory_space<vmem>>)
      tpu.yield
    }) : () -> ()
    %add3A_22 = arith.constant 80 : i32
    %add3A_23 = arith.addi %mul3A_11, %add3A_22 : i32
    "tpu.region"() ({
      %run_scoped3A = tpu.sem_alloc : memref<!tpu.dma_semaphore, #tpu.memory_space<semaphore_mem>>
      %dma_start3A_82 = tpu.memref_slice %arg4[%add3A_23] : memref<320000xi32, #tpu.memory_space<hbm>> -> memref<80xi32, #tpu.memory_space<hbm>>
      %dma_start3A_83 = tpu.memref_slice %arg4[%add3A_23] : memref<320000xi32, #tpu.memory_space<hbm>> -> memref<80xi32, #tpu.memory_space<hbm>>
      tpu.enqueue_dma source(%dma_start3A_83 : memref<80xi32, #tpu.memory_space<hbm>>) target(%arg10 : memref<80xi32, #tpu.memory_space<vmem>>) target_semaphore(%run_scoped3A : memref<!tpu.dma_semaphore, #tpu.memory_space<semaphore_mem>>)
      %dma_wait3A_84 = tpu.memref_slice %arg4[%add3A_23] : memref<320000xi32, #tpu.memory_space<hbm>> -> memref<80xi32, #tpu.memory_space<hbm>>
      %dma_wait3A_85 = tpu.memref_slice %arg4[%add3A_23] : memref<320000xi32, #tpu.memory_space<hbm>> -> memref<80xi32, #tpu.memory_space<hbm>>
      tpu.wait_dma2 semaphore(%run_scoped3A : memref<!tpu.dma_semaphore, #tpu.memory_space<semaphore_mem>>) src(%dma_wait3A_85 : memref<80xi32, #tpu.memory_space<hbm>>) dst(%arg10 : memref<80xi32, #tpu.memory_space<vmem>>)
      tpu.yield
    }) : () -> ()
    %dma_start3A_24 = arith.constant 0 : i32
    %dma_start3A_25 = arith.constant 0 : i32
    %dma_start3A_26 = tpu.memref_slice %arg2[%dma_start3A_24, %dma_start3A_25] : memref<20480x128xf32, #tpu.memory_space<hbm>> -> memref<20480x128xf32, #tpu.memory_space<hbm>>
    tpu.enqueue_indirect_dma source(%dma_start3A_26 : memref<20480x128xf32, #tpu.memory_space<hbm>>) target(%arg14 : memref<80x128xf32, #tpu.memory_space<vmem>>) offsets(%arg6 : memref<80xi32, #tpu.memory_space<vmem>>) semaphore(%arg19 : memref<!tpu.dma_semaphore, #tpu.memory_space<semaphore_mem>>)
    %dma_wait3A_27 = arith.constant 0 : i32
    %dma_wait3A_28 = arith.constant 0 : i32
    %dma_wait3A_29 = tpu.memref_slice %arg2[%dma_wait3A_27, %dma_wait3A_28] : memref<20480x128xf32, #tpu.memory_space<hbm>> -> memref<20480x128xf32, #tpu.memory_space<hbm>>
    tpu.wait_indirect_dma semaphore(%arg19 : memref<!tpu.dma_semaphore, #tpu.memory_space<semaphore_mem>>) src(%dma_wait3A_29 : memref<20480x128xf32, #tpu.memory_space<hbm>>) dst(%arg14 : memref<80x128xf32, #tpu.memory_space<vmem>>)
    "tpu.region"() ({
      %run_scoped3A = tpu.sem_alloc : memref<!tpu.dma_semaphore, #tpu.memory_space<semaphore_mem>>
      %dma_start3A_82 = arith.constant 0 : i32
      %dma_start3A_83 = arith.constant 0 : i32
      %dma_start3A_84 = tpu.memref_slice %arg18[%dma_start3A_82, %dma_start3A_83] : memref<10240x128xf32, #tpu.memory_space<vmem_shared>> -> memref<10240x128xf32, #tpu.memory_space<vmem_shared>>
      tpu.enqueue_indirect_dma source(%arg14 : memref<80x128xf32, #tpu.memory_space<vmem>>) target(%dma_start3A_84 : memref<10240x128xf32, #tpu.memory_space<vmem_shared>>) offsets(%arg10 : memref<80xi32, #tpu.memory_space<vmem>>) semaphore(%run_scoped3A : memref<!tpu.dma_semaphore, #tpu.memory_space<semaphore_mem>>) {add = true}
      %dma_wait3A_85 = arith.constant 0 : i32
      %dma_wait3A_86 = arith.constant 0 : i32
      %dma_wait3A_87 = tpu.memref_slice %arg18[%dma_wait3A_85, %dma_wait3A_86] : memref<10240x128xf32, #tpu.memory_space<vmem_shared>> -> memref<10240x128xf32, #tpu.memory_space<vmem_shared>>
      tpu.wait_indirect_dma semaphore(%run_scoped3A : memref<!tpu.dma_semaphore, #tpu.memory_space<semaphore_mem>>) src(%arg14 : memref<80x128xf32, #tpu.memory_space<vmem>>) dst(%dma_wait3A_87 : memref<10240x128xf32, #tpu.memory_space<vmem_shared>>)
      tpu.yield
    }) : () -> ()
    %add3A_30 = arith.constant 160 : i32
    %add3A_31 = arith.addi %mul3A_9, %add3A_30 : i32
    "tpu.region"() ({
      %run_scoped3A = tpu.sem_alloc : memref<!tpu.dma_semaphore, #tpu.memory_space<semaphore_mem>>
      %dma_start3A_82 = tpu.memref_slice %arg3[%add3A_31] : memref<640000xi32, #tpu.memory_space<hbm>> -> memref<80xi32, #tpu.memory_space<hbm>>
      %dma_start3A_83 = tpu.memref_slice %arg3[%add3A_31] : memref<640000xi32, #tpu.memory_space<hbm>> -> memref<80xi32, #tpu.memory_space<hbm>>
      tpu.enqueue_dma source(%dma_start3A_83 : memref<80xi32, #tpu.memory_space<hbm>>) target(%arg6 : memref<80xi32, #tpu.memory_space<vmem>>) target_semaphore(%run_scoped3A : memref<!tpu.dma_semaphore, #tpu.memory_space<semaphore_mem>>)
      %dma_wait3A_84 = tpu.memref_slice %arg3[%add3A_31] : memref<640000xi32, #tpu.memory_space<hbm>> -> memref<80xi32, #tpu.memory_space<hbm>>
      %dma_wait3A_85 = tpu.memref_slice %arg3[%add3A_31] : memref<640000xi32, #tpu.memory_space<hbm>> -> memref<80xi32, #tpu.memory_space<hbm>>
      tpu.wait_dma2 semaphore(%run_scoped3A : memref<!tpu.dma_semaphore, #tpu.memory_space<semaphore_mem>>) src(%dma_wait3A_85 : memref<80xi32, #tpu.memory_space<hbm>>) dst(%arg6 : memref<80xi32, #tpu.memory_space<vmem>>)
      tpu.yield
    }) : () -> ()
    %add3A_32 = arith.constant 160 : i32
    %add3A_33 = arith.addi %mul3A_11, %add3A_32 : i32
    "tpu.region"() ({
      %run_scoped3A = tpu.sem_alloc : memref<!tpu.dma_semaphore, #tpu.memory_space<semaphore_mem>>
      %dma_start3A_82 = tpu.memref_slice %arg4[%add3A_33] : memref<320000xi32, #tpu.memory_space<hbm>> -> memref<80xi32, #tpu.memory_space<hbm>>
      %dma_start3A_83 = tpu.memref_slice %arg4[%add3A_33] : memref<320000xi32, #tpu.memory_space<hbm>> -> memref<80xi32, #tpu.memory_space<hbm>>
      tpu.enqueue_dma source(%dma_start3A_83 : memref<80xi32, #tpu.memory_space<hbm>>) target(%arg10 : memref<80xi32, #tpu.memory_space<vmem>>) target_semaphore(%run_scoped3A : memref<!tpu.dma_semaphore, #tpu.memory_space<semaphore_mem>>)
      %dma_wait3A_84 = tpu.memref_slice %arg4[%add3A_33] : memref<320000xi32, #tpu.memory_space<hbm>> -> memref<80xi32, #tpu.memory_space<hbm>>
      %dma_wait3A_85 = tpu.memref_slice %arg4[%add3A_33] : memref<320000xi32, #tpu.memory_space<hbm>> -> memref<80xi32, #tpu.memory_space<hbm>>
      tpu.wait_dma2 semaphore(%run_scoped3A : memref<!tpu.dma_semaphore, #tpu.memory_space<semaphore_mem>>) src(%dma_wait3A_85 : memref<80xi32, #tpu.memory_space<hbm>>) dst(%arg10 : memref<80xi32, #tpu.memory_space<vmem>>)
      tpu.yield
    }) : () -> ()
    %dma_start3A_34 = arith.constant 0 : i32
    %dma_start3A_35 = arith.constant 0 : i32
    %dma_start3A_36 = tpu.memref_slice %arg2[%dma_start3A_34, %dma_start3A_35] : memref<20480x128xf32, #tpu.memory_space<hbm>> -> memref<20480x128xf32, #tpu.memory_space<hbm>>
    tpu.enqueue_indirect_dma source(%dma_start3A_36 : memref<20480x128xf32, #tpu.memory_space<hbm>>) target(%arg14 : memref<80x128xf32, #tpu.memory_space<vmem>>) offsets(%arg6 : memref<80xi32, #tpu.memory_space<vmem>>) semaphore(%arg19 : memref<!tpu.dma_semaphore, #tpu.memory_space<semaphore_mem>>)
    %add3A_37 = arith.constant 240 : i32
    %add3A_38 = arith.addi %mul3A_9, %add3A_37 : i32
    "tpu.region"() ({
      %run_scoped3A = tpu.sem_alloc : memref<!tpu.dma_semaphore, #tpu.memory_space<semaphore_mem>>
      %dma_start3A_82 = tpu.memref_slice %arg3[%add3A_38] : memref<640000xi32, #tpu.memory_space<hbm>> -> memref<80xi32, #tpu.memory_space<hbm>>
      %dma_start3A_83 = tpu.memref_slice %arg3[%add3A_38] : memref<640000xi32, #tpu.memory_space<hbm>> -> memref<80xi32, #tpu.memory_space<hbm>>
      tpu.enqueue_dma source(%dma_start3A_83 : memref<80xi32, #tpu.memory_space<hbm>>) target(%arg7 : memref<80xi32, #tpu.memory_space<vmem>>) target_semaphore(%run_scoped3A : memref<!tpu.dma_semaphore, #tpu.memory_space<semaphore_mem>>)
      %dma_wait3A_84 = tpu.memref_slice %arg3[%add3A_38] : memref<640000xi32, #tpu.memory_space<hbm>> -> memref<80xi32, #tpu.memory_space<hbm>>
      %dma_wait3A_85 = tpu.memref_slice %arg3[%add3A_38] : memref<640000xi32, #tpu.memory_space<hbm>> -> memref<80xi32, #tpu.memory_space<hbm>>
      tpu.wait_dma2 semaphore(%run_scoped3A : memref<!tpu.dma_semaphore, #tpu.memory_space<semaphore_mem>>) src(%dma_wait3A_85 : memref<80xi32, #tpu.memory_space<hbm>>) dst(%arg7 : memref<80xi32, #tpu.memory_space<vmem>>)
      tpu.yield
    }) : () -> ()
    %add3A_39 = arith.constant 240 : i32
    %add3A_40 = arith.addi %mul3A_11, %add3A_39 : i32
    "tpu.region"() ({
      %run_scoped3A = tpu.sem_alloc : memref<!tpu.dma_semaphore, #tpu.memory_space<semaphore_mem>>
      %dma_start3A_82 = tpu.memref_slice %arg4[%add3A_40] : memref<320000xi32, #tpu.memory_space<hbm>> -> memref<80xi32, #tpu.memory_space<hbm>>
      %dma_start3A_83 = tpu.memref_slice %arg4[%add3A_40] : memref<320000xi32, #tpu.memory_space<hbm>> -> memref<80xi32, #tpu.memory_space<hbm>>
      tpu.enqueue_dma source(%dma_start3A_83 : memref<80xi32, #tpu.memory_space<hbm>>) target(%arg11 : memref<80xi32, #tpu.memory_space<vmem>>) target_semaphore(%run_scoped3A : memref<!tpu.dma_semaphore, #tpu.memory_space<semaphore_mem>>)
      %dma_wait3A_84 = tpu.memref_slice %arg4[%add3A_40] : memref<320000xi32, #tpu.memory_space<hbm>> -> memref<80xi32, #tpu.memory_space<hbm>>
      %dma_wait3A_85 = tpu.memref_slice %arg4[%add3A_40] : memref<320000xi32, #tpu.memory_space<hbm>> -> memref<80xi32, #tpu.memory_space<hbm>>
      tpu.wait_dma2 semaphore(%run_scoped3A : memref<!tpu.dma_semaphore, #tpu.memory_space<semaphore_mem>>) src(%dma_wait3A_85 : memref<80xi32, #tpu.memory_space<hbm>>) dst(%arg11 : memref<80xi32, #tpu.memory_space<vmem>>)
      tpu.yield
    }) : () -> ()
    %dma_start3A_41 = arith.constant 0 : i32
    %dma_start3A_42 = arith.constant 0 : i32
    %dma_start3A_43 = tpu.memref_slice %arg2[%dma_start3A_41, %dma_start3A_42] : memref<20480x128xf32, #tpu.memory_space<hbm>> -> memref<20480x128xf32, #tpu.memory_space<hbm>>
    tpu.enqueue_indirect_dma source(%dma_start3A_43 : memref<20480x128xf32, #tpu.memory_space<hbm>>) target(%arg15 : memref<80x128xf32, #tpu.memory_space<vmem>>) offsets(%arg7 : memref<80xi32, #tpu.memory_space<vmem>>) semaphore(%arg20 : memref<!tpu.dma_semaphore, #tpu.memory_space<semaphore_mem>>)
    %add3A_44 = arith.constant 320 : i32
    %add3A_45 = arith.addi %mul3A_9, %add3A_44 : i32
    "tpu.region"() ({
      %run_scoped3A = tpu.sem_alloc : memref<!tpu.dma_semaphore, #tpu.memory_space<semaphore_mem>>
      %dma_start3A_82 = tpu.memref_slice %arg3[%add3A_45] : memref<640000xi32, #tpu.memory_space<hbm>> -> memref<80xi32, #tpu.memory_space<hbm>>
      %dma_start3A_83 = tpu.memref_slice %arg3[%add3A_45] : memref<640000xi32, #tpu.memory_space<hbm>> -> memref<80xi32, #tpu.memory_space<hbm>>
      tpu.enqueue_dma source(%dma_start3A_83 : memref<80xi32, #tpu.memory_space<hbm>>) target(%arg8 : memref<80xi32, #tpu.memory_space<vmem>>) target_semaphore(%run_scoped3A : memref<!tpu.dma_semaphore, #tpu.memory_space<semaphore_mem>>)
      %dma_wait3A_84 = tpu.memref_slice %arg3[%add3A_45] : memref<640000xi32, #tpu.memory_space<hbm>> -> memref<80xi32, #tpu.memory_space<hbm>>
      %dma_wait3A_85 = tpu.memref_slice %arg3[%add3A_45] : memref<640000xi32, #tpu.memory_space<hbm>> -> memref<80xi32, #tpu.memory_space<hbm>>
      tpu.wait_dma2 semaphore(%run_scoped3A : memref<!tpu.dma_semaphore, #tpu.memory_space<semaphore_mem>>) src(%dma_wait3A_85 : memref<80xi32, #tpu.memory_space<hbm>>) dst(%arg8 : memref<80xi32, #tpu.memory_space<vmem>>)
      tpu.yield
    }) : () -> ()
    %add3A_46 = arith.constant 320 : i32
    %add3A_47 = arith.addi %mul3A_11, %add3A_46 : i32
    "tpu.region"() ({
      %run_scoped3A = tpu.sem_alloc : memref<!tpu.dma_semaphore, #tpu.memory_space<semaphore_mem>>
      %dma_start3A_82 = tpu.memref_slice %arg4[%add3A_47] : memref<320000xi32, #tpu.memory_space<hbm>> -> memref<80xi32, #tpu.memory_space<hbm>>
      %dma_start3A_83 = tpu.memref_slice %arg4[%add3A_47] : memref<320000xi32, #tpu.memory_space<hbm>> -> memref<80xi32, #tpu.memory_space<hbm>>
      tpu.enqueue_dma source(%dma_start3A_83 : memref<80xi32, #tpu.memory_space<hbm>>) target(%arg12 : memref<80xi32, #tpu.memory_space<vmem>>) target_semaphore(%run_scoped3A : memref<!tpu.dma_semaphore, #tpu.memory_space<semaphore_mem>>)
      %dma_wait3A_84 = tpu.memref_slice %arg4[%add3A_47] : memref<320000xi32, #tpu.memory_space<hbm>> -> memref<80xi32, #tpu.memory_space<hbm>>
      %dma_wait3A_85 = tpu.memref_slice %arg4[%add3A_47] : memref<320000xi32, #tpu.memory_space<hbm>> -> memref<80xi32, #tpu.memory_space<hbm>>
      tpu.wait_dma2 semaphore(%run_scoped3A : memref<!tpu.dma_semaphore, #tpu.memory_space<semaphore_mem>>) src(%dma_wait3A_85 : memref<80xi32, #tpu.memory_space<hbm>>) dst(%arg12 : memref<80xi32, #tpu.memory_space<vmem>>)
      tpu.yield
    }) : () -> ()
    %dma_start3A_48 = arith.constant 0 : i32
    %dma_start3A_49 = arith.constant 0 : i32
    %dma_start3A_50 = tpu.memref_slice %arg2[%dma_start3A_48, %dma_start3A_49] : memref<20480x128xf32, #tpu.memory_space<hbm>> -> memref<20480x128xf32, #tpu.memory_space<hbm>>
    tpu.enqueue_indirect_dma source(%dma_start3A_50 : memref<20480x128xf32, #tpu.memory_space<hbm>>) target(%arg16 : memref<80x128xf32, #tpu.memory_space<vmem>>) offsets(%arg8 : memref<80xi32, #tpu.memory_space<vmem>>) semaphore(%arg21 : memref<!tpu.dma_semaphore, #tpu.memory_space<semaphore_mem>>)
    %add3A_51 = arith.constant 400 : i32
    %add3A_52 = arith.addi %mul3A_9, %add3A_51 : i32
    "tpu.region"() ({
      %run_scoped3A = tpu.sem_alloc : memref<!tpu.dma_semaphore, #tpu.memory_space<semaphore_mem>>
      %dma_start3A_82 = tpu.memref_slice %arg3[%add3A_52] : memref<640000xi32, #tpu.memory_space<hbm>> -> memref<80xi32, #tpu.memory_space<hbm>>
      %dma_start3A_83 = tpu.memref_slice %arg3[%add3A_52] : memref<640000xi32, #tpu.memory_space<hbm>> -> memref<80xi32, #tpu.memory_space<hbm>>
      tpu.enqueue_dma source(%dma_start3A_83 : memref<80xi32, #tpu.memory_space<hbm>>) target(%arg9 : memref<80xi32, #tpu.memory_space<vmem>>) target_semaphore(%run_scoped3A : memref<!tpu.dma_semaphore, #tpu.memory_space<semaphore_mem>>)
      %dma_wait3A_84 = tpu.memref_slice %arg3[%add3A_52] : memref<640000xi32, #tpu.memory_space<hbm>> -> memref<80xi32, #tpu.memory_space<hbm>>
      %dma_wait3A_85 = tpu.memref_slice %arg3[%add3A_52] : memref<640000xi32, #tpu.memory_space<hbm>> -> memref<80xi32, #tpu.memory_space<hbm>>
      tpu.wait_dma2 semaphore(%run_scoped3A : memref<!tpu.dma_semaphore, #tpu.memory_space<semaphore_mem>>) src(%dma_wait3A_85 : memref<80xi32, #tpu.memory_space<hbm>>) dst(%arg9 : memref<80xi32, #tpu.memory_space<vmem>>)
      tpu.yield
    }) : () -> ()
    %add3A_53 = arith.constant 400 : i32
    %add3A_54 = arith.addi %mul3A_11, %add3A_53 : i32
    "tpu.region"() ({
      %run_scoped3A = tpu.sem_alloc : memref<!tpu.dma_semaphore, #tpu.memory_space<semaphore_mem>>
      %dma_start3A_82 = tpu.memref_slice %arg4[%add3A_54] : memref<320000xi32, #tpu.memory_space<hbm>> -> memref<80xi32, #tpu.memory_space<hbm>>
      %dma_start3A_83 = tpu.memref_slice %arg4[%add3A_54] : memref<320000xi32, #tpu.memory_space<hbm>> -> memref<80xi32, #tpu.memory_space<hbm>>
      tpu.enqueue_dma source(%dma_start3A_83 : memref<80xi32, #tpu.memory_space<hbm>>) target(%arg13 : memref<80xi32, #tpu.memory_space<vmem>>) target_semaphore(%run_scoped3A : memref<!tpu.dma_semaphore, #tpu.memory_space<semaphore_mem>>)
      %dma_wait3A_84 = tpu.memref_slice %arg4[%add3A_54] : memref<320000xi32, #tpu.memory_space<hbm>> -> memref<80xi32, #tpu.memory_space<hbm>>
      %dma_wait3A_85 = tpu.memref_slice %arg4[%add3A_54] : memref<320000xi32, #tpu.memory_space<hbm>> -> memref<80xi32, #tpu.memory_space<hbm>>
      tpu.wait_dma2 semaphore(%run_scoped3A : memref<!tpu.dma_semaphore, #tpu.memory_space<semaphore_mem>>) src(%dma_wait3A_85 : memref<80xi32, #tpu.memory_space<hbm>>) dst(%arg13 : memref<80xi32, #tpu.memory_space<vmem>>)
      tpu.yield
    }) : () -> ()
    %dma_start3A_55 = arith.constant 0 : i32
    %dma_start3A_56 = arith.constant 0 : i32
    %dma_start3A_57 = tpu.memref_slice %arg2[%dma_start3A_55, %dma_start3A_56] : memref<20480x128xf32, #tpu.memory_space<hbm>> -> memref<20480x128xf32, #tpu.memory_space<hbm>>
    tpu.enqueue_indirect_dma source(%dma_start3A_57 : memref<20480x128xf32, #tpu.memory_space<hbm>>) target(%arg17 : memref<80x128xf32, #tpu.memory_space<vmem>>) offsets(%arg9 : memref<80xi32, #tpu.memory_space<vmem>>) semaphore(%arg22 : memref<!tpu.dma_semaphore, #tpu.memory_space<semaphore_mem>>)
    %scan3A = arith.constant 0 : i32
    %scan3A_58 = arith.constant 0 : i32
    %scan3A_59 = arith.constant 62 : i32
    %scan3A_60 = arith.addi %scan3A_58, %scan3A_59 : i32
    %scan3A_61 = arith.constant 1 : i32
    %scan3A_62 = scf.for %scan3A_82 = %scan3A_58 to %scan3A_60 step %scan3A_61 iter_args(%scan3A_83 = %scan3A) -> (i32)  : i32 {
      %mul3A_84 = arith.constant 4 : i32
      %mul3A_85 = arith.muli %mul3A_84, %scan3A_82 : i32
      %add3A_86 = arith.constant 2 : i32
      %add3A_87 = arith.addi %add3A_86, %mul3A_85 : i32
      %dma_wait3A_88 = arith.constant 0 : i32
      %dma_wait3A_89 = arith.constant 0 : i32
      %dma_wait3A_90 = tpu.memref_slice %arg2[%dma_wait3A_88, %dma_wait3A_89] : memref<20480x128xf32, #tpu.memory_space<hbm>> -> memref<20480x128xf32, #tpu.memory_space<hbm>>
      tpu.wait_indirect_dma semaphore(%arg19 : memref<!tpu.dma_semaphore, #tpu.memory_space<semaphore_mem>>) src(%dma_wait3A_90 : memref<20480x128xf32, #tpu.memory_space<hbm>>) dst(%arg14 : memref<80x128xf32, #tpu.memory_space<vmem>>)
      %dma_start3A_91 = arith.constant 0 : i32
      %dma_start3A_92 = arith.constant 0 : i32
      %dma_start3A_93 = tpu.memref_slice %arg18[%dma_start3A_91, %dma_start3A_92] : memref<10240x128xf32, #tpu.memory_space<vmem_shared>> -> memref<10240x128xf32, #tpu.memory_space<vmem_shared>>
      tpu.enqueue_indirect_dma source(%arg14 : memref<80x128xf32, #tpu.memory_space<vmem>>) target(%dma_start3A_93 : memref<10240x128xf32, #tpu.memory_space<vmem_shared>>) offsets(%arg10 : memref<80xi32, #tpu.memory_space<vmem>>) semaphore(%arg23 : memref<!tpu.dma_semaphore, #tpu.memory_space<semaphore_mem>>) {add = true}
      %dma_wait3A_94 = arith.constant 0 : i32
      %dma_wait3A_95 = arith.constant 0 : i32
      %dma_wait3A_96 = tpu.memref_slice %arg2[%dma_wait3A_94, %dma_wait3A_95] : memref<20480x128xf32, #tpu.memory_space<hbm>> -> memref<20480x128xf32, #tpu.memory_space<hbm>>
      tpu.wait_indirect_dma semaphore(%arg20 : memref<!tpu.dma_semaphore, #tpu.memory_space<semaphore_mem>>) src(%dma_wait3A_96 : memref<20480x128xf32, #tpu.memory_space<hbm>>) dst(%arg15 : memref<80x128xf32, #tpu.memory_space<vmem>>)
      %dma_start3A_97 = arith.constant 0 : i32
      %dma_start3A_98 = arith.constant 0 : i32
      %dma_start3A_99 = tpu.memref_slice %arg18[%dma_start3A_97, %dma_start3A_98] : memref<10240x128xf32, #tpu.memory_space<vmem_shared>> -> memref<10240x128xf32, #tpu.memory_space<vmem_shared>>
      tpu.enqueue_indirect_dma source(%arg15 : memref<80x128xf32, #tpu.memory_space<vmem>>) target(%dma_start3A_99 : memref<10240x128xf32, #tpu.memory_space<vmem_shared>>) offsets(%arg11 : memref<80xi32, #tpu.memory_space<vmem>>) semaphore(%arg24 : memref<!tpu.dma_semaphore, #tpu.memory_space<semaphore_mem>>) {add = true}
      %dma_wait3A_100 = arith.constant 0 : i32
      %dma_wait3A_101 = arith.constant 0 : i32
      %dma_wait3A_102 = tpu.memref_slice %arg2[%dma_wait3A_100, %dma_wait3A_101] : memref<20480x128xf32, #tpu.memory_space<hbm>> -> memref<20480x128xf32, #tpu.memory_space<hbm>>
      tpu.wait_indirect_dma semaphore(%arg21 : memref<!tpu.dma_semaphore, #tpu.memory_space<semaphore_mem>>) src(%dma_wait3A_102 : memref<20480x128xf32, #tpu.memory_space<hbm>>) dst(%arg16 : memref<80x128xf32, #tpu.memory_space<vmem>>)
      %dma_start3A_103 = arith.constant 0 : i32
      %dma_start3A_104 = arith.constant 0 : i32
      %dma_start3A_105 = tpu.memref_slice %arg18[%dma_start3A_103, %dma_start3A_104] : memref<10240x128xf32, #tpu.memory_space<vmem_shared>> -> memref<10240x128xf32, #tpu.memory_space<vmem_shared>>
      tpu.enqueue_indirect_dma source(%arg16 : memref<80x128xf32, #tpu.memory_space<vmem>>) target(%dma_start3A_105 : memref<10240x128xf32, #tpu.memory_space<vmem_shared>>) offsets(%arg12 : memref<80xi32, #tpu.memory_space<vmem>>) semaphore(%arg25 : memref<!tpu.dma_semaphore, #tpu.memory_space<semaphore_mem>>) {add = true}
      %dma_wait3A_106 = arith.constant 0 : i32
      %dma_wait3A_107 = arith.constant 0 : i32
      %dma_wait3A_108 = tpu.memref_slice %arg2[%dma_wait3A_106, %dma_wait3A_107] : memref<20480x128xf32, #tpu.memory_space<hbm>> -> memref<20480x128xf32, #tpu.memory_space<hbm>>
      tpu.wait_indirect_dma semaphore(%arg22 : memref<!tpu.dma_semaphore, #tpu.memory_space<semaphore_mem>>) src(%dma_wait3A_108 : memref<20480x128xf32, #tpu.memory_space<hbm>>) dst(%arg17 : memref<80x128xf32, #tpu.memory_space<vmem>>)
      %dma_start3A_109 = arith.constant 0 : i32
      %dma_start3A_110 = arith.constant 0 : i32
      %dma_start3A_111 = tpu.memref_slice %arg18[%dma_start3A_109, %dma_start3A_110] : memref<10240x128xf32, #tpu.memory_space<vmem_shared>> -> memref<10240x128xf32, #tpu.memory_space<vmem_shared>>
      tpu.enqueue_indirect_dma source(%arg17 : memref<80x128xf32, #tpu.memory_space<vmem>>) target(%dma_start3A_111 : memref<10240x128xf32, #tpu.memory_space<vmem_shared>>) offsets(%arg13 : memref<80xi32, #tpu.memory_space<vmem>>) semaphore(%arg26 : memref<!tpu.dma_semaphore, #tpu.memory_space<semaphore_mem>>) {add = true}
      %add3A_112 = arith.constant 0 : i32
      %add3A_113 = arith.addi %add3A_87, %add3A_112 : i32
      %add3A_114 = arith.constant 4 : i32
      %add3A_115 = arith.addi %add3A_113, %add3A_114 : i32
      %lt3A = arith.constant 250 : i32
      %lt3A_116 = arith.cmpi slt, %add3A_115, %lt3A : i32
      %convert_element_type3A = arith.extui %lt3A_116 : i1 to i32
      %cond3A = arith.constant 0 : i32
      %cond3A_117 = arith.cmpi ne, %convert_element_type3A, %cond3A : i32
      scf.if %cond3A_117 {
        %dma_wait3A_146 = arith.constant 0 : i32
        %dma_wait3A_147 = arith.constant 0 : i32
        %dma_wait3A_148 = tpu.memref_slice %arg18[%dma_wait3A_146, %dma_wait3A_147] : memref<10240x128xf32, #tpu.memory_space<vmem_shared>> -> memref<10240x128xf32, #tpu.memory_space<vmem_shared>>
        tpu.wait_indirect_dma semaphore(%arg23 : memref<!tpu.dma_semaphore, #tpu.memory_space<semaphore_mem>>) src(%arg14 : memref<80x128xf32, #tpu.memory_space<vmem>>) dst(%dma_wait3A_148 : memref<10240x128xf32, #tpu.memory_space<vmem_shared>>)
        %add3A_149 = arith.constant 0 : i32
        %add3A_150 = arith.addi %add3A_87, %add3A_149 : i32
        %add3A_151 = arith.constant 4 : i32
        %add3A_152 = arith.addi %add3A_150, %add3A_151 : i32
        %mul3A_153 = arith.constant 80 : i32
        %mul3A_154 = arith.muli %add3A_152, %mul3A_153 : i32
        %add3A_155 = arith.addi %mul3A_9, %mul3A_154 : i32
        "tpu.region"() ({
          %run_scoped3A = tpu.sem_alloc : memref<!tpu.dma_semaphore, #tpu.memory_space<semaphore_mem>>
          %dma_start3A_166 = tpu.memref_slice %arg3[%add3A_155] : memref<640000xi32, #tpu.memory_space<hbm>> -> memref<80xi32, #tpu.memory_space<hbm>>
          %dma_start3A_167 = tpu.memref_slice %arg3[%add3A_155] : memref<640000xi32, #tpu.memory_space<hbm>> -> memref<80xi32, #tpu.memory_space<hbm>>
          tpu.enqueue_dma source(%dma_start3A_167 : memref<80xi32, #tpu.memory_space<hbm>>) target(%arg6 : memref<80xi32, #tpu.memory_space<vmem>>) target_semaphore(%run_scoped3A : memref<!tpu.dma_semaphore, #tpu.memory_space<semaphore_mem>>)
          %dma_wait3A_168 = tpu.memref_slice %arg3[%add3A_155] : memref<640000xi32, #tpu.memory_space<hbm>> -> memref<80xi32, #tpu.memory_space<hbm>>
          %dma_wait3A_169 = tpu.memref_slice %arg3[%add3A_155] : memref<640000xi32, #tpu.memory_space<hbm>> -> memref<80xi32, #tpu.memory_space<hbm>>
          tpu.wait_dma2 semaphore(%run_scoped3A : memref<!tpu.dma_semaphore, #tpu.memory_space<semaphore_mem>>) src(%dma_wait3A_169 : memref<80xi32, #tpu.memory_space<hbm>>) dst(%arg6 : memref<80xi32, #tpu.memory_space<vmem>>)
          tpu.yield
        }) : () -> ()
        %add3A_156 = arith.constant 0 : i32
        %add3A_157 = arith.addi %add3A_87, %add3A_156 : i32
        %add3A_158 = arith.constant 4 : i32
        %add3A_159 = arith.addi %add3A_157, %add3A_158 : i32
        %mul3A_160 = arith.constant 80 : i32
        %mul3A_161 = arith.muli %add3A_159, %mul3A_160 : i32
        %add3A_162 = arith.addi %mul3A_11, %mul3A_161 : i32
        "tpu.region"() ({
          %run_scoped3A = tpu.sem_alloc : memref<!tpu.dma_semaphore, #tpu.memory_space<semaphore_mem>>
          %dma_start3A_166 = tpu.memref_slice %arg4[%add3A_162] : memref<320000xi32, #tpu.memory_space<hbm>> -> memref<80xi32, #tpu.memory_space<hbm>>
          %dma_start3A_167 = tpu.memref_slice %arg4[%add3A_162] : memref<320000xi32, #tpu.memory_space<hbm>> -> memref<80xi32, #tpu.memory_space<hbm>>
          tpu.enqueue_dma source(%dma_start3A_167 : memref<80xi32, #tpu.memory_space<hbm>>) target(%arg10 : memref<80xi32, #tpu.memory_space<vmem>>) target_semaphore(%run_scoped3A : memref<!tpu.dma_semaphore, #tpu.memory_space<semaphore_mem>>)
          %dma_wait3A_168 = tpu.memref_slice %arg4[%add3A_162] : memref<320000xi32, #tpu.memory_space<hbm>> -> memref<80xi32, #tpu.memory_space<hbm>>
          %dma_wait3A_169 = tpu.memref_slice %arg4[%add3A_162] : memref<320000xi32, #tpu.memory_space<hbm>> -> memref<80xi32, #tpu.memory_space<hbm>>
          tpu.wait_dma2 semaphore(%run_scoped3A : memref<!tpu.dma_semaphore, #tpu.memory_space<semaphore_mem>>) src(%dma_wait3A_169 : memref<80xi32, #tpu.memory_space<hbm>>) dst(%arg10 : memref<80xi32, #tpu.memory_space<vmem>>)
          tpu.yield
        }) : () -> ()
        %dma_start3A_163 = arith.constant 0 : i32
        %dma_start3A_164 = arith.constant 0 : i32
        %dma_start3A_165 = tpu.memref_slice %arg2[%dma_start3A_163, %dma_start3A_164] : memref<20480x128xf32, #tpu.memory_space<hbm>> -> memref<20480x128xf32, #tpu.memory_space<hbm>>
        tpu.enqueue_indirect_dma source(%dma_start3A_165 : memref<20480x128xf32, #tpu.memory_space<hbm>>) target(%arg14 : memref<80x128xf32, #tpu.memory_space<vmem>>) offsets(%arg6 : memref<80xi32, #tpu.memory_space<vmem>>) semaphore(%arg19 : memref<!tpu.dma_semaphore, #tpu.memory_space<semaphore_mem>>)
      } else {
      }
      %add3A_118 = arith.constant 1 : i32
      %add3A_119 = arith.addi %add3A_87, %add3A_118 : i32
      %add3A_120 = arith.constant 4 : i32
      %add3A_121 = arith.addi %add3A_119, %add3A_120 : i32
      %lt3A_122 = arith.constant 250 : i32
      %lt3A_123 = arith.cmpi slt, %add3A_121, %lt3A_122 : i32
      %convert_element_type3A_124 = arith.extui %lt3A_123 : i1 to i32
      %cond3A_125 = arith.constant 0 : i32
      %cond3A_126 = arith.cmpi ne, %convert_element_type3A_124, %cond3A_125 : i32
      scf.if %cond3A_126 {
        %dma_wait3A_146 = arith.constant 0 : i32
        %dma_wait3A_147 = arith.constant 0 : i32
        %dma_wait3A_148 = tpu.memref_slice %arg18[%dma_wait3A_146, %dma_wait3A_147] : memref<10240x128xf32, #tpu.memory_space<vmem_shared>> -> memref<10240x128xf32, #tpu.memory_space<vmem_shared>>
        tpu.wait_indirect_dma semaphore(%arg24 : memref<!tpu.dma_semaphore, #tpu.memory_space<semaphore_mem>>) src(%arg15 : memref<80x128xf32, #tpu.memory_space<vmem>>) dst(%dma_wait3A_148 : memref<10240x128xf32, #tpu.memory_space<vmem_shared>>)
        %add3A_149 = arith.constant 1 : i32
        %add3A_150 = arith.addi %add3A_87, %add3A_149 : i32
        %add3A_151 = arith.constant 4 : i32
        %add3A_152 = arith.addi %add3A_150, %add3A_151 : i32
        %mul3A_153 = arith.constant 80 : i32
        %mul3A_154 = arith.muli %add3A_152, %mul3A_153 : i32
        %add3A_155 = arith.addi %mul3A_9, %mul3A_154 : i32
        "tpu.region"() ({
          %run_scoped3A = tpu.sem_alloc : memref<!tpu.dma_semaphore, #tpu.memory_space<semaphore_mem>>
          %dma_start3A_166 = tpu.memref_slice %arg3[%add3A_155] : memref<640000xi32, #tpu.memory_space<hbm>> -> memref<80xi32, #tpu.memory_space<hbm>>
          %dma_start3A_167 = tpu.memref_slice %arg3[%add3A_155] : memref<640000xi32, #tpu.memory_space<hbm>> -> memref<80xi32, #tpu.memory_space<hbm>>
          tpu.enqueue_dma source(%dma_start3A_167 : memref<80xi32, #tpu.memory_space<hbm>>) target(%arg7 : memref<80xi32, #tpu.memory_space<vmem>>) target_semaphore(%run_scoped3A : memref<!tpu.dma_semaphore, #tpu.memory_space<semaphore_mem>>)
          %dma_wait3A_168 = tpu.memref_slice %arg3[%add3A_155] : memref<640000xi32, #tpu.memory_space<hbm>> -> memref<80xi32, #tpu.memory_space<hbm>>
          %dma_wait3A_169 = tpu.memref_slice %arg3[%add3A_155] : memref<640000xi32, #tpu.memory_space<hbm>> -> memref<80xi32, #tpu.memory_space<hbm>>
          tpu.wait_dma2 semaphore(%run_scoped3A : memref<!tpu.dma_semaphore, #tpu.memory_space<semaphore_mem>>) src(%dma_wait3A_169 : memref<80xi32, #tpu.memory_space<hbm>>) dst(%arg7 : memref<80xi32, #tpu.memory_space<vmem>>)
          tpu.yield
        }) : () -> ()
        %add3A_156 = arith.constant 1 : i32
        %add3A_157 = arith.addi %add3A_87, %add3A_156 : i32
        %add3A_158 = arith.constant 4 : i32
        %add3A_159 = arith.addi %add3A_157, %add3A_158 : i32
        %mul3A_160 = arith.constant 80 : i32
        %mul3A_161 = arith.muli %add3A_159, %mul3A_160 : i32
        %add3A_162 = arith.addi %mul3A_11, %mul3A_161 : i32
        "tpu.region"() ({
          %run_scoped3A = tpu.sem_alloc : memref<!tpu.dma_semaphore, #tpu.memory_space<semaphore_mem>>
          %dma_start3A_166 = tpu.memref_slice %arg4[%add3A_162] : memref<320000xi32, #tpu.memory_space<hbm>> -> memref<80xi32, #tpu.memory_space<hbm>>
          %dma_start3A_167 = tpu.memref_slice %arg4[%add3A_162] : memref<320000xi32, #tpu.memory_space<hbm>> -> memref<80xi32, #tpu.memory_space<hbm>>
          tpu.enqueue_dma source(%dma_start3A_167 : memref<80xi32, #tpu.memory_space<hbm>>) target(%arg11 : memref<80xi32, #tpu.memory_space<vmem>>) target_semaphore(%run_scoped3A : memref<!tpu.dma_semaphore, #tpu.memory_space<semaphore_mem>>)
          %dma_wait3A_168 = tpu.memref_slice %arg4[%add3A_162] : memref<320000xi32, #tpu.memory_space<hbm>> -> memref<80xi32, #tpu.memory_space<hbm>>
          %dma_wait3A_169 = tpu.memref_slice %arg4[%add3A_162] : memref<320000xi32, #tpu.memory_space<hbm>> -> memref<80xi32, #tpu.memory_space<hbm>>
          tpu.wait_dma2 semaphore(%run_scoped3A : memref<!tpu.dma_semaphore, #tpu.memory_space<semaphore_mem>>) src(%dma_wait3A_169 : memref<80xi32, #tpu.memory_space<hbm>>) dst(%arg11 : memref<80xi32, #tpu.memory_space<vmem>>)
          tpu.yield
        }) : () -> ()
        %dma_start3A_163 = arith.constant 0 : i32
        %dma_start3A_164 = arith.constant 0 : i32
        %dma_start3A_165 = tpu.memref_slice %arg2[%dma_start3A_163, %dma_start3A_164] : memref<20480x128xf32, #tpu.memory_space<hbm>> -> memref<20480x128xf32, #tpu.memory_space<hbm>>
        tpu.enqueue_indirect_dma source(%dma_start3A_165 : memref<20480x128xf32, #tpu.memory_space<hbm>>) target(%arg15 : memref<80x128xf32, #tpu.memory_space<vmem>>) offsets(%arg7 : memref<80xi32, #tpu.memory_space<vmem>>) semaphore(%arg20 : memref<!tpu.dma_semaphore, #tpu.memory_space<semaphore_mem>>)
      } else {
      }
      %add3A_127 = arith.constant 2 : i32
      %add3A_128 = arith.addi %add3A_87, %add3A_127 : i32
      %add3A_129 = arith.constant 4 : i32
      %add3A_130 = arith.addi %add3A_128, %add3A_129 : i32
      %lt3A_131 = arith.constant 250 : i32
      %lt3A_132 = arith.cmpi slt, %add3A_130, %lt3A_131 : i32
      %convert_element_type3A_133 = arith.extui %lt3A_132 : i1 to i32
      %cond3A_134 = arith.constant 0 : i32
      %cond3A_135 = arith.cmpi ne, %convert_element_type3A_133, %cond3A_134 : i32
      scf.if %cond3A_135 {
        %dma_wait3A_146 = arith.constant 0 : i32
        %dma_wait3A_147 = arith.constant 0 : i32
        %dma_wait3A_148 = tpu.memref_slice %arg18[%dma_wait3A_146, %dma_wait3A_147] : memref<10240x128xf32, #tpu.memory_space<vmem_shared>> -> memref<10240x128xf32, #tpu.memory_space<vmem_shared>>
        tpu.wait_indirect_dma semaphore(%arg25 : memref<!tpu.dma_semaphore, #tpu.memory_space<semaphore_mem>>) src(%arg16 : memref<80x128xf32, #tpu.memory_space<vmem>>) dst(%dma_wait3A_148 : memref<10240x128xf32, #tpu.memory_space<vmem_shared>>)
        %add3A_149 = arith.constant 2 : i32
        %add3A_150 = arith.addi %add3A_87, %add3A_149 : i32
        %add3A_151 = arith.constant 4 : i32
        %add3A_152 = arith.addi %add3A_150, %add3A_151 : i32
        %mul3A_153 = arith.constant 80 : i32
        %mul3A_154 = arith.muli %add3A_152, %mul3A_153 : i32
        %add3A_155 = arith.addi %mul3A_9, %mul3A_154 : i32
        "tpu.region"() ({
          %run_scoped3A = tpu.sem_alloc : memref<!tpu.dma_semaphore, #tpu.memory_space<semaphore_mem>>
          %dma_start3A_166 = tpu.memref_slice %arg3[%add3A_155] : memref<640000xi32, #tpu.memory_space<hbm>> -> memref<80xi32, #tpu.memory_space<hbm>>
          %dma_start3A_167 = tpu.memref_slice %arg3[%add3A_155] : memref<640000xi32, #tpu.memory_space<hbm>> -> memref<80xi32, #tpu.memory_space<hbm>>
          tpu.enqueue_dma source(%dma_start3A_167 : memref<80xi32, #tpu.memory_space<hbm>>) target(%arg8 : memref<80xi32, #tpu.memory_space<vmem>>) target_semaphore(%run_scoped3A : memref<!tpu.dma_semaphore, #tpu.memory_space<semaphore_mem>>)
          %dma_wait3A_168 = tpu.memref_slice %arg3[%add3A_155] : memref<640000xi32, #tpu.memory_space<hbm>> -> memref<80xi32, #tpu.memory_space<hbm>>
          %dma_wait3A_169 = tpu.memref_slice %arg3[%add3A_155] : memref<640000xi32, #tpu.memory_space<hbm>> -> memref<80xi32, #tpu.memory_space<hbm>>
          tpu.wait_dma2 semaphore(%run_scoped3A : memref<!tpu.dma_semaphore, #tpu.memory_space<semaphore_mem>>) src(%dma_wait3A_169 : memref<80xi32, #tpu.memory_space<hbm>>) dst(%arg8 : memref<80xi32, #tpu.memory_space<vmem>>)
          tpu.yield
        }) : () -> ()
        %add3A_156 = arith.constant 2 : i32
        %add3A_157 = arith.addi %add3A_87, %add3A_156 : i32
        %add3A_158 = arith.constant 4 : i32
        %add3A_159 = arith.addi %add3A_157, %add3A_158 : i32
        %mul3A_160 = arith.constant 80 : i32
        %mul3A_161 = arith.muli %add3A_159, %mul3A_160 : i32
        %add3A_162 = arith.addi %mul3A_11, %mul3A_161 : i32
        "tpu.region"() ({
          %run_scoped3A = tpu.sem_alloc : memref<!tpu.dma_semaphore, #tpu.memory_space<semaphore_mem>>
          %dma_start3A_166 = tpu.memref_slice %arg4[%add3A_162] : memref<320000xi32, #tpu.memory_space<hbm>> -> memref<80xi32, #tpu.memory_space<hbm>>
          %dma_start3A_167 = tpu.memref_slice %arg4[%add3A_162] : memref<320000xi32, #tpu.memory_space<hbm>> -> memref<80xi32, #tpu.memory_space<hbm>>
          tpu.enqueue_dma source(%dma_start3A_167 : memref<80xi32, #tpu.memory_space<hbm>>) target(%arg12 : memref<80xi32, #tpu.memory_space<vmem>>) target_semaphore(%run_scoped3A : memref<!tpu.dma_semaphore, #tpu.memory_space<semaphore_mem>>)
          %dma_wait3A_168 = tpu.memref_slice %arg4[%add3A_162] : memref<320000xi32, #tpu.memory_space<hbm>> -> memref<80xi32, #tpu.memory_space<hbm>>
          %dma_wait3A_169 = tpu.memref_slice %arg4[%add3A_162] : memref<320000xi32, #tpu.memory_space<hbm>> -> memref<80xi32, #tpu.memory_space<hbm>>
          tpu.wait_dma2 semaphore(%run_scoped3A : memref<!tpu.dma_semaphore, #tpu.memory_space<semaphore_mem>>) src(%dma_wait3A_169 : memref<80xi32, #tpu.memory_space<hbm>>) dst(%arg12 : memref<80xi32, #tpu.memory_space<vmem>>)
          tpu.yield
        }) : () -> ()
        %dma_start3A_163 = arith.constant 0 : i32
        %dma_start3A_164 = arith.constant 0 : i32
        %dma_start3A_165 = tpu.memref_slice %arg2[%dma_start3A_163, %dma_start3A_164] : memref<20480x128xf32, #tpu.memory_space<hbm>> -> memref<20480x128xf32, #tpu.memory_space<hbm>>
        tpu.enqueue_indirect_dma source(%dma_start3A_165 : memref<20480x128xf32, #tpu.memory_space<hbm>>) target(%arg16 : memref<80x128xf32, #tpu.memory_space<vmem>>) offsets(%arg8 : memref<80xi32, #tpu.memory_space<vmem>>) semaphore(%arg21 : memref<!tpu.dma_semaphore, #tpu.memory_space<semaphore_mem>>)
      } else {
      }
      %add3A_136 = arith.constant 3 : i32
      %add3A_137 = arith.addi %add3A_87, %add3A_136 : i32
      %add3A_138 = arith.constant 4 : i32
      %add3A_139 = arith.addi %add3A_137, %add3A_138 : i32
      %lt3A_140 = arith.constant 250 : i32
      %lt3A_141 = arith.cmpi slt, %add3A_139, %lt3A_140 : i32
      %convert_element_type3A_142 = arith.extui %lt3A_141 : i1 to i32
      %cond3A_143 = arith.constant 0 : i32
      %cond3A_144 = arith.cmpi ne, %convert_element_type3A_142, %cond3A_143 : i32
      scf.if %cond3A_144 {
        %dma_wait3A_146 = arith.constant 0 : i32
        %dma_wait3A_147 = arith.constant 0 : i32
        %dma_wait3A_148 = tpu.memref_slice %arg18[%dma_wait3A_146, %dma_wait3A_147] : memref<10240x128xf32, #tpu.memory_space<vmem_shared>> -> memref<10240x128xf32, #tpu.memory_space<vmem_shared>>
        tpu.wait_indirect_dma semaphore(%arg26 : memref<!tpu.dma_semaphore, #tpu.memory_space<semaphore_mem>>) src(%arg17 : memref<80x128xf32, #tpu.memory_space<vmem>>) dst(%dma_wait3A_148 : memref<10240x128xf32, #tpu.memory_space<vmem_shared>>)
        %add3A_149 = arith.constant 3 : i32
        %add3A_150 = arith.addi %add3A_87, %add3A_149 : i32
        %add3A_151 = arith.constant 4 : i32
        %add3A_152 = arith.addi %add3A_150, %add3A_151 : i32
        %mul3A_153 = arith.constant 80 : i32
        %mul3A_154 = arith.muli %add3A_152, %mul3A_153 : i32
        %add3A_155 = arith.addi %mul3A_9, %mul3A_154 : i32
        "tpu.region"() ({
          %run_scoped3A = tpu.sem_alloc : memref<!tpu.dma_semaphore, #tpu.memory_space<semaphore_mem>>
          %dma_start3A_166 = tpu.memref_slice %arg3[%add3A_155] : memref<640000xi32, #tpu.memory_space<hbm>> -> memref<80xi32, #tpu.memory_space<hbm>>
          %dma_start3A_167 = tpu.memref_slice %arg3[%add3A_155] : memref<640000xi32, #tpu.memory_space<hbm>> -> memref<80xi32, #tpu.memory_space<hbm>>
          tpu.enqueue_dma source(%dma_start3A_167 : memref<80xi32, #tpu.memory_space<hbm>>) target(%arg9 : memref<80xi32, #tpu.memory_space<vmem>>) target_semaphore(%run_scoped3A : memref<!tpu.dma_semaphore, #tpu.memory_space<semaphore_mem>>)
          %dma_wait3A_168 = tpu.memref_slice %arg3[%add3A_155] : memref<640000xi32, #tpu.memory_space<hbm>> -> memref<80xi32, #tpu.memory_space<hbm>>
          %dma_wait3A_169 = tpu.memref_slice %arg3[%add3A_155] : memref<640000xi32, #tpu.memory_space<hbm>> -> memref<80xi32, #tpu.memory_space<hbm>>
          tpu.wait_dma2 semaphore(%run_scoped3A : memref<!tpu.dma_semaphore, #tpu.memory_space<semaphore_mem>>) src(%dma_wait3A_169 : memref<80xi32, #tpu.memory_space<hbm>>) dst(%arg9 : memref<80xi32, #tpu.memory_space<vmem>>)
          tpu.yield
        }) : () -> ()
        %add3A_156 = arith.constant 3 : i32
        %add3A_157 = arith.addi %add3A_87, %add3A_156 : i32
        %add3A_158 = arith.constant 4 : i32
        %add3A_159 = arith.addi %add3A_157, %add3A_158 : i32
        %mul3A_160 = arith.constant 80 : i32
        %mul3A_161 = arith.muli %add3A_159, %mul3A_160 : i32
        %add3A_162 = arith.addi %mul3A_11, %mul3A_161 : i32
        "tpu.region"() ({
          %run_scoped3A = tpu.sem_alloc : memref<!tpu.dma_semaphore, #tpu.memory_space<semaphore_mem>>
          %dma_start3A_166 = tpu.memref_slice %arg4[%add3A_162] : memref<320000xi32, #tpu.memory_space<hbm>> -> memref<80xi32, #tpu.memory_space<hbm>>
          %dma_start3A_167 = tpu.memref_slice %arg4[%add3A_162] : memref<320000xi32, #tpu.memory_space<hbm>> -> memref<80xi32, #tpu.memory_space<hbm>>
          tpu.enqueue_dma source(%dma_start3A_167 : memref<80xi32, #tpu.memory_space<hbm>>) target(%arg13 : memref<80xi32, #tpu.memory_space<vmem>>) target_semaphore(%run_scoped3A : memref<!tpu.dma_semaphore, #tpu.memory_space<semaphore_mem>>)
          %dma_wait3A_168 = tpu.memref_slice %arg4[%add3A_162] : memref<320000xi32, #tpu.memory_space<hbm>> -> memref<80xi32, #tpu.memory_space<hbm>>
          %dma_wait3A_169 = tpu.memref_slice %arg4[%add3A_162] : memref<320000xi32, #tpu.memory_space<hbm>> -> memref<80xi32, #tpu.memory_space<hbm>>
          tpu.wait_dma2 semaphore(%run_scoped3A : memref<!tpu.dma_semaphore, #tpu.memory_space<semaphore_mem>>) src(%dma_wait3A_169 : memref<80xi32, #tpu.memory_space<hbm>>) dst(%arg13 : memref<80xi32, #tpu.memory_space<vmem>>)
          tpu.yield
        }) : () -> ()
        %dma_start3A_163 = arith.constant 0 : i32
        %dma_start3A_164 = arith.constant 0 : i32
        %dma_start3A_165 = tpu.memref_slice %arg2[%dma_start3A_163, %dma_start3A_164] : memref<20480x128xf32, #tpu.memory_space<hbm>> -> memref<20480x128xf32, #tpu.memory_space<hbm>>
        tpu.enqueue_indirect_dma source(%dma_start3A_165 : memref<20480x128xf32, #tpu.memory_space<hbm>>) target(%arg17 : memref<80x128xf32, #tpu.memory_space<vmem>>) offsets(%arg9 : memref<80xi32, #tpu.memory_space<vmem>>) semaphore(%arg22 : memref<!tpu.dma_semaphore, #tpu.memory_space<semaphore_mem>>)
      } else {
      }
      %scan3A_145 = arith.constant 0 : i32
      scf.yield %scan3A_145 : i32
    }
    %scan3A_63 = arith.constant 62 : i32
    %dma_wait3A_64 = arith.constant 0 : i32
    %dma_wait3A_65 = arith.constant 0 : i32
    %dma_wait3A_66 = tpu.memref_slice %arg18[%dma_wait3A_64, %dma_wait3A_65] : memref<10240x128xf32, #tpu.memory_space<vmem_shared>> -> memref<10240x128xf32, #tpu.memory_space<vmem_shared>>
    tpu.wait_indirect_dma semaphore(%arg23 : memref<!tpu.dma_semaphore, #tpu.memory_space<semaphore_mem>>) src(%arg14 : memref<80x128xf32, #tpu.memory_space<vmem>>) dst(%dma_wait3A_66 : memref<10240x128xf32, #tpu.memory_space<vmem_shared>>)
    %dma_wait3A_67 = arith.constant 0 : i32
    %dma_wait3A_68 = arith.constant 0 : i32
    %dma_wait3A_69 = tpu.memref_slice %arg18[%dma_wait3A_67, %dma_wait3A_68] : memref<10240x128xf32, #tpu.memory_space<vmem_shared>> -> memref<10240x128xf32, #tpu.memory_space<vmem_shared>>
    tpu.wait_indirect_dma semaphore(%arg24 : memref<!tpu.dma_semaphore, #tpu.memory_space<semaphore_mem>>) src(%arg15 : memref<80x128xf32, #tpu.memory_space<vmem>>) dst(%dma_wait3A_69 : memref<10240x128xf32, #tpu.memory_space<vmem_shared>>)
    %dma_wait3A_70 = arith.constant 0 : i32
    %dma_wait3A_71 = arith.constant 0 : i32
    %dma_wait3A_72 = tpu.memref_slice %arg18[%dma_wait3A_70, %dma_wait3A_71] : memref<10240x128xf32, #tpu.memory_space<vmem_shared>> -> memref<10240x128xf32, #tpu.memory_space<vmem_shared>>
    tpu.wait_indirect_dma semaphore(%arg25 : memref<!tpu.dma_semaphore, #tpu.memory_space<semaphore_mem>>) src(%arg16 : memref<80x128xf32, #tpu.memory_space<vmem>>) dst(%dma_wait3A_72 : memref<10240x128xf32, #tpu.memory_space<vmem_shared>>)
    %dma_wait3A_73 = arith.constant 0 : i32
    %dma_wait3A_74 = arith.constant 0 : i32
    %dma_wait3A_75 = tpu.memref_slice %arg18[%dma_wait3A_73, %dma_wait3A_74] : memref<10240x128xf32, #tpu.memory_space<vmem_shared>> -> memref<10240x128xf32, #tpu.memory_space<vmem_shared>>
    tpu.wait_indirect_dma semaphore(%arg26 : memref<!tpu.dma_semaphore, #tpu.memory_space<semaphore_mem>>) src(%arg17 : memref<80x128xf32, #tpu.memory_space<vmem>>) dst(%dma_wait3A_75 : memref<10240x128xf32, #tpu.memory_space<vmem_shared>>)
    %barrier3A_76 = arith.constant 0 : index
    tpu.barrier barrier_id(%barrier3A_76)
    %mul3A_77 = arith.constant 10240 : i32
    %mul3A_78 = arith.muli %arg0, %mul3A_77 : i32
    %mul3A_79 = arith.constant 640 : i32
    %mul3A_80 = arith.muli %arg1, %mul3A_79 : i32
    %add3A_81 = arith.addi %mul3A_78, %mul3A_80 : i32
    "tpu.region"() ({
      %run_scoped3A = tpu.sem_alloc : memref<!tpu.dma_semaphore, #tpu.memory_space<semaphore_mem>>
      %dma_start3A_82 = arith.constant 0 : i32
      %dma_start3A_83 = tpu.memref_slice %arg5[%add3A_81, %dma_start3A_82] : memref<20480x128xf32, #tpu.memory_space<hbm>> -> memref<640x128xf32, #tpu.memory_space<hbm>>
      %dma_start3A_84 = arith.constant 0 : i32
      %dma_start3A_85 = tpu.memref_slice %arg18[%mul3A_2, %dma_start3A_84] : memref<10240x128xf32, #tpu.memory_space<vmem_shared>> -> memref<640x128xf32, #tpu.memory_space<vmem_shared>>
      tpu.enqueue_dma source(%dma_start3A_85 : memref<640x128xf32, #tpu.memory_space<vmem_shared>>) target(%dma_start3A_83 : memref<640x128xf32, #tpu.memory_space<hbm>>) target_semaphore(%run_scoped3A : memref<!tpu.dma_semaphore, #tpu.memory_space<semaphore_mem>>)
      %dma_wait3A_86 = arith.constant 0 : i32
      %dma_wait3A_87 = tpu.memref_slice %arg5[%add3A_81, %dma_wait3A_86] : memref<20480x128xf32, #tpu.memory_space<hbm>> -> memref<640x128xf32, #tpu.memory_space<hbm>>
      %dma_wait3A_88 = arith.constant 0 : i32
      %dma_wait3A_89 = tpu.memref_slice %arg18[%mul3A_2, %dma_wait3A_88] : memref<10240x128xf32, #tpu.memory_space<vmem_shared>> -> memref<640x128xf32, #tpu.memory_space<vmem_shared>>
      tpu.wait_dma2 semaphore(%run_scoped3A : memref<!tpu.dma_semaphore, #tpu.memory_space<semaphore_mem>>) src(%dma_wait3A_89 : memref<640x128xf32, #tpu.memory_space<vmem_shared>>) dst(%dma_wait3A_87 : memref<640x128xf32, #tpu.memory_space<hbm>>)
      tpu.yield
    }) : () -> ()
    return
  }
}

#map = affine_map<(d0, d1) -> (0, 0)>
#map1 = affine_map<(d0, d1) -> (0)>
module attributes {stable_mosaic.version = 14 : i64} {
  func.func @_prop_edge(%arg0: i32, %arg1: i32, %arg2: memref<10240x128xf32, #tpu.memory_space<hbm>>, %arg3: memref<10240x128xf32, #tpu.memory_space<hbm>>, %arg4: memref<320000xi32, #tpu.memory_space<hbm>>, %arg5: memref<320000xi32, #tpu.memory_space<hbm>>, %arg6: memref<20480x128xf32, #tpu.memory_space<hbm>>, %arg7: memref<80xi32, #tpu.memory_space<vmem>>, %arg8: memref<80xi32, #tpu.memory_space<vmem>>, %arg9: memref<80xi32, #tpu.memory_space<vmem>>, %arg10: memref<80xi32, #tpu.memory_space<vmem>>, %arg11: memref<80xi32, #tpu.memory_space<vmem>>, %arg12: memref<80xi32, #tpu.memory_space<vmem>>, %arg13: memref<80xi32, #tpu.memory_space<vmem>>, %arg14: memref<80xi32, #tpu.memory_space<vmem>>, %arg15: memref<80x128xf32, #tpu.memory_space<vmem>>, %arg16: memref<80x128xf32, #tpu.memory_space<vmem>>, %arg17: memref<80x128xf32, #tpu.memory_space<vmem>>, %arg18: memref<80x128xf32, #tpu.memory_space<vmem>>, %arg19: memref<10240x128xf32, #tpu.memory_space<vmem_shared>>, %arg20: memref<!tpu.dma_semaphore, #tpu.memory_space<semaphore_mem>>, %arg21: memref<!tpu.dma_semaphore, #tpu.memory_space<semaphore_mem>>, %arg22: memref<!tpu.dma_semaphore, #tpu.memory_space<semaphore_mem>>, %arg23: memref<!tpu.dma_semaphore, #tpu.memory_space<semaphore_mem>>, %arg24: memref<!tpu.dma_semaphore, #tpu.memory_space<semaphore_mem>>, %arg25: memref<!tpu.dma_semaphore, #tpu.memory_space<semaphore_mem>>, %arg26: memref<!tpu.dma_semaphore, #tpu.memory_space<semaphore_mem>>, %arg27: memref<!tpu.dma_semaphore, #tpu.memory_space<semaphore_mem>>) attributes {dimension_semantics = [#tpu.dimension_semantics<core_parallel>, #tpu.dimension_semantics<subcore_parallel>], iteration_bounds = array<i64: 2, 16>, scalar_prefetch = 0 : i64, scratch_operands = 21 : i64, tpu.core_type = #tpu.core_type<sc_vector_subcore>, window_params = [{transform_indices = #map}, {transform_indices = #map}, {transform_indices = #map1}, {transform_indices = #map1}, {transform_indices = #map}]} {
    %mul3A = arith.constant 16 : i32
    %mul3A_0 = arith.muli %arg0, %mul3A : i32
    %add3A = arith.addi %mul3A_0, %arg1 : i32
    %mul3A_1 = arith.constant 640 : i32
    %mul3A_2 = arith.muli %arg1, %mul3A_1 : i32
    %eq3A = arith.constant 0 : i32
    %eq3A_3 = arith.cmpi eq, %arg0, %eq3A : i32
    %convert_element_type3A = arith.extui %eq3A_3 : i1 to i32
    %cond3A = arith.constant 0 : i32
    %cond3A_4 = arith.cmpi ne, %convert_element_type3A, %cond3A : i32
    scf.if %cond3A_4 {
      "tpu.region"() ({
        %run_scoped3A = tpu.sem_alloc : memref<!tpu.dma_semaphore, #tpu.memory_space<semaphore_mem>>
        %dma_start3A_71 = arith.constant 0 : i32
        %dma_start3A_72 = tpu.memref_slice %arg19[%mul3A_2, %dma_start3A_71] : memref<10240x128xf32, #tpu.memory_space<vmem_shared>> -> memref<640x128xf32, #tpu.memory_space<vmem_shared>>
        %dma_start3A_73 = arith.constant 0 : i32
        %dma_start3A_74 = tpu.memref_slice %arg2[%mul3A_2, %dma_start3A_73] : memref<10240x128xf32, #tpu.memory_space<hbm>> -> memref<640x128xf32, #tpu.memory_space<hbm>>
        tpu.enqueue_dma source(%dma_start3A_74 : memref<640x128xf32, #tpu.memory_space<hbm>>) target(%dma_start3A_72 : memref<640x128xf32, #tpu.memory_space<vmem_shared>>) target_semaphore(%run_scoped3A : memref<!tpu.dma_semaphore, #tpu.memory_space<semaphore_mem>>)
        %dma_wait3A_75 = arith.constant 0 : i32
        %dma_wait3A_76 = tpu.memref_slice %arg19[%mul3A_2, %dma_wait3A_75] : memref<10240x128xf32, #tpu.memory_space<vmem_shared>> -> memref<640x128xf32, #tpu.memory_space<vmem_shared>>
        %dma_wait3A_77 = arith.constant 0 : i32
        %dma_wait3A_78 = tpu.memref_slice %arg2[%mul3A_2, %dma_wait3A_77] : memref<10240x128xf32, #tpu.memory_space<hbm>> -> memref<640x128xf32, #tpu.memory_space<hbm>>
        tpu.wait_dma2 semaphore(%run_scoped3A : memref<!tpu.dma_semaphore, #tpu.memory_space<semaphore_mem>>) src(%dma_wait3A_78 : memref<640x128xf32, #tpu.memory_space<hbm>>) dst(%dma_wait3A_76 : memref<640x128xf32, #tpu.memory_space<vmem_shared>>)
        tpu.yield
      }) : () -> ()
    } else {
    }
    %ne3A = arith.constant 0 : i32
    %ne3A_5 = arith.cmpi ne, %arg0, %ne3A : i32
    %convert_element_type3A_6 = arith.extui %ne3A_5 : i1 to i32
    %cond3A_7 = arith.constant 0 : i32
    %cond3A_8 = arith.cmpi ne, %convert_element_type3A_6, %cond3A_7 : i32
    scf.if %cond3A_8 {
      "tpu.region"() ({
        %run_scoped3A = tpu.sem_alloc : memref<!tpu.dma_semaphore, #tpu.memory_space<semaphore_mem>>
        %dma_start3A_71 = arith.constant 0 : i32
        %dma_start3A_72 = tpu.memref_slice %arg19[%mul3A_2, %dma_start3A_71] : memref<10240x128xf32, #tpu.memory_space<vmem_shared>> -> memref<640x128xf32, #tpu.memory_space<vmem_shared>>
        %dma_start3A_73 = arith.constant 0 : i32
        %dma_start3A_74 = tpu.memref_slice %arg3[%mul3A_2, %dma_start3A_73] : memref<10240x128xf32, #tpu.memory_space<hbm>> -> memref<640x128xf32, #tpu.memory_space<hbm>>
        tpu.enqueue_dma source(%dma_start3A_74 : memref<640x128xf32, #tpu.memory_space<hbm>>) target(%dma_start3A_72 : memref<640x128xf32, #tpu.memory_space<vmem_shared>>) target_semaphore(%run_scoped3A : memref<!tpu.dma_semaphore, #tpu.memory_space<semaphore_mem>>)
        %dma_wait3A_75 = arith.constant 0 : i32
        %dma_wait3A_76 = tpu.memref_slice %arg19[%mul3A_2, %dma_wait3A_75] : memref<10240x128xf32, #tpu.memory_space<vmem_shared>> -> memref<640x128xf32, #tpu.memory_space<vmem_shared>>
        %dma_wait3A_77 = arith.constant 0 : i32
        %dma_wait3A_78 = tpu.memref_slice %arg3[%mul3A_2, %dma_wait3A_77] : memref<10240x128xf32, #tpu.memory_space<hbm>> -> memref<640x128xf32, #tpu.memory_space<hbm>>
        tpu.wait_dma2 semaphore(%run_scoped3A : memref<!tpu.dma_semaphore, #tpu.memory_space<semaphore_mem>>) src(%dma_wait3A_78 : memref<640x128xf32, #tpu.memory_space<hbm>>) dst(%dma_wait3A_76 : memref<640x128xf32, #tpu.memory_space<vmem_shared>>)
        tpu.yield
      }) : () -> ()
    } else {
    }
    %barrier3A = arith.constant 0 : index
    tpu.barrier barrier_id(%barrier3A)
    %mul3A_9 = arith.constant 10000 : i32
    %mul3A_10 = arith.muli %add3A, %mul3A_9 : i32
    %add3A_11 = arith.constant 0 : i32
    %add3A_12 = arith.addi %mul3A_10, %add3A_11 : i32
    "tpu.region"() ({
      %run_scoped3A = tpu.sem_alloc : memref<!tpu.dma_semaphore, #tpu.memory_space<semaphore_mem>>
      %dma_start3A_71 = tpu.memref_slice %arg4[%add3A_12] : memref<320000xi32, #tpu.memory_space<hbm>> -> memref<80xi32, #tpu.memory_space<hbm>>
      %dma_start3A_72 = tpu.memref_slice %arg4[%add3A_12] : memref<320000xi32, #tpu.memory_space<hbm>> -> memref<80xi32, #tpu.memory_space<hbm>>
      tpu.enqueue_dma source(%dma_start3A_72 : memref<80xi32, #tpu.memory_space<hbm>>) target(%arg7 : memref<80xi32, #tpu.memory_space<vmem>>) target_semaphore(%run_scoped3A : memref<!tpu.dma_semaphore, #tpu.memory_space<semaphore_mem>>)
      %dma_wait3A_73 = tpu.memref_slice %arg4[%add3A_12] : memref<320000xi32, #tpu.memory_space<hbm>> -> memref<80xi32, #tpu.memory_space<hbm>>
      %dma_wait3A_74 = tpu.memref_slice %arg4[%add3A_12] : memref<320000xi32, #tpu.memory_space<hbm>> -> memref<80xi32, #tpu.memory_space<hbm>>
      tpu.wait_dma2 semaphore(%run_scoped3A : memref<!tpu.dma_semaphore, #tpu.memory_space<semaphore_mem>>) src(%dma_wait3A_74 : memref<80xi32, #tpu.memory_space<hbm>>) dst(%arg7 : memref<80xi32, #tpu.memory_space<vmem>>)
      tpu.yield
    }) : () -> ()
    %add3A_13 = arith.constant 0 : i32
    %add3A_14 = arith.addi %mul3A_10, %add3A_13 : i32
    "tpu.region"() ({
      %run_scoped3A = tpu.sem_alloc : memref<!tpu.dma_semaphore, #tpu.memory_space<semaphore_mem>>
      %dma_start3A_71 = tpu.memref_slice %arg5[%add3A_14] : memref<320000xi32, #tpu.memory_space<hbm>> -> memref<80xi32, #tpu.memory_space<hbm>>
      %dma_start3A_72 = tpu.memref_slice %arg5[%add3A_14] : memref<320000xi32, #tpu.memory_space<hbm>> -> memref<80xi32, #tpu.memory_space<hbm>>
      tpu.enqueue_dma source(%dma_start3A_72 : memref<80xi32, #tpu.memory_space<hbm>>) target(%arg11 : memref<80xi32, #tpu.memory_space<vmem>>) target_semaphore(%run_scoped3A : memref<!tpu.dma_semaphore, #tpu.memory_space<semaphore_mem>>)
      %dma_wait3A_73 = tpu.memref_slice %arg5[%add3A_14] : memref<320000xi32, #tpu.memory_space<hbm>> -> memref<80xi32, #tpu.memory_space<hbm>>
      %dma_wait3A_74 = tpu.memref_slice %arg5[%add3A_14] : memref<320000xi32, #tpu.memory_space<hbm>> -> memref<80xi32, #tpu.memory_space<hbm>>
      tpu.wait_dma2 semaphore(%run_scoped3A : memref<!tpu.dma_semaphore, #tpu.memory_space<semaphore_mem>>) src(%dma_wait3A_74 : memref<80xi32, #tpu.memory_space<hbm>>) dst(%arg11 : memref<80xi32, #tpu.memory_space<vmem>>)
      tpu.yield
    }) : () -> ()
    %dma_start3A = arith.constant 0 : i32
    %dma_start3A_15 = arith.constant 0 : i32
    %dma_start3A_16 = tpu.memref_slice %arg2[%dma_start3A, %dma_start3A_15] : memref<10240x128xf32, #tpu.memory_space<hbm>> -> memref<10240x128xf32, #tpu.memory_space<hbm>>
    tpu.enqueue_indirect_dma source(%dma_start3A_16 : memref<10240x128xf32, #tpu.memory_space<hbm>>) target(%arg15 : memref<80x128xf32, #tpu.memory_space<vmem>>) offsets(%arg7 : memref<80xi32, #tpu.memory_space<vmem>>) semaphore(%arg20 : memref<!tpu.dma_semaphore, #tpu.memory_space<semaphore_mem>>)
    %dma_wait3A = arith.constant 0 : i32
    %dma_wait3A_17 = arith.constant 0 : i32
    %dma_wait3A_18 = tpu.memref_slice %arg2[%dma_wait3A, %dma_wait3A_17] : memref<10240x128xf32, #tpu.memory_space<hbm>> -> memref<10240x128xf32, #tpu.memory_space<hbm>>
    tpu.wait_indirect_dma semaphore(%arg20 : memref<!tpu.dma_semaphore, #tpu.memory_space<semaphore_mem>>) src(%dma_wait3A_18 : memref<10240x128xf32, #tpu.memory_space<hbm>>) dst(%arg15 : memref<80x128xf32, #tpu.memory_space<vmem>>)
    "tpu.region"() ({
      %run_scoped3A = tpu.sem_alloc : memref<!tpu.dma_semaphore, #tpu.memory_space<semaphore_mem>>
      %dma_start3A_71 = arith.constant 0 : i32
      %dma_start3A_72 = arith.constant 0 : i32
      %dma_start3A_73 = tpu.memref_slice %arg19[%dma_start3A_71, %dma_start3A_72] : memref<10240x128xf32, #tpu.memory_space<vmem_shared>> -> memref<10240x128xf32, #tpu.memory_space<vmem_shared>>
      tpu.enqueue_indirect_dma source(%arg15 : memref<80x128xf32, #tpu.memory_space<vmem>>) target(%dma_start3A_73 : memref<10240x128xf32, #tpu.memory_space<vmem_shared>>) offsets(%arg11 : memref<80xi32, #tpu.memory_space<vmem>>) semaphore(%run_scoped3A : memref<!tpu.dma_semaphore, #tpu.memory_space<semaphore_mem>>) {add = true}
      %dma_wait3A_74 = arith.constant 0 : i32
      %dma_wait3A_75 = arith.constant 0 : i32
      %dma_wait3A_76 = tpu.memref_slice %arg19[%dma_wait3A_74, %dma_wait3A_75] : memref<10240x128xf32, #tpu.memory_space<vmem_shared>> -> memref<10240x128xf32, #tpu.memory_space<vmem_shared>>
      tpu.wait_indirect_dma semaphore(%run_scoped3A : memref<!tpu.dma_semaphore, #tpu.memory_space<semaphore_mem>>) src(%arg15 : memref<80x128xf32, #tpu.memory_space<vmem>>) dst(%dma_wait3A_76 : memref<10240x128xf32, #tpu.memory_space<vmem_shared>>)
      tpu.yield
    }) : () -> ()
    %add3A_19 = arith.constant 80 : i32
    %add3A_20 = arith.addi %mul3A_10, %add3A_19 : i32
    "tpu.region"() ({
      %run_scoped3A = tpu.sem_alloc : memref<!tpu.dma_semaphore, #tpu.memory_space<semaphore_mem>>
      %dma_start3A_71 = tpu.memref_slice %arg4[%add3A_20] : memref<320000xi32, #tpu.memory_space<hbm>> -> memref<80xi32, #tpu.memory_space<hbm>>
      %dma_start3A_72 = tpu.memref_slice %arg4[%add3A_20] : memref<320000xi32, #tpu.memory_space<hbm>> -> memref<80xi32, #tpu.memory_space<hbm>>
      tpu.enqueue_dma source(%dma_start3A_72 : memref<80xi32, #tpu.memory_space<hbm>>) target(%arg7 : memref<80xi32, #tpu.memory_space<vmem>>) target_semaphore(%run_scoped3A : memref<!tpu.dma_semaphore, #tpu.memory_space<semaphore_mem>>)
      %dma_wait3A_73 = tpu.memref_slice %arg4[%add3A_20] : memref<320000xi32, #tpu.memory_space<hbm>> -> memref<80xi32, #tpu.memory_space<hbm>>
      %dma_wait3A_74 = tpu.memref_slice %arg4[%add3A_20] : memref<320000xi32, #tpu.memory_space<hbm>> -> memref<80xi32, #tpu.memory_space<hbm>>
      tpu.wait_dma2 semaphore(%run_scoped3A : memref<!tpu.dma_semaphore, #tpu.memory_space<semaphore_mem>>) src(%dma_wait3A_74 : memref<80xi32, #tpu.memory_space<hbm>>) dst(%arg7 : memref<80xi32, #tpu.memory_space<vmem>>)
      tpu.yield
    }) : () -> ()
    %add3A_21 = arith.constant 80 : i32
    %add3A_22 = arith.addi %mul3A_10, %add3A_21 : i32
    "tpu.region"() ({
      %run_scoped3A = tpu.sem_alloc : memref<!tpu.dma_semaphore, #tpu.memory_space<semaphore_mem>>
      %dma_start3A_71 = tpu.memref_slice %arg5[%add3A_22] : memref<320000xi32, #tpu.memory_space<hbm>> -> memref<80xi32, #tpu.memory_space<hbm>>
      %dma_start3A_72 = tpu.memref_slice %arg5[%add3A_22] : memref<320000xi32, #tpu.memory_space<hbm>> -> memref<80xi32, #tpu.memory_space<hbm>>
      tpu.enqueue_dma source(%dma_start3A_72 : memref<80xi32, #tpu.memory_space<hbm>>) target(%arg11 : memref<80xi32, #tpu.memory_space<vmem>>) target_semaphore(%run_scoped3A : memref<!tpu.dma_semaphore, #tpu.memory_space<semaphore_mem>>)
      %dma_wait3A_73 = tpu.memref_slice %arg5[%add3A_22] : memref<320000xi32, #tpu.memory_space<hbm>> -> memref<80xi32, #tpu.memory_space<hbm>>
      %dma_wait3A_74 = tpu.memref_slice %arg5[%add3A_22] : memref<320000xi32, #tpu.memory_space<hbm>> -> memref<80xi32, #tpu.memory_space<hbm>>
      tpu.wait_dma2 semaphore(%run_scoped3A : memref<!tpu.dma_semaphore, #tpu.memory_space<semaphore_mem>>) src(%dma_wait3A_74 : memref<80xi32, #tpu.memory_space<hbm>>) dst(%arg11 : memref<80xi32, #tpu.memory_space<vmem>>)
      tpu.yield
    }) : () -> ()
    %dma_start3A_23 = arith.constant 0 : i32
    %dma_start3A_24 = arith.constant 0 : i32
    %dma_start3A_25 = tpu.memref_slice %arg2[%dma_start3A_23, %dma_start3A_24] : memref<10240x128xf32, #tpu.memory_space<hbm>> -> memref<10240x128xf32, #tpu.memory_space<hbm>>
    tpu.enqueue_indirect_dma source(%dma_start3A_25 : memref<10240x128xf32, #tpu.memory_space<hbm>>) target(%arg15 : memref<80x128xf32, #tpu.memory_space<vmem>>) offsets(%arg7 : memref<80xi32, #tpu.memory_space<vmem>>) semaphore(%arg20 : memref<!tpu.dma_semaphore, #tpu.memory_space<semaphore_mem>>)
    %add3A_26 = arith.constant 160 : i32
    %add3A_27 = arith.addi %mul3A_10, %add3A_26 : i32
    "tpu.region"() ({
      %run_scoped3A = tpu.sem_alloc : memref<!tpu.dma_semaphore, #tpu.memory_space<semaphore_mem>>
      %dma_start3A_71 = tpu.memref_slice %arg4[%add3A_27] : memref<320000xi32, #tpu.memory_space<hbm>> -> memref<80xi32, #tpu.memory_space<hbm>>
      %dma_start3A_72 = tpu.memref_slice %arg4[%add3A_27] : memref<320000xi32, #tpu.memory_space<hbm>> -> memref<80xi32, #tpu.memory_space<hbm>>
      tpu.enqueue_dma source(%dma_start3A_72 : memref<80xi32, #tpu.memory_space<hbm>>) target(%arg8 : memref<80xi32, #tpu.memory_space<vmem>>) target_semaphore(%run_scoped3A : memref<!tpu.dma_semaphore, #tpu.memory_space<semaphore_mem>>)
      %dma_wait3A_73 = tpu.memref_slice %arg4[%add3A_27] : memref<320000xi32, #tpu.memory_space<hbm>> -> memref<80xi32, #tpu.memory_space<hbm>>
      %dma_wait3A_74 = tpu.memref_slice %arg4[%add3A_27] : memref<320000xi32, #tpu.memory_space<hbm>> -> memref<80xi32, #tpu.memory_space<hbm>>
      tpu.wait_dma2 semaphore(%run_scoped3A : memref<!tpu.dma_semaphore, #tpu.memory_space<semaphore_mem>>) src(%dma_wait3A_74 : memref<80xi32, #tpu.memory_space<hbm>>) dst(%arg8 : memref<80xi32, #tpu.memory_space<vmem>>)
      tpu.yield
    }) : () -> ()
    %add3A_28 = arith.constant 160 : i32
    %add3A_29 = arith.addi %mul3A_10, %add3A_28 : i32
    "tpu.region"() ({
      %run_scoped3A = tpu.sem_alloc : memref<!tpu.dma_semaphore, #tpu.memory_space<semaphore_mem>>
      %dma_start3A_71 = tpu.memref_slice %arg5[%add3A_29] : memref<320000xi32, #tpu.memory_space<hbm>> -> memref<80xi32, #tpu.memory_space<hbm>>
      %dma_start3A_72 = tpu.memref_slice %arg5[%add3A_29] : memref<320000xi32, #tpu.memory_space<hbm>> -> memref<80xi32, #tpu.memory_space<hbm>>
      tpu.enqueue_dma source(%dma_start3A_72 : memref<80xi32, #tpu.memory_space<hbm>>) target(%arg12 : memref<80xi32, #tpu.memory_space<vmem>>) target_semaphore(%run_scoped3A : memref<!tpu.dma_semaphore, #tpu.memory_space<semaphore_mem>>)
      %dma_wait3A_73 = tpu.memref_slice %arg5[%add3A_29] : memref<320000xi32, #tpu.memory_space<hbm>> -> memref<80xi32, #tpu.memory_space<hbm>>
      %dma_wait3A_74 = tpu.memref_slice %arg5[%add3A_29] : memref<320000xi32, #tpu.memory_space<hbm>> -> memref<80xi32, #tpu.memory_space<hbm>>
      tpu.wait_dma2 semaphore(%run_scoped3A : memref<!tpu.dma_semaphore, #tpu.memory_space<semaphore_mem>>) src(%dma_wait3A_74 : memref<80xi32, #tpu.memory_space<hbm>>) dst(%arg12 : memref<80xi32, #tpu.memory_space<vmem>>)
      tpu.yield
    }) : () -> ()
    %dma_start3A_30 = arith.constant 0 : i32
    %dma_start3A_31 = arith.constant 0 : i32
    %dma_start3A_32 = tpu.memref_slice %arg2[%dma_start3A_30, %dma_start3A_31] : memref<10240x128xf32, #tpu.memory_space<hbm>> -> memref<10240x128xf32, #tpu.memory_space<hbm>>
    tpu.enqueue_indirect_dma source(%dma_start3A_32 : memref<10240x128xf32, #tpu.memory_space<hbm>>) target(%arg16 : memref<80x128xf32, #tpu.memory_space<vmem>>) offsets(%arg8 : memref<80xi32, #tpu.memory_space<vmem>>) semaphore(%arg21 : memref<!tpu.dma_semaphore, #tpu.memory_space<semaphore_mem>>)
    %add3A_33 = arith.constant 240 : i32
    %add3A_34 = arith.addi %mul3A_10, %add3A_33 : i32
    "tpu.region"() ({
      %run_scoped3A = tpu.sem_alloc : memref<!tpu.dma_semaphore, #tpu.memory_space<semaphore_mem>>
      %dma_start3A_71 = tpu.memref_slice %arg4[%add3A_34] : memref<320000xi32, #tpu.memory_space<hbm>> -> memref<80xi32, #tpu.memory_space<hbm>>
      %dma_start3A_72 = tpu.memref_slice %arg4[%add3A_34] : memref<320000xi32, #tpu.memory_space<hbm>> -> memref<80xi32, #tpu.memory_space<hbm>>
      tpu.enqueue_dma source(%dma_start3A_72 : memref<80xi32, #tpu.memory_space<hbm>>) target(%arg9 : memref<80xi32, #tpu.memory_space<vmem>>) target_semaphore(%run_scoped3A : memref<!tpu.dma_semaphore, #tpu.memory_space<semaphore_mem>>)
      %dma_wait3A_73 = tpu.memref_slice %arg4[%add3A_34] : memref<320000xi32, #tpu.memory_space<hbm>> -> memref<80xi32, #tpu.memory_space<hbm>>
      %dma_wait3A_74 = tpu.memref_slice %arg4[%add3A_34] : memref<320000xi32, #tpu.memory_space<hbm>> -> memref<80xi32, #tpu.memory_space<hbm>>
      tpu.wait_dma2 semaphore(%run_scoped3A : memref<!tpu.dma_semaphore, #tpu.memory_space<semaphore_mem>>) src(%dma_wait3A_74 : memref<80xi32, #tpu.memory_space<hbm>>) dst(%arg9 : memref<80xi32, #tpu.memory_space<vmem>>)
      tpu.yield
    }) : () -> ()
    %add3A_35 = arith.constant 240 : i32
    %add3A_36 = arith.addi %mul3A_10, %add3A_35 : i32
    "tpu.region"() ({
      %run_scoped3A = tpu.sem_alloc : memref<!tpu.dma_semaphore, #tpu.memory_space<semaphore_mem>>
      %dma_start3A_71 = tpu.memref_slice %arg5[%add3A_36] : memref<320000xi32, #tpu.memory_space<hbm>> -> memref<80xi32, #tpu.memory_space<hbm>>
      %dma_start3A_72 = tpu.memref_slice %arg5[%add3A_36] : memref<320000xi32, #tpu.memory_space<hbm>> -> memref<80xi32, #tpu.memory_space<hbm>>
      tpu.enqueue_dma source(%dma_start3A_72 : memref<80xi32, #tpu.memory_space<hbm>>) target(%arg13 : memref<80xi32, #tpu.memory_space<vmem>>) target_semaphore(%run_scoped3A : memref<!tpu.dma_semaphore, #tpu.memory_space<semaphore_mem>>)
      %dma_wait3A_73 = tpu.memref_slice %arg5[%add3A_36] : memref<320000xi32, #tpu.memory_space<hbm>> -> memref<80xi32, #tpu.memory_space<hbm>>
      %dma_wait3A_74 = tpu.memref_slice %arg5[%add3A_36] : memref<320000xi32, #tpu.memory_space<hbm>> -> memref<80xi32, #tpu.memory_space<hbm>>
      tpu.wait_dma2 semaphore(%run_scoped3A : memref<!tpu.dma_semaphore, #tpu.memory_space<semaphore_mem>>) src(%dma_wait3A_74 : memref<80xi32, #tpu.memory_space<hbm>>) dst(%arg13 : memref<80xi32, #tpu.memory_space<vmem>>)
      tpu.yield
    }) : () -> ()
    %dma_start3A_37 = arith.constant 0 : i32
    %dma_start3A_38 = arith.constant 0 : i32
    %dma_start3A_39 = tpu.memref_slice %arg2[%dma_start3A_37, %dma_start3A_38] : memref<10240x128xf32, #tpu.memory_space<hbm>> -> memref<10240x128xf32, #tpu.memory_space<hbm>>
    tpu.enqueue_indirect_dma source(%dma_start3A_39 : memref<10240x128xf32, #tpu.memory_space<hbm>>) target(%arg17 : memref<80x128xf32, #tpu.memory_space<vmem>>) offsets(%arg9 : memref<80xi32, #tpu.memory_space<vmem>>) semaphore(%arg22 : memref<!tpu.dma_semaphore, #tpu.memory_space<semaphore_mem>>)
    %add3A_40 = arith.constant 320 : i32
    %add3A_41 = arith.addi %mul3A_10, %add3A_40 : i32
    "tpu.region"() ({
      %run_scoped3A = tpu.sem_alloc : memref<!tpu.dma_semaphore, #tpu.memory_space<semaphore_mem>>
      %dma_start3A_71 = tpu.memref_slice %arg4[%add3A_41] : memref<320000xi32, #tpu.memory_space<hbm>> -> memref<80xi32, #tpu.memory_space<hbm>>
      %dma_start3A_72 = tpu.memref_slice %arg4[%add3A_41] : memref<320000xi32, #tpu.memory_space<hbm>> -> memref<80xi32, #tpu.memory_space<hbm>>
      tpu.enqueue_dma source(%dma_start3A_72 : memref<80xi32, #tpu.memory_space<hbm>>) target(%arg10 : memref<80xi32, #tpu.memory_space<vmem>>) target_semaphore(%run_scoped3A : memref<!tpu.dma_semaphore, #tpu.memory_space<semaphore_mem>>)
      %dma_wait3A_73 = tpu.memref_slice %arg4[%add3A_41] : memref<320000xi32, #tpu.memory_space<hbm>> -> memref<80xi32, #tpu.memory_space<hbm>>
      %dma_wait3A_74 = tpu.memref_slice %arg4[%add3A_41] : memref<320000xi32, #tpu.memory_space<hbm>> -> memref<80xi32, #tpu.memory_space<hbm>>
      tpu.wait_dma2 semaphore(%run_scoped3A : memref<!tpu.dma_semaphore, #tpu.memory_space<semaphore_mem>>) src(%dma_wait3A_74 : memref<80xi32, #tpu.memory_space<hbm>>) dst(%arg10 : memref<80xi32, #tpu.memory_space<vmem>>)
      tpu.yield
    }) : () -> ()
    %add3A_42 = arith.constant 320 : i32
    %add3A_43 = arith.addi %mul3A_10, %add3A_42 : i32
    "tpu.region"() ({
      %run_scoped3A = tpu.sem_alloc : memref<!tpu.dma_semaphore, #tpu.memory_space<semaphore_mem>>
      %dma_start3A_71 = tpu.memref_slice %arg5[%add3A_43] : memref<320000xi32, #tpu.memory_space<hbm>> -> memref<80xi32, #tpu.memory_space<hbm>>
      %dma_start3A_72 = tpu.memref_slice %arg5[%add3A_43] : memref<320000xi32, #tpu.memory_space<hbm>> -> memref<80xi32, #tpu.memory_space<hbm>>
      tpu.enqueue_dma source(%dma_start3A_72 : memref<80xi32, #tpu.memory_space<hbm>>) target(%arg14 : memref<80xi32, #tpu.memory_space<vmem>>) target_semaphore(%run_scoped3A : memref<!tpu.dma_semaphore, #tpu.memory_space<semaphore_mem>>)
      %dma_wait3A_73 = tpu.memref_slice %arg5[%add3A_43] : memref<320000xi32, #tpu.memory_space<hbm>> -> memref<80xi32, #tpu.memory_space<hbm>>
      %dma_wait3A_74 = tpu.memref_slice %arg5[%add3A_43] : memref<320000xi32, #tpu.memory_space<hbm>> -> memref<80xi32, #tpu.memory_space<hbm>>
      tpu.wait_dma2 semaphore(%run_scoped3A : memref<!tpu.dma_semaphore, #tpu.memory_space<semaphore_mem>>) src(%dma_wait3A_74 : memref<80xi32, #tpu.memory_space<hbm>>) dst(%arg14 : memref<80xi32, #tpu.memory_space<vmem>>)
      tpu.yield
    }) : () -> ()
    %dma_start3A_44 = arith.constant 0 : i32
    %dma_start3A_45 = arith.constant 0 : i32
    %dma_start3A_46 = tpu.memref_slice %arg2[%dma_start3A_44, %dma_start3A_45] : memref<10240x128xf32, #tpu.memory_space<hbm>> -> memref<10240x128xf32, #tpu.memory_space<hbm>>
    tpu.enqueue_indirect_dma source(%dma_start3A_46 : memref<10240x128xf32, #tpu.memory_space<hbm>>) target(%arg18 : memref<80x128xf32, #tpu.memory_space<vmem>>) offsets(%arg10 : memref<80xi32, #tpu.memory_space<vmem>>) semaphore(%arg23 : memref<!tpu.dma_semaphore, #tpu.memory_space<semaphore_mem>>)
    %scan3A = arith.constant 0 : i32
    %scan3A_47 = arith.constant 0 : i32
    %scan3A_48 = arith.constant 31 : i32
    %scan3A_49 = arith.addi %scan3A_47, %scan3A_48 : i32
    %scan3A_50 = arith.constant 1 : i32
    %scan3A_51 = scf.for %scan3A_71 = %scan3A_47 to %scan3A_49 step %scan3A_50 iter_args(%scan3A_72 = %scan3A) -> (i32)  : i32 {
      %mul3A_73 = arith.constant 4 : i32
      %mul3A_74 = arith.muli %mul3A_73, %scan3A_71 : i32
      %add3A_75 = arith.constant 1 : i32
      %add3A_76 = arith.addi %add3A_75, %mul3A_74 : i32
      %dma_wait3A_77 = arith.constant 0 : i32
      %dma_wait3A_78 = arith.constant 0 : i32
      %dma_wait3A_79 = tpu.memref_slice %arg2[%dma_wait3A_77, %dma_wait3A_78] : memref<10240x128xf32, #tpu.memory_space<hbm>> -> memref<10240x128xf32, #tpu.memory_space<hbm>>
      tpu.wait_indirect_dma semaphore(%arg20 : memref<!tpu.dma_semaphore, #tpu.memory_space<semaphore_mem>>) src(%dma_wait3A_79 : memref<10240x128xf32, #tpu.memory_space<hbm>>) dst(%arg15 : memref<80x128xf32, #tpu.memory_space<vmem>>)
      %dma_start3A_80 = arith.constant 0 : i32
      %dma_start3A_81 = arith.constant 0 : i32
      %dma_start3A_82 = tpu.memref_slice %arg19[%dma_start3A_80, %dma_start3A_81] : memref<10240x128xf32, #tpu.memory_space<vmem_shared>> -> memref<10240x128xf32, #tpu.memory_space<vmem_shared>>
      tpu.enqueue_indirect_dma source(%arg15 : memref<80x128xf32, #tpu.memory_space<vmem>>) target(%dma_start3A_82 : memref<10240x128xf32, #tpu.memory_space<vmem_shared>>) offsets(%arg11 : memref<80xi32, #tpu.memory_space<vmem>>) semaphore(%arg24 : memref<!tpu.dma_semaphore, #tpu.memory_space<semaphore_mem>>) {add = true}
      %dma_wait3A_83 = arith.constant 0 : i32
      %dma_wait3A_84 = arith.constant 0 : i32
      %dma_wait3A_85 = tpu.memref_slice %arg2[%dma_wait3A_83, %dma_wait3A_84] : memref<10240x128xf32, #tpu.memory_space<hbm>> -> memref<10240x128xf32, #tpu.memory_space<hbm>>
      tpu.wait_indirect_dma semaphore(%arg21 : memref<!tpu.dma_semaphore, #tpu.memory_space<semaphore_mem>>) src(%dma_wait3A_85 : memref<10240x128xf32, #tpu.memory_space<hbm>>) dst(%arg16 : memref<80x128xf32, #tpu.memory_space<vmem>>)
      %dma_start3A_86 = arith.constant 0 : i32
      %dma_start3A_87 = arith.constant 0 : i32
      %dma_start3A_88 = tpu.memref_slice %arg19[%dma_start3A_86, %dma_start3A_87] : memref<10240x128xf32, #tpu.memory_space<vmem_shared>> -> memref<10240x128xf32, #tpu.memory_space<vmem_shared>>
      tpu.enqueue_indirect_dma source(%arg16 : memref<80x128xf32, #tpu.memory_space<vmem>>) target(%dma_start3A_88 : memref<10240x128xf32, #tpu.memory_space<vmem_shared>>) offsets(%arg12 : memref<80xi32, #tpu.memory_space<vmem>>) semaphore(%arg25 : memref<!tpu.dma_semaphore, #tpu.memory_space<semaphore_mem>>) {add = true}
      %dma_wait3A_89 = arith.constant 0 : i32
      %dma_wait3A_90 = arith.constant 0 : i32
      %dma_wait3A_91 = tpu.memref_slice %arg2[%dma_wait3A_89, %dma_wait3A_90] : memref<10240x128xf32, #tpu.memory_space<hbm>> -> memref<10240x128xf32, #tpu.memory_space<hbm>>
      tpu.wait_indirect_dma semaphore(%arg22 : memref<!tpu.dma_semaphore, #tpu.memory_space<semaphore_mem>>) src(%dma_wait3A_91 : memref<10240x128xf32, #tpu.memory_space<hbm>>) dst(%arg17 : memref<80x128xf32, #tpu.memory_space<vmem>>)
      %dma_start3A_92 = arith.constant 0 : i32
      %dma_start3A_93 = arith.constant 0 : i32
      %dma_start3A_94 = tpu.memref_slice %arg19[%dma_start3A_92, %dma_start3A_93] : memref<10240x128xf32, #tpu.memory_space<vmem_shared>> -> memref<10240x128xf32, #tpu.memory_space<vmem_shared>>
      tpu.enqueue_indirect_dma source(%arg17 : memref<80x128xf32, #tpu.memory_space<vmem>>) target(%dma_start3A_94 : memref<10240x128xf32, #tpu.memory_space<vmem_shared>>) offsets(%arg13 : memref<80xi32, #tpu.memory_space<vmem>>) semaphore(%arg26 : memref<!tpu.dma_semaphore, #tpu.memory_space<semaphore_mem>>) {add = true}
      %dma_wait3A_95 = arith.constant 0 : i32
      %dma_wait3A_96 = arith.constant 0 : i32
      %dma_wait3A_97 = tpu.memref_slice %arg2[%dma_wait3A_95, %dma_wait3A_96] : memref<10240x128xf32, #tpu.memory_space<hbm>> -> memref<10240x128xf32, #tpu.memory_space<hbm>>
      tpu.wait_indirect_dma semaphore(%arg23 : memref<!tpu.dma_semaphore, #tpu.memory_space<semaphore_mem>>) src(%dma_wait3A_97 : memref<10240x128xf32, #tpu.memory_space<hbm>>) dst(%arg18 : memref<80x128xf32, #tpu.memory_space<vmem>>)
      %dma_start3A_98 = arith.constant 0 : i32
      %dma_start3A_99 = arith.constant 0 : i32
      %dma_start3A_100 = tpu.memref_slice %arg19[%dma_start3A_98, %dma_start3A_99] : memref<10240x128xf32, #tpu.memory_space<vmem_shared>> -> memref<10240x128xf32, #tpu.memory_space<vmem_shared>>
      tpu.enqueue_indirect_dma source(%arg18 : memref<80x128xf32, #tpu.memory_space<vmem>>) target(%dma_start3A_100 : memref<10240x128xf32, #tpu.memory_space<vmem_shared>>) offsets(%arg14 : memref<80xi32, #tpu.memory_space<vmem>>) semaphore(%arg27 : memref<!tpu.dma_semaphore, #tpu.memory_space<semaphore_mem>>) {add = true}
      %add3A_101 = arith.constant 0 : i32
      %add3A_102 = arith.addi %add3A_76, %add3A_101 : i32
      %add3A_103 = arith.constant 4 : i32
      %add3A_104 = arith.addi %add3A_102, %add3A_103 : i32
      %lt3A = arith.constant 125 : i32
      %lt3A_105 = arith.cmpi slt, %add3A_104, %lt3A : i32
      %convert_element_type3A_106 = arith.extui %lt3A_105 : i1 to i32
      %cond3A_107 = arith.constant 0 : i32
      %cond3A_108 = arith.cmpi ne, %convert_element_type3A_106, %cond3A_107 : i32
      scf.if %cond3A_108 {
        %dma_wait3A_137 = arith.constant 0 : i32
        %dma_wait3A_138 = arith.constant 0 : i32
        %dma_wait3A_139 = tpu.memref_slice %arg19[%dma_wait3A_137, %dma_wait3A_138] : memref<10240x128xf32, #tpu.memory_space<vmem_shared>> -> memref<10240x128xf32, #tpu.memory_space<vmem_shared>>
        tpu.wait_indirect_dma semaphore(%arg24 : memref<!tpu.dma_semaphore, #tpu.memory_space<semaphore_mem>>) src(%arg15 : memref<80x128xf32, #tpu.memory_space<vmem>>) dst(%dma_wait3A_139 : memref<10240x128xf32, #tpu.memory_space<vmem_shared>>)
        %add3A_140 = arith.constant 0 : i32
        %add3A_141 = arith.addi %add3A_76, %add3A_140 : i32
        %add3A_142 = arith.constant 4 : i32
        %add3A_143 = arith.addi %add3A_141, %add3A_142 : i32
        %mul3A_144 = arith.constant 80 : i32
        %mul3A_145 = arith.muli %add3A_143, %mul3A_144 : i32
        %add3A_146 = arith.addi %mul3A_10, %mul3A_145 : i32
        "tpu.region"() ({
          %run_scoped3A = tpu.sem_alloc : memref<!tpu.dma_semaphore, #tpu.memory_space<semaphore_mem>>
          %dma_start3A_157 = tpu.memref_slice %arg4[%add3A_146] : memref<320000xi32, #tpu.memory_space<hbm>> -> memref<80xi32, #tpu.memory_space<hbm>>
          %dma_start3A_158 = tpu.memref_slice %arg4[%add3A_146] : memref<320000xi32, #tpu.memory_space<hbm>> -> memref<80xi32, #tpu.memory_space<hbm>>
          tpu.enqueue_dma source(%dma_start3A_158 : memref<80xi32, #tpu.memory_space<hbm>>) target(%arg7 : memref<80xi32, #tpu.memory_space<vmem>>) target_semaphore(%run_scoped3A : memref<!tpu.dma_semaphore, #tpu.memory_space<semaphore_mem>>)
          %dma_wait3A_159 = tpu.memref_slice %arg4[%add3A_146] : memref<320000xi32, #tpu.memory_space<hbm>> -> memref<80xi32, #tpu.memory_space<hbm>>
          %dma_wait3A_160 = tpu.memref_slice %arg4[%add3A_146] : memref<320000xi32, #tpu.memory_space<hbm>> -> memref<80xi32, #tpu.memory_space<hbm>>
          tpu.wait_dma2 semaphore(%run_scoped3A : memref<!tpu.dma_semaphore, #tpu.memory_space<semaphore_mem>>) src(%dma_wait3A_160 : memref<80xi32, #tpu.memory_space<hbm>>) dst(%arg7 : memref<80xi32, #tpu.memory_space<vmem>>)
          tpu.yield
        }) : () -> ()
        %add3A_147 = arith.constant 0 : i32
        %add3A_148 = arith.addi %add3A_76, %add3A_147 : i32
        %add3A_149 = arith.constant 4 : i32
        %add3A_150 = arith.addi %add3A_148, %add3A_149 : i32
        %mul3A_151 = arith.constant 80 : i32
        %mul3A_152 = arith.muli %add3A_150, %mul3A_151 : i32
        %add3A_153 = arith.addi %mul3A_10, %mul3A_152 : i32
        "tpu.region"() ({
          %run_scoped3A = tpu.sem_alloc : memref<!tpu.dma_semaphore, #tpu.memory_space<semaphore_mem>>
          %dma_start3A_157 = tpu.memref_slice %arg5[%add3A_153] : memref<320000xi32, #tpu.memory_space<hbm>> -> memref<80xi32, #tpu.memory_space<hbm>>
          %dma_start3A_158 = tpu.memref_slice %arg5[%add3A_153] : memref<320000xi32, #tpu.memory_space<hbm>> -> memref<80xi32, #tpu.memory_space<hbm>>
          tpu.enqueue_dma source(%dma_start3A_158 : memref<80xi32, #tpu.memory_space<hbm>>) target(%arg11 : memref<80xi32, #tpu.memory_space<vmem>>) target_semaphore(%run_scoped3A : memref<!tpu.dma_semaphore, #tpu.memory_space<semaphore_mem>>)
          %dma_wait3A_159 = tpu.memref_slice %arg5[%add3A_153] : memref<320000xi32, #tpu.memory_space<hbm>> -> memref<80xi32, #tpu.memory_space<hbm>>
          %dma_wait3A_160 = tpu.memref_slice %arg5[%add3A_153] : memref<320000xi32, #tpu.memory_space<hbm>> -> memref<80xi32, #tpu.memory_space<hbm>>
          tpu.wait_dma2 semaphore(%run_scoped3A : memref<!tpu.dma_semaphore, #tpu.memory_space<semaphore_mem>>) src(%dma_wait3A_160 : memref<80xi32, #tpu.memory_space<hbm>>) dst(%arg11 : memref<80xi32, #tpu.memory_space<vmem>>)
          tpu.yield
        }) : () -> ()
        %dma_start3A_154 = arith.constant 0 : i32
        %dma_start3A_155 = arith.constant 0 : i32
        %dma_start3A_156 = tpu.memref_slice %arg2[%dma_start3A_154, %dma_start3A_155] : memref<10240x128xf32, #tpu.memory_space<hbm>> -> memref<10240x128xf32, #tpu.memory_space<hbm>>
        tpu.enqueue_indirect_dma source(%dma_start3A_156 : memref<10240x128xf32, #tpu.memory_space<hbm>>) target(%arg15 : memref<80x128xf32, #tpu.memory_space<vmem>>) offsets(%arg7 : memref<80xi32, #tpu.memory_space<vmem>>) semaphore(%arg20 : memref<!tpu.dma_semaphore, #tpu.memory_space<semaphore_mem>>)
      } else {
      }
      %add3A_109 = arith.constant 1 : i32
      %add3A_110 = arith.addi %add3A_76, %add3A_109 : i32
      %add3A_111 = arith.constant 4 : i32
      %add3A_112 = arith.addi %add3A_110, %add3A_111 : i32
      %lt3A_113 = arith.constant 125 : i32
      %lt3A_114 = arith.cmpi slt, %add3A_112, %lt3A_113 : i32
      %convert_element_type3A_115 = arith.extui %lt3A_114 : i1 to i32
      %cond3A_116 = arith.constant 0 : i32
      %cond3A_117 = arith.cmpi ne, %convert_element_type3A_115, %cond3A_116 : i32
      scf.if %cond3A_117 {
        %dma_wait3A_137 = arith.constant 0 : i32
        %dma_wait3A_138 = arith.constant 0 : i32
        %dma_wait3A_139 = tpu.memref_slice %arg19[%dma_wait3A_137, %dma_wait3A_138] : memref<10240x128xf32, #tpu.memory_space<vmem_shared>> -> memref<10240x128xf32, #tpu.memory_space<vmem_shared>>
        tpu.wait_indirect_dma semaphore(%arg25 : memref<!tpu.dma_semaphore, #tpu.memory_space<semaphore_mem>>) src(%arg16 : memref<80x128xf32, #tpu.memory_space<vmem>>) dst(%dma_wait3A_139 : memref<10240x128xf32, #tpu.memory_space<vmem_shared>>)
        %add3A_140 = arith.constant 1 : i32
        %add3A_141 = arith.addi %add3A_76, %add3A_140 : i32
        %add3A_142 = arith.constant 4 : i32
        %add3A_143 = arith.addi %add3A_141, %add3A_142 : i32
        %mul3A_144 = arith.constant 80 : i32
        %mul3A_145 = arith.muli %add3A_143, %mul3A_144 : i32
        %add3A_146 = arith.addi %mul3A_10, %mul3A_145 : i32
        "tpu.region"() ({
          %run_scoped3A = tpu.sem_alloc : memref<!tpu.dma_semaphore, #tpu.memory_space<semaphore_mem>>
          %dma_start3A_157 = tpu.memref_slice %arg4[%add3A_146] : memref<320000xi32, #tpu.memory_space<hbm>> -> memref<80xi32, #tpu.memory_space<hbm>>
          %dma_start3A_158 = tpu.memref_slice %arg4[%add3A_146] : memref<320000xi32, #tpu.memory_space<hbm>> -> memref<80xi32, #tpu.memory_space<hbm>>
          tpu.enqueue_dma source(%dma_start3A_158 : memref<80xi32, #tpu.memory_space<hbm>>) target(%arg8 : memref<80xi32, #tpu.memory_space<vmem>>) target_semaphore(%run_scoped3A : memref<!tpu.dma_semaphore, #tpu.memory_space<semaphore_mem>>)
          %dma_wait3A_159 = tpu.memref_slice %arg4[%add3A_146] : memref<320000xi32, #tpu.memory_space<hbm>> -> memref<80xi32, #tpu.memory_space<hbm>>
          %dma_wait3A_160 = tpu.memref_slice %arg4[%add3A_146] : memref<320000xi32, #tpu.memory_space<hbm>> -> memref<80xi32, #tpu.memory_space<hbm>>
          tpu.wait_dma2 semaphore(%run_scoped3A : memref<!tpu.dma_semaphore, #tpu.memory_space<semaphore_mem>>) src(%dma_wait3A_160 : memref<80xi32, #tpu.memory_space<hbm>>) dst(%arg8 : memref<80xi32, #tpu.memory_space<vmem>>)
          tpu.yield
        }) : () -> ()
        %add3A_147 = arith.constant 1 : i32
        %add3A_148 = arith.addi %add3A_76, %add3A_147 : i32
        %add3A_149 = arith.constant 4 : i32
        %add3A_150 = arith.addi %add3A_148, %add3A_149 : i32
        %mul3A_151 = arith.constant 80 : i32
        %mul3A_152 = arith.muli %add3A_150, %mul3A_151 : i32
        %add3A_153 = arith.addi %mul3A_10, %mul3A_152 : i32
        "tpu.region"() ({
          %run_scoped3A = tpu.sem_alloc : memref<!tpu.dma_semaphore, #tpu.memory_space<semaphore_mem>>
          %dma_start3A_157 = tpu.memref_slice %arg5[%add3A_153] : memref<320000xi32, #tpu.memory_space<hbm>> -> memref<80xi32, #tpu.memory_space<hbm>>
          %dma_start3A_158 = tpu.memref_slice %arg5[%add3A_153] : memref<320000xi32, #tpu.memory_space<hbm>> -> memref<80xi32, #tpu.memory_space<hbm>>
          tpu.enqueue_dma source(%dma_start3A_158 : memref<80xi32, #tpu.memory_space<hbm>>) target(%arg12 : memref<80xi32, #tpu.memory_space<vmem>>) target_semaphore(%run_scoped3A : memref<!tpu.dma_semaphore, #tpu.memory_space<semaphore_mem>>)
          %dma_wait3A_159 = tpu.memref_slice %arg5[%add3A_153] : memref<320000xi32, #tpu.memory_space<hbm>> -> memref<80xi32, #tpu.memory_space<hbm>>
          %dma_wait3A_160 = tpu.memref_slice %arg5[%add3A_153] : memref<320000xi32, #tpu.memory_space<hbm>> -> memref<80xi32, #tpu.memory_space<hbm>>
          tpu.wait_dma2 semaphore(%run_scoped3A : memref<!tpu.dma_semaphore, #tpu.memory_space<semaphore_mem>>) src(%dma_wait3A_160 : memref<80xi32, #tpu.memory_space<hbm>>) dst(%arg12 : memref<80xi32, #tpu.memory_space<vmem>>)
          tpu.yield
        }) : () -> ()
        %dma_start3A_154 = arith.constant 0 : i32
        %dma_start3A_155 = arith.constant 0 : i32
        %dma_start3A_156 = tpu.memref_slice %arg2[%dma_start3A_154, %dma_start3A_155] : memref<10240x128xf32, #tpu.memory_space<hbm>> -> memref<10240x128xf32, #tpu.memory_space<hbm>>
        tpu.enqueue_indirect_dma source(%dma_start3A_156 : memref<10240x128xf32, #tpu.memory_space<hbm>>) target(%arg16 : memref<80x128xf32, #tpu.memory_space<vmem>>) offsets(%arg8 : memref<80xi32, #tpu.memory_space<vmem>>) semaphore(%arg21 : memref<!tpu.dma_semaphore, #tpu.memory_space<semaphore_mem>>)
      } else {
      }
      %add3A_118 = arith.constant 2 : i32
      %add3A_119 = arith.addi %add3A_76, %add3A_118 : i32
      %add3A_120 = arith.constant 4 : i32
      %add3A_121 = arith.addi %add3A_119, %add3A_120 : i32
      %lt3A_122 = arith.constant 125 : i32
      %lt3A_123 = arith.cmpi slt, %add3A_121, %lt3A_122 : i32
      %convert_element_type3A_124 = arith.extui %lt3A_123 : i1 to i32
      %cond3A_125 = arith.constant 0 : i32
      %cond3A_126 = arith.cmpi ne, %convert_element_type3A_124, %cond3A_125 : i32
      scf.if %cond3A_126 {
        %dma_wait3A_137 = arith.constant 0 : i32
        %dma_wait3A_138 = arith.constant 0 : i32
        %dma_wait3A_139 = tpu.memref_slice %arg19[%dma_wait3A_137, %dma_wait3A_138] : memref<10240x128xf32, #tpu.memory_space<vmem_shared>> -> memref<10240x128xf32, #tpu.memory_space<vmem_shared>>
        tpu.wait_indirect_dma semaphore(%arg26 : memref<!tpu.dma_semaphore, #tpu.memory_space<semaphore_mem>>) src(%arg17 : memref<80x128xf32, #tpu.memory_space<vmem>>) dst(%dma_wait3A_139 : memref<10240x128xf32, #tpu.memory_space<vmem_shared>>)
        %add3A_140 = arith.constant 2 : i32
        %add3A_141 = arith.addi %add3A_76, %add3A_140 : i32
        %add3A_142 = arith.constant 4 : i32
        %add3A_143 = arith.addi %add3A_141, %add3A_142 : i32
        %mul3A_144 = arith.constant 80 : i32
        %mul3A_145 = arith.muli %add3A_143, %mul3A_144 : i32
        %add3A_146 = arith.addi %mul3A_10, %mul3A_145 : i32
        "tpu.region"() ({
          %run_scoped3A = tpu.sem_alloc : memref<!tpu.dma_semaphore, #tpu.memory_space<semaphore_mem>>
          %dma_start3A_157 = tpu.memref_slice %arg4[%add3A_146] : memref<320000xi32, #tpu.memory_space<hbm>> -> memref<80xi32, #tpu.memory_space<hbm>>
          %dma_start3A_158 = tpu.memref_slice %arg4[%add3A_146] : memref<320000xi32, #tpu.memory_space<hbm>> -> memref<80xi32, #tpu.memory_space<hbm>>
          tpu.enqueue_dma source(%dma_start3A_158 : memref<80xi32, #tpu.memory_space<hbm>>) target(%arg9 : memref<80xi32, #tpu.memory_space<vmem>>) target_semaphore(%run_scoped3A : memref<!tpu.dma_semaphore, #tpu.memory_space<semaphore_mem>>)
          %dma_wait3A_159 = tpu.memref_slice %arg4[%add3A_146] : memref<320000xi32, #tpu.memory_space<hbm>> -> memref<80xi32, #tpu.memory_space<hbm>>
          %dma_wait3A_160 = tpu.memref_slice %arg4[%add3A_146] : memref<320000xi32, #tpu.memory_space<hbm>> -> memref<80xi32, #tpu.memory_space<hbm>>
          tpu.wait_dma2 semaphore(%run_scoped3A : memref<!tpu.dma_semaphore, #tpu.memory_space<semaphore_mem>>) src(%dma_wait3A_160 : memref<80xi32, #tpu.memory_space<hbm>>) dst(%arg9 : memref<80xi32, #tpu.memory_space<vmem>>)
          tpu.yield
        }) : () -> ()
        %add3A_147 = arith.constant 2 : i32
        %add3A_148 = arith.addi %add3A_76, %add3A_147 : i32
        %add3A_149 = arith.constant 4 : i32
        %add3A_150 = arith.addi %add3A_148, %add3A_149 : i32
        %mul3A_151 = arith.constant 80 : i32
        %mul3A_152 = arith.muli %add3A_150, %mul3A_151 : i32
        %add3A_153 = arith.addi %mul3A_10, %mul3A_152 : i32
        "tpu.region"() ({
          %run_scoped3A = tpu.sem_alloc : memref<!tpu.dma_semaphore, #tpu.memory_space<semaphore_mem>>
          %dma_start3A_157 = tpu.memref_slice %arg5[%add3A_153] : memref<320000xi32, #tpu.memory_space<hbm>> -> memref<80xi32, #tpu.memory_space<hbm>>
          %dma_start3A_158 = tpu.memref_slice %arg5[%add3A_153] : memref<320000xi32, #tpu.memory_space<hbm>> -> memref<80xi32, #tpu.memory_space<hbm>>
          tpu.enqueue_dma source(%dma_start3A_158 : memref<80xi32, #tpu.memory_space<hbm>>) target(%arg13 : memref<80xi32, #tpu.memory_space<vmem>>) target_semaphore(%run_scoped3A : memref<!tpu.dma_semaphore, #tpu.memory_space<semaphore_mem>>)
          %dma_wait3A_159 = tpu.memref_slice %arg5[%add3A_153] : memref<320000xi32, #tpu.memory_space<hbm>> -> memref<80xi32, #tpu.memory_space<hbm>>
          %dma_wait3A_160 = tpu.memref_slice %arg5[%add3A_153] : memref<320000xi32, #tpu.memory_space<hbm>> -> memref<80xi32, #tpu.memory_space<hbm>>
          tpu.wait_dma2 semaphore(%run_scoped3A : memref<!tpu.dma_semaphore, #tpu.memory_space<semaphore_mem>>) src(%dma_wait3A_160 : memref<80xi32, #tpu.memory_space<hbm>>) dst(%arg13 : memref<80xi32, #tpu.memory_space<vmem>>)
          tpu.yield
        }) : () -> ()
        %dma_start3A_154 = arith.constant 0 : i32
        %dma_start3A_155 = arith.constant 0 : i32
        %dma_start3A_156 = tpu.memref_slice %arg2[%dma_start3A_154, %dma_start3A_155] : memref<10240x128xf32, #tpu.memory_space<hbm>> -> memref<10240x128xf32, #tpu.memory_space<hbm>>
        tpu.enqueue_indirect_dma source(%dma_start3A_156 : memref<10240x128xf32, #tpu.memory_space<hbm>>) target(%arg17 : memref<80x128xf32, #tpu.memory_space<vmem>>) offsets(%arg9 : memref<80xi32, #tpu.memory_space<vmem>>) semaphore(%arg22 : memref<!tpu.dma_semaphore, #tpu.memory_space<semaphore_mem>>)
      } else {
      }
      %add3A_127 = arith.constant 3 : i32
      %add3A_128 = arith.addi %add3A_76, %add3A_127 : i32
      %add3A_129 = arith.constant 4 : i32
      %add3A_130 = arith.addi %add3A_128, %add3A_129 : i32
      %lt3A_131 = arith.constant 125 : i32
      %lt3A_132 = arith.cmpi slt, %add3A_130, %lt3A_131 : i32
      %convert_element_type3A_133 = arith.extui %lt3A_132 : i1 to i32
      %cond3A_134 = arith.constant 0 : i32
      %cond3A_135 = arith.cmpi ne, %convert_element_type3A_133, %cond3A_134 : i32
      scf.if %cond3A_135 {
        %dma_wait3A_137 = arith.constant 0 : i32
        %dma_wait3A_138 = arith.constant 0 : i32
        %dma_wait3A_139 = tpu.memref_slice %arg19[%dma_wait3A_137, %dma_wait3A_138] : memref<10240x128xf32, #tpu.memory_space<vmem_shared>> -> memref<10240x128xf32, #tpu.memory_space<vmem_shared>>
        tpu.wait_indirect_dma semaphore(%arg27 : memref<!tpu.dma_semaphore, #tpu.memory_space<semaphore_mem>>) src(%arg18 : memref<80x128xf32, #tpu.memory_space<vmem>>) dst(%dma_wait3A_139 : memref<10240x128xf32, #tpu.memory_space<vmem_shared>>)
        %add3A_140 = arith.constant 3 : i32
        %add3A_141 = arith.addi %add3A_76, %add3A_140 : i32
        %add3A_142 = arith.constant 4 : i32
        %add3A_143 = arith.addi %add3A_141, %add3A_142 : i32
        %mul3A_144 = arith.constant 80 : i32
        %mul3A_145 = arith.muli %add3A_143, %mul3A_144 : i32
        %add3A_146 = arith.addi %mul3A_10, %mul3A_145 : i32
        "tpu.region"() ({
          %run_scoped3A = tpu.sem_alloc : memref<!tpu.dma_semaphore, #tpu.memory_space<semaphore_mem>>
          %dma_start3A_157 = tpu.memref_slice %arg4[%add3A_146] : memref<320000xi32, #tpu.memory_space<hbm>> -> memref<80xi32, #tpu.memory_space<hbm>>
          %dma_start3A_158 = tpu.memref_slice %arg4[%add3A_146] : memref<320000xi32, #tpu.memory_space<hbm>> -> memref<80xi32, #tpu.memory_space<hbm>>
          tpu.enqueue_dma source(%dma_start3A_158 : memref<80xi32, #tpu.memory_space<hbm>>) target(%arg10 : memref<80xi32, #tpu.memory_space<vmem>>) target_semaphore(%run_scoped3A : memref<!tpu.dma_semaphore, #tpu.memory_space<semaphore_mem>>)
          %dma_wait3A_159 = tpu.memref_slice %arg4[%add3A_146] : memref<320000xi32, #tpu.memory_space<hbm>> -> memref<80xi32, #tpu.memory_space<hbm>>
          %dma_wait3A_160 = tpu.memref_slice %arg4[%add3A_146] : memref<320000xi32, #tpu.memory_space<hbm>> -> memref<80xi32, #tpu.memory_space<hbm>>
          tpu.wait_dma2 semaphore(%run_scoped3A : memref<!tpu.dma_semaphore, #tpu.memory_space<semaphore_mem>>) src(%dma_wait3A_160 : memref<80xi32, #tpu.memory_space<hbm>>) dst(%arg10 : memref<80xi32, #tpu.memory_space<vmem>>)
          tpu.yield
        }) : () -> ()
        %add3A_147 = arith.constant 3 : i32
        %add3A_148 = arith.addi %add3A_76, %add3A_147 : i32
        %add3A_149 = arith.constant 4 : i32
        %add3A_150 = arith.addi %add3A_148, %add3A_149 : i32
        %mul3A_151 = arith.constant 80 : i32
        %mul3A_152 = arith.muli %add3A_150, %mul3A_151 : i32
        %add3A_153 = arith.addi %mul3A_10, %mul3A_152 : i32
        "tpu.region"() ({
          %run_scoped3A = tpu.sem_alloc : memref<!tpu.dma_semaphore, #tpu.memory_space<semaphore_mem>>
          %dma_start3A_157 = tpu.memref_slice %arg5[%add3A_153] : memref<320000xi32, #tpu.memory_space<hbm>> -> memref<80xi32, #tpu.memory_space<hbm>>
          %dma_start3A_158 = tpu.memref_slice %arg5[%add3A_153] : memref<320000xi32, #tpu.memory_space<hbm>> -> memref<80xi32, #tpu.memory_space<hbm>>
          tpu.enqueue_dma source(%dma_start3A_158 : memref<80xi32, #tpu.memory_space<hbm>>) target(%arg14 : memref<80xi32, #tpu.memory_space<vmem>>) target_semaphore(%run_scoped3A : memref<!tpu.dma_semaphore, #tpu.memory_space<semaphore_mem>>)
          %dma_wait3A_159 = tpu.memref_slice %arg5[%add3A_153] : memref<320000xi32, #tpu.memory_space<hbm>> -> memref<80xi32, #tpu.memory_space<hbm>>
          %dma_wait3A_160 = tpu.memref_slice %arg5[%add3A_153] : memref<320000xi32, #tpu.memory_space<hbm>> -> memref<80xi32, #tpu.memory_space<hbm>>
          tpu.wait_dma2 semaphore(%run_scoped3A : memref<!tpu.dma_semaphore, #tpu.memory_space<semaphore_mem>>) src(%dma_wait3A_160 : memref<80xi32, #tpu.memory_space<hbm>>) dst(%arg14 : memref<80xi32, #tpu.memory_space<vmem>>)
          tpu.yield
        }) : () -> ()
        %dma_start3A_154 = arith.constant 0 : i32
        %dma_start3A_155 = arith.constant 0 : i32
        %dma_start3A_156 = tpu.memref_slice %arg2[%dma_start3A_154, %dma_start3A_155] : memref<10240x128xf32, #tpu.memory_space<hbm>> -> memref<10240x128xf32, #tpu.memory_space<hbm>>
        tpu.enqueue_indirect_dma source(%dma_start3A_156 : memref<10240x128xf32, #tpu.memory_space<hbm>>) target(%arg18 : memref<80x128xf32, #tpu.memory_space<vmem>>) offsets(%arg10 : memref<80xi32, #tpu.memory_space<vmem>>) semaphore(%arg23 : memref<!tpu.dma_semaphore, #tpu.memory_space<semaphore_mem>>)
      } else {
      }
      %scan3A_136 = arith.constant 0 : i32
      scf.yield %scan3A_136 : i32
    }
    %scan3A_52 = arith.constant 31 : i32
    %dma_wait3A_53 = arith.constant 0 : i32
    %dma_wait3A_54 = arith.constant 0 : i32
    %dma_wait3A_55 = tpu.memref_slice %arg19[%dma_wait3A_53, %dma_wait3A_54] : memref<10240x128xf32, #tpu.memory_space<vmem_shared>> -> memref<10240x128xf32, #tpu.memory_space<vmem_shared>>
    tpu.wait_indirect_dma semaphore(%arg24 : memref<!tpu.dma_semaphore, #tpu.memory_space<semaphore_mem>>) src(%arg15 : memref<80x128xf32, #tpu.memory_space<vmem>>) dst(%dma_wait3A_55 : memref<10240x128xf32, #tpu.memory_space<vmem_shared>>)
    %dma_wait3A_56 = arith.constant 0 : i32
    %dma_wait3A_57 = arith.constant 0 : i32
    %dma_wait3A_58 = tpu.memref_slice %arg19[%dma_wait3A_56, %dma_wait3A_57] : memref<10240x128xf32, #tpu.memory_space<vmem_shared>> -> memref<10240x128xf32, #tpu.memory_space<vmem_shared>>
    tpu.wait_indirect_dma semaphore(%arg25 : memref<!tpu.dma_semaphore, #tpu.memory_space<semaphore_mem>>) src(%arg16 : memref<80x128xf32, #tpu.memory_space<vmem>>) dst(%dma_wait3A_58 : memref<10240x128xf32, #tpu.memory_space<vmem_shared>>)
    %dma_wait3A_59 = arith.constant 0 : i32
    %dma_wait3A_60 = arith.constant 0 : i32
    %dma_wait3A_61 = tpu.memref_slice %arg19[%dma_wait3A_59, %dma_wait3A_60] : memref<10240x128xf32, #tpu.memory_space<vmem_shared>> -> memref<10240x128xf32, #tpu.memory_space<vmem_shared>>
    tpu.wait_indirect_dma semaphore(%arg26 : memref<!tpu.dma_semaphore, #tpu.memory_space<semaphore_mem>>) src(%arg17 : memref<80x128xf32, #tpu.memory_space<vmem>>) dst(%dma_wait3A_61 : memref<10240x128xf32, #tpu.memory_space<vmem_shared>>)
    %dma_wait3A_62 = arith.constant 0 : i32
    %dma_wait3A_63 = arith.constant 0 : i32
    %dma_wait3A_64 = tpu.memref_slice %arg19[%dma_wait3A_62, %dma_wait3A_63] : memref<10240x128xf32, #tpu.memory_space<vmem_shared>> -> memref<10240x128xf32, #tpu.memory_space<vmem_shared>>
    tpu.wait_indirect_dma semaphore(%arg27 : memref<!tpu.dma_semaphore, #tpu.memory_space<semaphore_mem>>) src(%arg18 : memref<80x128xf32, #tpu.memory_space<vmem>>) dst(%dma_wait3A_64 : memref<10240x128xf32, #tpu.memory_space<vmem_shared>>)
    %barrier3A_65 = arith.constant 0 : index
    tpu.barrier barrier_id(%barrier3A_65)
    %mul3A_66 = arith.constant 10240 : i32
    %mul3A_67 = arith.muli %arg0, %mul3A_66 : i32
    %mul3A_68 = arith.constant 640 : i32
    %mul3A_69 = arith.muli %arg1, %mul3A_68 : i32
    %add3A_70 = arith.addi %mul3A_67, %mul3A_69 : i32
    "tpu.region"() ({
      %run_scoped3A = tpu.sem_alloc : memref<!tpu.dma_semaphore, #tpu.memory_space<semaphore_mem>>
      %dma_start3A_71 = arith.constant 0 : i32
      %dma_start3A_72 = tpu.memref_slice %arg6[%add3A_70, %dma_start3A_71] : memref<20480x128xf32, #tpu.memory_space<hbm>> -> memref<640x128xf32, #tpu.memory_space<hbm>>
      %dma_start3A_73 = arith.constant 0 : i32
      %dma_start3A_74 = tpu.memref_slice %arg19[%mul3A_2, %dma_start3A_73] : memref<10240x128xf32, #tpu.memory_space<vmem_shared>> -> memref<640x128xf32, #tpu.memory_space<vmem_shared>>
      tpu.enqueue_dma source(%dma_start3A_74 : memref<640x128xf32, #tpu.memory_space<vmem_shared>>) target(%dma_start3A_72 : memref<640x128xf32, #tpu.memory_space<hbm>>) target_semaphore(%run_scoped3A : memref<!tpu.dma_semaphore, #tpu.memory_space<semaphore_mem>>)
      %dma_wait3A_75 = arith.constant 0 : i32
      %dma_wait3A_76 = tpu.memref_slice %arg6[%add3A_70, %dma_wait3A_75] : memref<20480x128xf32, #tpu.memory_space<hbm>> -> memref<640x128xf32, #tpu.memory_space<hbm>>
      %dma_wait3A_77 = arith.constant 0 : i32
      %dma_wait3A_78 = tpu.memref_slice %arg19[%mul3A_2, %dma_wait3A_77] : memref<10240x128xf32, #tpu.memory_space<vmem_shared>> -> memref<640x128xf32, #tpu.memory_space<vmem_shared>>
      tpu.wait_dma2 semaphore(%run_scoped3A : memref<!tpu.dma_semaphore, #tpu.memory_space<semaphore_mem>>) src(%dma_wait3A_78 : memref<640x128xf32, #tpu.memory_space<vmem_shared>>) dst(%dma_wait3A_76 : memref<640x128xf32, #tpu.memory_space<hbm>>)
      tpu.yield
    }) : () -> ()
    return
  }
}

module attributes {stable_mosaic.version = 14 : i64} {
  func.func @_mm1_body(%arg0: i32, %arg1: memref<1024x128xf32, #tpu.memory_space<vmem>>, %arg2: memref<128x128xf32, #tpu.memory_space<vmem>>, %arg3: memref<1024x128xf32, #tpu.memory_space<vmem>>) attributes {dimension_semantics = [#tpu.dimension_semantics<arbitrary>], iteration_bounds = array<i64: 10>, scalar_prefetch = 0 : i64, scratch_operands = 0 : i64, tpu.core_type = #tpu.core_type<tc>, window_params = [{transform_indices = @transform_0, window_bounds = array<i64: 1024, 128>}, {pipeline_mode = #tpu.pipeline_mode<synchronous>, transform_indices = @transform_1, window_bounds = array<i64: 128, 128>}, {transform_indices = @transform_2, window_bounds = array<i64: 1024, 128>}]} {
    %get3A = arith.constant 0 : index
    %get3A_0 = arith.constant 0 : index
    %get3A_1 = vector.load %arg1[%get3A, %get3A_0] : memref<1024x128xf32, #tpu.memory_space<vmem>>, vector<1024x128xf32>
    %get3A_2 = arith.constant 0 : index
    %get3A_3 = arith.constant 0 : index
    %get3A_4 = vector.load %arg2[%get3A_2, %get3A_3] : memref<128x128xf32, #tpu.memory_space<vmem>>, vector<128x128xf32>
    %dot_general3A = arith.constant dense<0.000000e+00> : vector<1024x128xf32>
    %dot_general3A_5 = tpu.matmul %get3A_1, %get3A_4, %dot_general3A {dimension_numbers = #tpu.dot_dimension_numbers<[1], [0], [0], [1], [0, 0, 1, 1], [], []>, transpose_lhs_hint = false} : vector<1024x128xf32>, vector<128x128xf32>, vector<1024x128xf32> -> vector<1024x128xf32>
    %swap3A = arith.constant 0 : index
    %swap3A_6 = arith.constant 0 : index
    %swap3A_7 = vector.load %arg3[%swap3A, %swap3A_6] : memref<1024x128xf32, #tpu.memory_space<vmem>>, vector<1024x128xf32>
    tpu.vector_store %arg3[%swap3A, %swap3A_6], %dot_general3A_5 {strides = array<i32>} : memref<1024x128xf32, #tpu.memory_space<vmem>>, vector<1024x128xf32>,
    return
  }
  func.func @transform_0(%arg0: i32) -> (i32, i32) {
    %c0_i32 = arith.constant 0 : i32
    %c0_i32_0 = arith.constant 0 : i32
    return %arg0, %c0_i32 : i32, i32
  }
  func.func @transform_1(%arg0: i32) -> (i32, i32) {
    %c0_i32 = arith.constant 0 : i32
    %c0_i32_0 = arith.constant 0 : i32
    %c0_i32_1 = arith.constant 0 : i32
    return %c0_i32, %c0_i32_0 : i32, i32
  }
  func.func @transform_2(%arg0: i32) -> (i32, i32) {
    %c0_i32 = arith.constant 0 : i32
    %c0_i32_0 = arith.constant 0 : i32
    return %arg0, %c0_i32 : i32, i32
  }
}

module attributes {stable_mosaic.version = 14 : i64} {
  func.func @_dinv_p1_body(%arg0: i32, %arg1: memref<2x1024x128xf32, #tpu.memory_space<vmem>>, %arg2: memref<1024x128xf32, #tpu.memory_space<vmem>>, %arg3: memref<1024x1xf32, #tpu.memory_space<vmem>>, %arg4: memref<1024x128xf32, #tpu.memory_space<vmem>>) attributes {dimension_semantics = [#tpu.dimension_semantics<arbitrary>], iteration_bounds = array<i64: 10>, scalar_prefetch = 0 : i64, scratch_operands = 0 : i64, tpu.core_type = #tpu.core_type<tc>, window_params = [{transform_indices = @transform_0, window_bounds = array<i64: 2, 1024, 128>}, {transform_indices = @transform_1, window_bounds = array<i64: 1024, 128>}, {transform_indices = @transform_2, window_bounds = array<i64: 1024, 1>}, {transform_indices = @transform_3, window_bounds = array<i64: 1024, 128>}]} {
    %get3A = arith.constant 0 : index
    %get3A_0 = arith.constant 0 : index
    %get3A_1 = arith.constant 0 : index
    %get3A_2 = vector.load %arg1[%get3A, %get3A_0, %get3A_1] : memref<2x1024x128xf32, #tpu.memory_space<vmem>>, vector<1x1024x1xf32>
    %get3A_3 = vector.shape_cast %get3A_2 : vector<1x1024x1xf32> to vector<1024x1xf32>
    %get3A_4 = arith.constant 1 : index
    %get3A_5 = arith.constant 0 : index
    %get3A_6 = arith.constant 0 : index
    %get3A_7 = vector.load %arg1[%get3A_4, %get3A_5, %get3A_6] : memref<2x1024x128xf32, #tpu.memory_space<vmem>>, vector<1x1024x1xf32>
    %get3A_8 = vector.shape_cast %get3A_7 : vector<1x1024x1xf32> to vector<1024x1xf32>
    %add3A = arith.addf %get3A_3, %get3A_8 : vector<1024x1xf32>
    %add3A_9 = arith.constant 1.000000e+00 : f32
    %add3A_10 = vector.broadcast %add3A_9 : f32 to vector<1024x1xf32>
    %add3A_11 = arith.addf %add3A, %add3A_10 : vector<1024x1xf32>
    %rsqrt3A = math.rsqrt %add3A_11 : vector<1024x1xf32>
    %swap3A = arith.constant 0 : index
    %swap3A_12 = arith.constant 0 : index
    %swap3A_13 = vector.load %arg3[%swap3A, %swap3A_12] : memref<1024x1xf32, #tpu.memory_space<vmem>>, vector<1024x1xf32>
    tpu.vector_store %arg3[%swap3A, %swap3A_12], %rsqrt3A {strides = array<i32>} : memref<1024x1xf32, #tpu.memory_space<vmem>>, vector<1024x1xf32>,
    %get3A_14 = arith.constant 0 : index
    %get3A_15 = arith.constant 0 : index
    %get3A_16 = vector.load %arg2[%get3A_14, %get3A_15] : memref<1024x128xf32, #tpu.memory_space<vmem>>, vector<1024x128xf32>
    %mul3A = vector.broadcast %rsqrt3A : vector<1024x1xf32> to vector<1024x128xf32>
    %mul3A_17 = arith.mulf %mul3A, %get3A_16 : vector<1024x128xf32>
    %swap3A_18 = arith.constant 0 : index
    %swap3A_19 = arith.constant 0 : index
    %swap3A_20 = vector.load %arg4[%swap3A_18, %swap3A_19] : memref<1024x128xf32, #tpu.memory_space<vmem>>, vector<1024x128xf32>
    tpu.vector_store %arg4[%swap3A_18, %swap3A_19], %mul3A_17 {strides = array<i32>} : memref<1024x128xf32, #tpu.memory_space<vmem>>, vector<1024x128xf32>,
    return
  }
  func.func @transform_0(%arg0: i32) -> (i32, i32, i32) {
    %c0_i32 = arith.constant 0 : i32
    %c0_i32_0 = arith.constant 0 : i32
    %c0_i32_1 = arith.constant 0 : i32
    return %c0_i32, %arg0, %c0_i32_0 : i32, i32, i32
  }
  func.func @transform_1(%arg0: i32) -> (i32, i32) {
    %c0_i32 = arith.constant 0 : i32
    %c0_i32_0 = arith.constant 0 : i32
    return %arg0, %c0_i32 : i32, i32
  }
  func.func @transform_2(%arg0: i32) -> (i32, i32) {
    %c0_i32 = arith.constant 0 : i32
    %c0_i32_0 = arith.constant 0 : i32
    return %arg0, %c0_i32 : i32, i32
  }
  func.func @transform_3(%arg0: i32) -> (i32, i32) {
    %c0_i32 = arith.constant 0 : i32
    %c0_i32_0 = arith.constant 0 : i32
    return %arg0, %c0_i32 : i32, i32
  }
}

module attributes {stable_mosaic.version = 14 : i64} {
  func.func @_fuse12_body(%arg0: i32, %arg1: i32, %arg2: memref<2x1024x128xf32, #tpu.memory_space<vmem>>, %arg3: memref<1024x1xf32, #tpu.memory_space<vmem>>, %arg4: memref<1x128xf32, #tpu.memory_space<vmem>>, %arg5: memref<1x128x128xf32, #tpu.memory_space<vmem>>, %arg6: memref<1x1024x128xf32, #tpu.memory_space<vmem>>) attributes {dimension_semantics = [#tpu.dimension_semantics<arbitrary>, #tpu.dimension_semantics<arbitrary>], iteration_bounds = array<i64: 10, 2>, scalar_prefetch = 0 : i64, scratch_operands = 0 : i64, tpu.core_type = #tpu.core_type<tc>, window_params = [{transform_indices = @transform_0, window_bounds = array<i64: 2, 1024, 128>}, {transform_indices = @transform_1, window_bounds = array<i64: 1024, 1>}, {pipeline_mode = #tpu.pipeline_mode<synchronous>, transform_indices = @transform_2, window_bounds = array<i64: 1, 128>}, {transform_indices = @transform_3, window_bounds = array<i64: 1, 128, 128>}, {transform_indices = @transform_4, window_bounds = array<i64: 1, 1024, 128>}]} {
    %get3A = arith.constant 0 : index
    %get3A_0 = arith.constant 0 : index
    %get3A_1 = vector.load %arg3[%get3A, %get3A_0] : memref<1024x1xf32, #tpu.memory_space<vmem>>, vector<1024x1xf32>
    %get3A_2 = arith.constant 0 : index
    %get3A_3 = arith.constant 0 : index
    %get3A_4 = arith.constant 0 : index
    %get3A_5 = vector.load %arg2[%get3A_2, %get3A_3, %get3A_4] : memref<2x1024x128xf32, #tpu.memory_space<vmem>>, vector<1x1024x128xf32>
    %get3A_6 = vector.shape_cast %get3A_5 : vector<1x1024x128xf32> to vector<1024x128xf32>
    %get3A_7 = arith.constant 1 : index
    %get3A_8 = arith.constant 0 : index
    %get3A_9 = arith.constant 0 : index
    %get3A_10 = vector.load %arg2[%get3A_7, %get3A_8, %get3A_9] : memref<2x1024x128xf32, #tpu.memory_space<vmem>>, vector<1x1024x128xf32>
    %get3A_11 = vector.shape_cast %get3A_10 : vector<1x1024x128xf32> to vector<1024x128xf32>
    %add3A = arith.addf %get3A_6, %get3A_11 : vector<1024x128xf32>
    %mul3A = vector.broadcast %get3A_1 : vector<1024x1xf32> to vector<1024x128xf32>
    %mul3A_12 = arith.mulf %mul3A, %add3A : vector<1024x128xf32>
    %get3A_13 = arith.constant 0 : index
    %get3A_14 = arith.constant 0 : index
    %get3A_15 = vector.load %arg4[%get3A_13, %get3A_14] : memref<1x128xf32, #tpu.memory_space<vmem>>, vector<1x128xf32>
    %add3A_16 = vector.broadcast %get3A_15 : vector<1x128xf32> to vector<1024x128xf32>
    %add3A_17 = arith.addf %mul3A_12, %add3A_16 : vector<1024x128xf32>
    %max3A = arith.constant 0.000000e+00 : f32
    %max3A_18 = vector.broadcast %max3A : f32 to vector<1024x128xf32>
    %max3A_19 = arith.maximumf %add3A_17, %max3A_18 : vector<1024x128xf32>
    %get3A_20 = arith.constant 0 : index
    %get3A_21 = arith.constant 0 : index
    %get3A_22 = arith.constant 0 : index
    %get3A_23 = vector.load %arg5[%get3A_20, %get3A_21, %get3A_22] : memref<1x128x128xf32, #tpu.memory_space<vmem>>, vector<1x128x128xf32>
    %get3A_24 = vector.shape_cast %get3A_23 : vector<1x128x128xf32> to vector<128x128xf32>
    %dot_general3A = arith.constant dense<0.000000e+00> : vector<1024x128xf32>
    %dot_general3A_25 = tpu.matmul %max3A_19, %get3A_24, %dot_general3A {dimension_numbers = #tpu.dot_dimension_numbers<[1], [0], [0], [1], [0, 0, 1, 1], [], []>, transpose_lhs_hint = false} : vector<1024x128xf32>, vector<128x128xf32>, vector<1024x128xf32> -> vector<1024x128xf32>
    %mul3A_26 = vector.broadcast %get3A_1 : vector<1024x1xf32> to vector<1024x128xf32>
    %mul3A_27 = arith.mulf %mul3A_26, %dot_general3A_25 : vector<1024x128xf32>
    %swap3A = arith.constant 0 : index
    %swap3A_28 = arith.constant 0 : index
    %swap3A_29 = arith.constant 0 : index
    %swap3A_30 = vector.load %arg6[%swap3A, %swap3A_28, %swap3A_29] : memref<1x1024x128xf32, #tpu.memory_space<vmem>>, vector<1x1024x128xf32>
    %swap3A_31 = vector.shape_cast %swap3A_30 : vector<1x1024x128xf32> to vector<1024x128xf32>
    %swap3A_32 = vector.shape_cast %mul3A_27 : vector<1024x128xf32> to vector<1x1024x128xf32>
    tpu.vector_store %arg6[%swap3A, %swap3A_28, %swap3A_29], %swap3A_32 {strides = array<i32>} : memref<1x1024x128xf32, #tpu.memory_space<vmem>>, vector<1x1024x128xf32>,
    return
  }
  func.func @transform_0(%arg0: i32, %arg1: i32) -> (i32, i32, i32) {
    %c0_i32 = arith.constant 0 : i32
    %c0_i32_0 = arith.constant 0 : i32
    %c0_i32_1 = arith.constant 0 : i32
    return %c0_i32, %arg0, %c0_i32_0 : i32, i32, i32
  }
  func.func @transform_1(%arg0: i32, %arg1: i32) -> (i32, i32) {
    %c0_i32 = arith.constant 0 : i32
    %c0_i32_0 = arith.constant 0 : i32
    return %arg0, %c0_i32 : i32, i32
  }
  func.func @transform_2(%arg0: i32, %arg1: i32) -> (i32, i32) {
    %c0_i32 = arith.constant 0 : i32
    %c0_i32_0 = arith.constant 0 : i32
    %c0_i32_1 = arith.constant 0 : i32
    return %c0_i32, %c0_i32_0 : i32, i32
  }
  func.func @transform_3(%arg0: i32, %arg1: i32) -> (i32, i32, i32) {
    %c0_i32 = arith.constant 0 : i32
    %c0_i32_0 = arith.constant 0 : i32
    %c0_i32_1 = arith.constant 0 : i32
    return %arg1, %c0_i32, %c0_i32_0 : i32, i32, i32
  }
  func.func @transform_4(%arg0: i32, %arg1: i32) -> (i32, i32, i32) {
    %c0_i32 = arith.constant 0 : i32
    %c0_i32_0 = arith.constant 0 : i32
    return %arg1, %arg0, %c0_i32 : i32, i32, i32
  }
}

module attributes {stable_mosaic.version = 14 : i64} {
  func.func @_fuse23_body(%arg0: i32, %arg1: memref<2x1024x128xf32, #tpu.memory_space<vmem>>, %arg2: memref<1024x1xf32, #tpu.memory_space<vmem>>, %arg3: memref<1x256xf32, #tpu.memory_space<vmem>>, %arg4: memref<256x128xf32, #tpu.memory_space<vmem>>, %arg5: memref<1024x128xf32, #tpu.memory_space<vmem>>) attributes {dimension_semantics = [#tpu.dimension_semantics<arbitrary>], iteration_bounds = array<i64: 10>, scalar_prefetch = 0 : i64, scratch_operands = 0 : i64, tpu.core_type = #tpu.core_type<tc>, window_params = [{transform_indices = @transform_0, window_bounds = array<i64: 2, 1024, 128>}, {transform_indices = @transform_1, window_bounds = array<i64: 1024, 1>}, {pipeline_mode = #tpu.pipeline_mode<synchronous>, transform_indices = @transform_2, window_bounds = array<i64: 1, 256>}, {pipeline_mode = #tpu.pipeline_mode<synchronous>, transform_indices = @transform_3, window_bounds = array<i64: 256, 128>}, {transform_indices = @transform_4, window_bounds = array<i64: 1024, 128>}]} {
    %get3A = arith.constant 0 : index
    %get3A_0 = arith.constant 0 : index
    %get3A_1 = vector.load %arg2[%get3A, %get3A_0] : memref<1024x1xf32, #tpu.memory_space<vmem>>, vector<1024x1xf32>
    %get3A_2 = arith.constant 0 : index
    %get3A_3 = arith.constant 0 : index
    %get3A_4 = arith.constant 0 : index
    %get3A_5 = vector.load %arg1[%get3A_2, %get3A_3, %get3A_4] : memref<2x1024x128xf32, #tpu.memory_space<vmem>>, vector<1x1024x128xf32>
    %get3A_6 = vector.shape_cast %get3A_5 : vector<1x1024x128xf32> to vector<1024x128xf32>
    %mul3A = vector.broadcast %get3A_1 : vector<1024x1xf32> to vector<1024x128xf32>
    %mul3A_7 = arith.mulf %mul3A, %get3A_6 : vector<1024x128xf32>
    %get3A_8 = arith.constant 0 : index
    %get3A_9 = arith.constant 0 : index
    %get3A_10 = vector.load %arg3[%get3A_8, %get3A_9] : memref<1x256xf32, #tpu.memory_space<vmem>>, vector<1x128xf32>
    %get3A_11 = vector.shape_cast %get3A_10 : vector<1x128xf32> to vector<128xf32>
    %broadcast_in_dim3A = vector.shape_cast %get3A_11 : vector<128xf32> to vector<1x128xf32>
    %add3A = vector.broadcast %broadcast_in_dim3A : vector<1x128xf32> to vector<1024x128xf32>
    %add3A_12 = arith.addf %mul3A_7, %add3A : vector<1024x128xf32>
    %max3A = arith.constant 0.000000e+00 : f32
    %max3A_13 = vector.broadcast %max3A : f32 to vector<1024x128xf32>
    %max3A_14 = arith.maximumf %add3A_12, %max3A_13 : vector<1024x128xf32>
    %get3A_15 = arith.constant 1 : index
    %get3A_16 = arith.constant 0 : index
    %get3A_17 = arith.constant 0 : index
    %get3A_18 = vector.load %arg1[%get3A_15, %get3A_16, %get3A_17] : memref<2x1024x128xf32, #tpu.memory_space<vmem>>, vector<1x1024x128xf32>
    %get3A_19 = vector.shape_cast %get3A_18 : vector<1x1024x128xf32> to vector<1024x128xf32>
    %mul3A_20 = vector.broadcast %get3A_1 : vector<1024x1xf32> to vector<1024x128xf32>
    %mul3A_21 = arith.mulf %mul3A_20, %get3A_19 : vector<1024x128xf32>
    %get3A_22 = arith.constant 0 : index
    %get3A_23 = arith.constant 128 : index
    %get3A_24 = vector.load %arg3[%get3A_22, %get3A_23] : memref<1x256xf32, #tpu.memory_space<vmem>>, vector<1x128xf32>
    %get3A_25 = vector.shape_cast %get3A_24 : vector<1x128xf32> to vector<128xf32>
    %broadcast_in_dim3A_26 = vector.shape_cast %get3A_25 : vector<128xf32> to vector<1x128xf32>
    %add3A_27 = vector.broadcast %broadcast_in_dim3A_26 : vector<1x128xf32> to vector<1024x128xf32>
    %add3A_28 = arith.addf %mul3A_21, %add3A_27 : vector<1024x128xf32>
    %max3A_29 = arith.constant 0.000000e+00 : f32
    %max3A_30 = vector.broadcast %max3A_29 : f32 to vector<1024x128xf32>
    %max3A_31 = arith.maximumf %add3A_28, %max3A_30 : vector<1024x128xf32>
    %get3A_32 = arith.constant 0 : index
    %get3A_33 = arith.constant 0 : index
    %get3A_34 = vector.load %arg4[%get3A_32, %get3A_33] : memref<256x128xf32, #tpu.memory_space<vmem>>, vector<128x128xf32>
    %dot_general3A = arith.constant dense<0.000000e+00> : vector<1024x128xf32>
    %dot_general3A_35 = tpu.matmul %max3A_14, %get3A_34, %dot_general3A {dimension_numbers = #tpu.dot_dimension_numbers<[1], [0], [0], [1], [0, 0, 1, 1], [], []>, transpose_lhs_hint = false} : vector<1024x128xf32>, vector<128x128xf32>, vector<1024x128xf32> -> vector<1024x128xf32>
    %get3A_36 = arith.constant 128 : index
    %get3A_37 = arith.constant 0 : index
    %get3A_38 = vector.load %arg4[%get3A_36, %get3A_37] : memref<256x128xf32, #tpu.memory_space<vmem>>, vector<128x128xf32>
    %dot_general3A_39 = arith.constant dense<0.000000e+00> : vector<1024x128xf32>
    %dot_general3A_40 = tpu.matmul %max3A_31, %get3A_38, %dot_general3A_39 {dimension_numbers = #tpu.dot_dimension_numbers<[1], [0], [0], [1], [0, 0, 1, 1], [], []>, transpose_lhs_hint = false} : vector<1024x128xf32>, vector<128x128xf32>, vector<1024x128xf32> -> vector<1024x128xf32>
    %add3A_41 = arith.addf %dot_general3A_35, %dot_general3A_40 : vector<1024x128xf32>
    %mul3A_42 = vector.broadcast %get3A_1 : vector<1024x1xf32> to vector<1024x128xf32>
    %mul3A_43 = arith.mulf %mul3A_42, %add3A_41 : vector<1024x128xf32>
    %swap3A = arith.constant 0 : index
    %swap3A_44 = arith.constant 0 : index
    %swap3A_45 = vector.load %arg5[%swap3A, %swap3A_44] : memref<1024x128xf32, #tpu.memory_space<vmem>>, vector<1024x128xf32>
    tpu.vector_store %arg5[%swap3A, %swap3A_44], %mul3A_43 {strides = array<i32>} : memref<1024x128xf32, #tpu.memory_space<vmem>>, vector<1024x128xf32>,
    return
  }
  func.func @transform_0(%arg0: i32) -> (i32, i32, i32) {
    %c0_i32 = arith.constant 0 : i32
    %c0_i32_0 = arith.constant 0 : i32
    %c0_i32_1 = arith.constant 0 : i32
    return %c0_i32, %arg0, %c0_i32_0 : i32, i32, i32
  }
  func.func @transform_1(%arg0: i32) -> (i32, i32) {
    %c0_i32 = arith.constant 0 : i32
    %c0_i32_0 = arith.constant 0 : i32
    return %arg0, %c0_i32 : i32, i32
  }
  func.func @transform_2(%arg0: i32) -> (i32, i32) {
    %c0_i32 = arith.constant 0 : i32
    %c0_i32_0 = arith.constant 0 : i32
    %c0_i32_1 = arith.constant 0 : i32
    return %c0_i32, %c0_i32_0 : i32, i32
  }
  func.func @transform_3(%arg0: i32) -> (i32, i32) {
    %c0_i32 = arith.constant 0 : i32
    %c0_i32_0 = arith.constant 0 : i32
    %c0_i32_1 = arith.constant 0 : i32
    return %c0_i32, %c0_i32_0 : i32, i32
  }
  func.func @transform_4(%arg0: i32) -> (i32, i32) {
    %c0_i32 = arith.constant 0 : i32
    %c0_i32_0 = arith.constant 0 : i32
    return %arg0, %c0_i32 : i32, i32
  }
}

module attributes {stable_mosaic.version = 14 : i64} {
  func.func @_final_body(%arg0: i32, %arg1: memref<2x1024x128xf32, #tpu.memory_space<vmem>>, %arg2: memref<1024x1xf32, #tpu.memory_space<vmem>>, %arg3: memref<1x128xf32, #tpu.memory_space<vmem>>, %arg4: memref<1024x128xf32, #tpu.memory_space<vmem>>) attributes {dimension_semantics = [#tpu.dimension_semantics<arbitrary>], iteration_bounds = array<i64: 10>, scalar_prefetch = 0 : i64, scratch_operands = 0 : i64, tpu.core_type = #tpu.core_type<tc>, window_params = [{transform_indices = @transform_0, window_bounds = array<i64: 2, 1024, 128>}, {transform_indices = @transform_1, window_bounds = array<i64: 1024, 1>}, {pipeline_mode = #tpu.pipeline_mode<synchronous>, transform_indices = @transform_2, window_bounds = array<i64: 1, 128>}, {transform_indices = @transform_3, window_bounds = array<i64: 1024, 128>}]} {
    %get3A = arith.constant 0 : index
    %get3A_0 = arith.constant 0 : index
    %get3A_1 = arith.constant 0 : index
    %get3A_2 = vector.load %arg1[%get3A, %get3A_0, %get3A_1] : memref<2x1024x128xf32, #tpu.memory_space<vmem>>, vector<1x1024x128xf32>
    %get3A_3 = vector.shape_cast %get3A_2 : vector<1x1024x128xf32> to vector<1024x128xf32>
    %get3A_4 = arith.constant 1 : index
    %get3A_5 = arith.constant 0 : index
    %get3A_6 = arith.constant 0 : index
    %get3A_7 = vector.load %arg1[%get3A_4, %get3A_5, %get3A_6] : memref<2x1024x128xf32, #tpu.memory_space<vmem>>, vector<1x1024x128xf32>
    %get3A_8 = vector.shape_cast %get3A_7 : vector<1x1024x128xf32> to vector<1024x128xf32>
    %add3A = arith.addf %get3A_3, %get3A_8 : vector<1024x128xf32>
    %get3A_9 = arith.constant 0 : index
    %get3A_10 = arith.constant 0 : index
    %get3A_11 = vector.load %arg2[%get3A_9, %get3A_10] : memref<1024x1xf32, #tpu.memory_space<vmem>>, vector<1024x1xf32>
    %mul3A = vector.broadcast %get3A_11 : vector<1024x1xf32> to vector<1024x128xf32>
    %mul3A_12 = arith.mulf %mul3A, %add3A : vector<1024x128xf32>
    %get3A_13 = arith.constant 0 : index
    %get3A_14 = arith.constant 0 : index
    %get3A_15 = vector.load %arg3[%get3A_13, %get3A_14] : memref<1x128xf32, #tpu.memory_space<vmem>>, vector<1x128xf32>
    %add3A_16 = vector.broadcast %get3A_15 : vector<1x128xf32> to vector<1024x128xf32>
    %add3A_17 = arith.addf %mul3A_12, %add3A_16 : vector<1024x128xf32>
    %reduce_max3A = arith.constant dense<0xFF800000> : vector<1024xf32>
    %reduce_max3A_18 = vector.multi_reduction <maximumf>, %add3A_17, %reduce_max3A [1] : vector<1024x128xf32> to vector<1024xf32>
    %broadcast_in_dim3A = vector.shape_cast %reduce_max3A_18 : vector<1024xf32> to vector<1024x1xf32>
    %sub3A = vector.broadcast %broadcast_in_dim3A : vector<1024x1xf32> to vector<1024x128xf32>
    %sub3A_19 = arith.subf %add3A_17, %sub3A : vector<1024x128xf32>
    %exp3A = math.exp %sub3A_19 : vector<1024x128xf32>
    %reduce_sum3A = arith.constant dense<0.000000e+00> : vector<1024xf32>
    %reduce_sum3A_20 = vector.multi_reduction <add>, %exp3A, %reduce_sum3A [1] : vector<1024x128xf32> to vector<1024xf32>
    %broadcast_in_dim3A_21 = vector.shape_cast %reduce_sum3A_20 : vector<1024xf32> to vector<1024x1xf32>
    %log3A = math.log %broadcast_in_dim3A_21 : vector<1024x1xf32>
    %add3A_22 = arith.addf %log3A, %broadcast_in_dim3A : vector<1024x1xf32>
    %sub3A_23 = vector.broadcast %add3A_22 : vector<1024x1xf32> to vector<1024x128xf32>
    %sub3A_24 = arith.subf %add3A_17, %sub3A_23 : vector<1024x128xf32>
    %swap3A = arith.constant 0 : index
    %swap3A_25 = arith.constant 0 : index
    %swap3A_26 = vector.load %arg4[%swap3A, %swap3A_25] : memref<1024x128xf32, #tpu.memory_space<vmem>>, vector<1024x128xf32>
    tpu.vector_store %arg4[%swap3A, %swap3A_25], %sub3A_24 {strides = array<i32>} : memref<1024x128xf32, #tpu.memory_space<vmem>>, vector<1024x128xf32>,
    return
  }
  func.func @transform_0(%arg0: i32) -> (i32, i32, i32) {
    %c0_i32 = arith.constant 0 : i32
    %c0_i32_0 = arith.constant 0 : i32
    %c0_i32_1 = arith.constant 0 : i32
    return %c0_i32, %arg0, %c0_i32_0 : i32, i32, i32
  }
  func.func @transform_1(%arg0: i32) -> (i32, i32) {
    %c0_i32 = arith.constant 0 : i32
    %c0_i32_0 = arith.constant 0 : i32
    return %arg0, %c0_i32 : i32, i32
  }
  func.func @transform_2(%arg0: i32) -> (i32, i32) {
    %c0_i32 = arith.constant 0 : i32
    %c0_i32_0 = arith.constant 0 : i32
    %c0_i32_1 = arith.constant 0 : i32
    return %c0_i32, %c0_i32_0 : i32, i32
  }
  func.func @transform_3(%arg0: i32) -> (i32, i32) {
    %c0_i32 = arith.constant 0 : i32
    %c0_i32_0 = arith.constant 0 : i32
    return %arg0, %c0_i32 : i32, i32
  }
}

</mosaic_0001>

<sc_bundles>
// kernel: kernel.11.cloned.1.call-start
scs
__scs_entry_jumppad:
0x0: {  	(pc) =	sbr.rel $0x88, $3  }
0x1: {  	(tag) =	ssettag $0x0;
	lr =	simm.s32 $0x1  }
0x2: {  	[smem:$0x3F99] =	sst lr;
	_ =	strace $0xD0000000  }
0x3: {  	_ = 	snop  }
0x4: {  	_ = 	snop  }
0x5: {  	_ = 	snop  }
0x6: {  	_ = 	snop  }
0x7: {  	_ = 	snop  }
__scs_overlays_trampoline_lowered:
0x8: {  	[smem:$0x3FA8] =	sst s0  }
0x9: {  	[smem:$0x3FA9] =	sst s1  }
0xa: {  	[smem:$0x3FAA] =	sst s2  }
0xb: {  	[smem:$0x3FAB] =	sst s3  }
0xc: {  	[smem:$0x3FAC] =	sst s4  }
0xd: {  	[smem:$0x3FAD] =	sst s5  }
0xe: {  	[smem:$0x3FAE] =	sst s6  }
0xf: {  	[smem:$0x3FAF] =	sst s7  }
0x10: {  	[smem:$0x3FB0] =	sst s8  }
0x11: {  	[smem:$0x3FB1] =	sst s9;
	s0 =	simm.s32 @!p0 $0x0  }
0x12: {  	s1 =	sld [smem:$0x3F97];
	s0 =	simm.s32 @p0 $0x1  }
0x13: {  	[smem:$0x3FB2] =	sst s0;
	s0 =	simm.s32 @!p1 $0x0  }
0x14: {  	s2 =	sld [smem:$0x3F96];
	s0 =	simm.s32 @p1 $0x1  }
0x15: {  	[smem:$0x3FB3] =	sst s0;
	s0 =	simm.s32 @!p2 $0x0  }
0x16: {  	s3 =	sld [smem:$0x3FDB];
	s0 =	simm.s32 @p2 $0x1  }
0x17: {  	s4 =	simm.s32 $0x1BF5;
	[smem:$0x3FB5] =	sst s0  }
0x18: {  	s0 =	sld [smem:$0x3F98];
	_ =	swait.ge [sflag:s4], $0x0  }
0x19: {  	s7 =	sld [smem:$0x3F99]  }
0x1a: {  	s8 =	sadd.s32 $0xFFFFE003, lr  }
0x1b: {  	s9 =	sadd.s32 $0xFFFFFEF7, lr;
	s5 =	simm.s32 $0xFFFFFFFF;
	p2 =	slt.u32 s8, $0xFFFFF086  }
0x1c: {  	p1 =	slt.u32 s9, $0xF7A;
	s5 =	simm.s32 @!p2 $0x0  }
0x1d: {  	s5 =	simm.s32 @p1 $0x1;
	p0 =	seq.s32 s7, s2  }
0x1e: {  	s7 =	smul.u32 @!p0 $0xF7A, s2;
	p2 =	seq.s32 @!p0 s5, $0x0  }
0x1f: {  	s9 =	smul.u32 $0xF7A, s1;
	s8 =	simm.s32 @!p0 $0x1BF5;
	p2 =	por !p2, p0  }
0x20: {  	[sflag:s8] =	ssyncset.s32 @!p0 $0xFFFFF086;
	s6 =	sadd.s32 @!p0 s3, s7;
	s7 =	simm.s32 @!p0 $0x108  }
0x21: {  	s3 =	sadd.s32 s3, s9;
	s6 =	sadd.s32 @!p0 $0x88, s6;
	s7 =	simm.s32 @p2 $0x1082  }
0x22: {  	[simem:s7], [sflag:s8] =	dma.local @!p0 [hbm:s6], $0xF7A  }
0x23: {  	s9 =	sor.u32 $0xD0000000, s2;
	s6 =	simm.s32 $0x108;
	_ =	swait.ge @!p0 [sflag:s8], $0x0  }
0x24: {  	s3 =	sadd.s32 $0x88, s3;
	s6 =	simm.s32 @!p1 $0x1082;
	[sflag:s4] =	ssyncset.s32 $0xFFFFF086  }
0x25: {  	[simem:s6], [sflag:s4] =	dma.local [hbm:s3], $0xF7A  }
0x26: {  	[smem:$0x3F99] =	sst s1;
	(tag) =	ssettag s2;
	_ =	strace s9  }
0x27: {  	s1 =	sld [smem:$0x3FA9]  }
0x28: {  	s2 =	sld [smem:$0x3FAA]  }
0x29: {  	s4 =	sld [smem:$0x3FAC]  }
0x2a: {  	p0 =	seq.s32 s5, $0x0;
	s5 =	sld [smem:$0x3FAD]  }
0x2b: {  	s6 =	sld [smem:$0x3FAE]  }
0x2c: {  	s7 =	sld [smem:$0x3FAF]  }
0x2d: {  	s3 =	simm.s32 $0x108;
	s8 =	sld [smem:$0x3FB0]  }
0x2e: {  	s3 =	simm.s32 @!p0 $0x1082;
	s9 =	sld [smem:$0x3FB1]  }
0x2f: {  	lr =	sadd.s32 s0, s3;
	s0 =	sld [smem:$0x3FA8]  }
0x30: {  	s3 =	sld [smem:$0x3FAB]  }
0x31: {  	[smem:$0x3FB4] =	sst s10  }
0x32: {  	s10 =	sld [smem:$0x3FB2];
	_ =	sdelay $0x3  }
0x33: {  	p0 =	seq.s32 s10, $0x1;
	s10 =	sld [smem:$0x3FB4];
	_ =	sdelay $0x3  }
0x34: {  	[smem:$0x3FB4] =	sst s10  }
0x35: {  	s10 =	sld [smem:$0x3FB3];
	_ =	sdelay $0x3  }
0x36: {  	p1 =	seq.s32 s10, $0x1;
	s10 =	sld [smem:$0x3FB4];
	_ =	sdelay $0x3  }
0x37: {  	[smem:$0x3FB4] =	sst s10  }
0x38: {  	s10 =	sld [smem:$0x3FB5]  }
0x39: {  	_ = 	snop;
	(pc) =	sbr.ind lr, $3  }
0x3a: {  	_ = 	snop  }
0x3b: {  	_ = 	snop  }
0x3c: {  	p2 =	seq.s32 s10, $0x1;
	s10 =	sld [smem:$0x3FB4]  }
0x3d: {  	_ =	shalt  }
0x3e: {  	_ =	shalt  }
0x3f: {  	_ =	shalt  }
0x40: {  	_ =	shalt  }
0x41: {  	_ =	shalt  }
0x42: {  	_ =	shalt  }
0x43: {  	_ =	shalt  }
0x44: {  	_ =	shalt  }
0x45: {  	_ =	shalt  }
0x46: {  	_ =	shalt  }
0x47: {  	_ =	shalt  }
0x48: {  	_ =	shalt  }
0x49: {  	_ =	shalt  }
0x4a: {  	_ =	shalt  }
0x4b: {  	_ =	shalt  }
0x4c: {  	_ =	shalt  }
0x4d: {  	_ =	shalt  }
0x4e: {  	_ =	shalt  }
0x4f: {  	_ =	shalt  }
0x50: {  	_ =	shalt  }
0x51: {  	_ =	shalt  }
0x52: {  	_ =	shalt  }
0x53: {  	_ =	shalt  }
0x54: {  	_ =	shalt  }
0x55: {  	_ =	shalt  }
0x56: {  	_ =	shalt  }
0x57: {  	_ =	shalt  }
0x58: {  	_ =	shalt  }
0x59: {  	_ =	shalt  }
0x5a: {  	_ =	shalt  }
0x5b: {  	_ =	shalt  }
0x5c: {  	_ =	shalt  }
0x5d: {  	_ =	shalt  }
0x5e: {  	_ =	shalt  }
0x5f: {  	_ =	shalt  }
0x60: {  	_ =	shalt  }
0x61: {  	_ =	shalt  }
0x62: {  	_ =	shalt  }
0x63: {  	_ =	shalt  }
0x64: {  	_ =	shalt  }
0x65: {  	_ =	shalt  }
0x66: {  	_ =	shalt  }
0x67: {  	_ =	shalt  }
0x68: {  	_ =	shalt  }
0x69: {  	_ =	shalt  }
0x6a: {  	_ =	shalt  }
0x6b: {  	_ =	shalt  }
0x6c: {  	_ =	shalt  }
0x6d: {  	_ =	shalt  }
0x6e: {  	_ =	shalt  }
0x6f: {  	_ =	shalt  }
0x70: {  	_ =	shalt  }
0x71: {  	_ =	shalt  }
0x72: {  	_ =	shalt  }
0x73: {  	_ =	shalt  }
0x74: {  	_ =	shalt  }
0x75: {  	_ =	shalt  }
0x76: {  	_ =	shalt  }
0x77: {  	_ =	shalt  }
0x78: {  	_ =	shalt  }
0x79: {  	_ =	shalt  }
0x7a: {  	_ =	shalt  }
0x7b: {  	_ =	shalt  }
0x7c: {  	_ =	shalt  }
0x7d: {  	_ =	shalt  }
0x7e: {  	_ =	shalt  }
0x7f: {  	_ =	shalt  }
0x80: {  	_ =	shalt  }
0x81: {  	_ =	shalt  }
0x82: {  	_ =	shalt  }
0x83: {  	_ =	shalt  }
0x84: {  	_ =	shalt  }
0x85: {  	_ =	shalt  }
0x86: {  	_ =	shalt  }
0x87: {  	_ =	shalt  }
.Lfunc_end0:
.L_simem_size_0:
called_computation_lowered:
.L_overlay_start_0:
0x88: {  	s2 =	sld [smem:$0x3FD9]  }
0x89: {  	s3 =	sld [smem:$0x3FFE];
	_ =	sdelay $0x1  }
0x8a: {  	s1 =	srdreg.scid  }
0x8b: {  	s0 =	sand.u32 $0x1, s1  }
0x8c: {  	s17 =	sshll.u32 s0, $0xA;
	s2 =	sadd.s32 s3, s2  }
0x8d: {  	s2 =	sadd.s32 s2, s17  }
0x8e: {  	[smem:$0x3FC0] =	sst s2  }
0x8f: {  	_ = 	snop  }
0x90: {  	s2 =	sld [smem:$0x3FD0];
	(tm) =	ssettm $0x1  }
0x91: {  	s18 =	sld [smem:$0x3FFB];
	_ =	sdelay $0x3  }
0x92: {  	_ =	strace s18  }
0x93: {  	s3 =	sld [smem:$0x3FFC];
	_ =	sdelay $0x3  }
0x94: {  	_ =	strace s3  }
0x95: {  	s3 =	sld [smem:$0x3FFD];
	_ =	sdelay $0x3  }
0x96: {  	_ =	strace s3  }
0x97: {  	_ =	strace $0x8FFFFFFF  }
0x98: {  	s19 =	sld [smem:$0x3FDB];
	_ =	sdelay $0x1  }
0x99: {  	s4 =	simm.s32 $_scs_section_size  }
0x9a: {  	s5 =	simm.s32 $_size__tile_overlayer_lowered;
	s6 =	simm.s32 $_tile_overlayer_lowered  }
0x9b: {  	s22 =	simm.s32 $0x1BFF;
	s21 =	sshll.u32 s6, $0x1;
	s3 =	sadd.s32 s4, s19  }
0x9c: {  	s7 =	simm.s32 $0x0;
	s20 =	sshll.u32 s5, $0x1;
	s5 =	sadd.s32 s21, s3  }
0x9d: {  	[timem:s7], [sflag:s22] =	dma.local [hbm:s5], s20  }
0x9e: {  	_ =	swait.ge [sflag:s22], s20  }
0x9f: {  	s4 =	ssub.s32 $0x0, s20;
	[sflag:s22] =	ssyncset.done $0x0  }
0xa0: {  	[sflag:s22] =	ssyncadd.s32 s4;
	_ =	sdelay $0x1  }
0xa1: {  	s23 =	simm.s32 $0x1B8B  }
0xa2: {  	_ =	swait.ge [sflag:s23], $0x1  }
0xa3: {  	[sflag:s23] =	ssyncset.done $0x0  }
0xa4: {  	s25 =	simm.s32 $0x1B8E;
	s24 =	sld [smem:$0x3FFE];
	[sflag:s23] =	ssyncadd.s32 $0xFFFFFFFF  }
0xa5: {  	s26 =	simm.s32 $execute0_lowered;
	[smem:$0x3FD2] =	sst s25  }
0xa6: {  	s5 =	sshll.u32 s26, $0x1;
	_ =	strace $0x80000046;
	[dreg:$0x1] =	wrdreg $0xFFFFFFFF  }
0xa7: {  	s28 =	simm.s32 $_size_execute0_lowered;
	s3 =	sadd.s32 s3, s5;
	[dreg:$0x0] =	wrdreg $0x0  }
0xa8: {  	s5 =	sshll.u32 s28, $0x1;
	[dreg:$0x2] =	wrdreg s3  }
0xa9: {  	[dreg:$0x3] =	wrdreg s5  }
0xaa: {  	[dreg:$0x4] =	wrdreg $0xC0  }
0xab: {  	_ =	task [dreg:s7], $0x5FFFF  }
0xac: {  	[dreg:$0x1] =	wrdreg $0xFFFFFFFF  }
0xad: {  	[dreg:$0x0] =	wrdreg $0x60  }
0xae: {  	[dreg:$0x2] =	wrdreg s2  }
0xaf: {  	[dreg:$0x3] =	wrdreg s24  }
0xb0: {  	[dreg:$0x4] =	wrdreg $0x41000  }
0xb1: {  	[dreg:$0x5] =	wrdreg $0x9  }
0xb2: {  	_ =	task.clear_ibuf [dreg:s7], $0x6FFFF;
	_ =	strace $0x90000046  }
0xb3: {  	s29 =	simm.s32 $0x9;
	_ =	strace $0x80000048  }
0xb4: {  	_ =	swait.ge [sflag:s29], $0x1  }
0xb5: {  	[sflag:s29] =	ssyncadd.s32 $0xFFFFFFFF  }
0xb6: {  	_ =	strace $0x90000048  }
0xb7: {  	_ =	sfence  }
0xb8: {  	s30 =	sld [smem:$0x0];
	_ =	sdelay $0x2  }
0xb9: {  	s31 =	sshll.u32 s1, $0xD;
	s1 =	sshrl.u32 s1, $0x2  }
0xba: {  	s3 =	sand.u32 $0x4000, s31;
	s1 =	sadd.s32 s1, s30  }
0xbb: {  	s0 =	sor.u32 s3, s0;
	s1 =	sshll.u32 s1, $0x11  }
0xbc: {  	s0 =	sor.u32 s1, s0  }
0xbd: {  	s0 =	sadd.s32 $0x8F2B, s0  }
0xbe: {  	[sflag:s0] =	ssyncadd.remote.s32 $0x1  }
0xbf: {  	_ =	sfence.sel $0xFFFF  }
0xc0: {  	[dreg:$0x0] =	wrdreg $0xFFFFFFFF;
	(pc) =	sbr.abs _section_cstart, $3  }
0xc1: {  	[dreg:$0x1] =	wrdreg $0xFFFFFFFF  }
0xc2: {  	_ =	task.clear_ibuf [dreg:s7], $0x2FFFF;
	_ =	strace $0x9FFFFFFF  }
0xc3: {  	(tm) =	ssettm $0x7FFFFFFF  }
tec
execute0_lowered:
.L_overlay_start_1:
0x0: {  	(tag) =	ssettag $0x1  }
0x1: {  	s12 =	rddreg [dreg:$0x0]  }
0x2: {  	s5 =	rddreg [dreg:$0x1]  }
0x3: {  	s2 =	rddreg [dreg:$0x2]  }
0x4: {  	s0 =	rddreg [dreg:$0x3]  }
0x5: {  	s3 =	simm.s32 $0x0;
	s1 =	stileid.u32;
	s4 =	srdreg.scid  }
0x6: {  	s16 =	simm.s32 $0x80;
	s17 =	simm.s32 $0x1;
	s18 =	simm.s32 $0x2  }
0x7: {  	s19 =	simm.s32 $0x0;
	[smem:$0x7FF] =	sst s3;
	s6 =	smul.u32 $0x2800, s1  }
0x8: {  	s7 =	sand.u32 $0x1, s4;
	s4 =	sadd.s32 $0x16600, s5;
	s10 =	smul.u32 $0x50000, s1  }
0x9: {  	s30 =	sshll.u32 s1, $0x6;
	_ =	strace $0x80000047;
	s8 =	smul.u32 $0x28000, s7  }
0xa: {  	s11 =	sshll.u32 s7, $0x4;
	s25 =	ssub.s32 $0x2, s7;
	s9 =	sadd.s32 s6, s5  }
0xb: {  	s26 =	sor.u32 s1, s11;
	s28 =	sshrl.u32 s25, $0x1;
	s10 =	sshrl.u32 s10, $0x2  }
0xc: {  	s13 =	sadd.s32 s6, s8;
	s7 =	smul.u32 $0x2800, s26;
	s14 =	ssub.s32 s25, s28  }
0xd: {  	s15 =	sadd.s32 s10, s2;
	s6 =	sor.u32 $0x1C03, s30;
	s29 =	sadd.s32 s13, s5  }
0xe: {  	s5 =	sadd.s32 $0x16E00, s9;
	s9 =	smax.u32 s14, $0x1;
	s31 =	sor.u32 $0x100, s13  }
0xf: {  	s13 =	sor.u32 $0x80, s13;
	s14 =	simm.s32 $0x3;
	s7 =	sshrl.u32 s7, $0x3  }
0x10: {  	s8 =	sadd.s32 $0x3EE00, s29;
	s11 =	sshrl.u32 s31, $0x3;
	s13 =	sshrl.u32 s13, $0x3  }
0x11: {  	s7 =	sadd.s32 s12, s7;
	s11 =	sadd.s32 s11, s12;
	s12 =	sadd.s32 s13, s12  }
0x12: {  	s13 =	sshrl.u32 s15, $0x3;
	s15 =	simm.s32 $0x100;
	s10 =	sadd.s32 $0x4F0, s7  }
.LBB2_1:
0x13: {  	[spmem:s13], [sflag:s6] =	dma.local [hbm:s5], $0x2800  }
0x14: {  	_ =	swait.ge [sflag:s14], $0x2800  }
0x15: {  	[sflag:s14] =	ssyncset.done $0x0  }
0x16: {  	[sflag:s14] =	ssyncadd.s32 $0xFFFFD800  }
0x17: {  	[tilespmem:s15], [sflag:$0x3] =	stream.linear.gather [hbm4b:s4+s3], $0x4000, $0x38;
	[tilespmem:$0x18100] =	vst v63  }
0x18: {  	_ =	swait.ge [sflag:s14], $0x4000  }
0x19: {  	[sflag:s14] =	ssyncset.done $0x0  }
0x1a: {  	[sflag:s14] =	ssyncadd.s32 $0xFFFFC000  }
0x1b: {  	[bflag:$0x0] =	sbarrier.arrive $0xFFFF  }
0x1c: {  	[tilespmem:s3], [sflag:$0x3] =	stream.linear.gather [hbm4b:s7+s3], $0x80, $0x38;
	[tilespmem:$0x18100] =	vst v63  }
0x1d: {  	_ =	swait.ge [sflag:s14], $0x80  }
0x1e: {  	[sflag:s14] =	ssyncset.done $0x0  }
0x1f: {  	[sflag:s14] =	ssyncadd.s32 $0xFFFFFF80  }
0x20: {  	[spmem:s2] =	stream.indirect.scatter.add.f32 [tilespmem:s15], [sflag:$0x1], $0x80, s3, s16, $0xb8;
	[tilespmem:$0x18100] =	vst v63  }
0x21: {  	s20 =	sadd.s32 $0x0, s12  }
0x22: {  	[tilespmem:s16], [sflag:$0x3] =	stream.linear.gather [hbm4b:s20+s3], $0x80, $0x38;
	[tilespmem:$0x18100] =	vst v63  }
0x23: {  	_ =	swait.ge [sflag:s14], $0x80  }
0x24: {  	[sflag:s14] =	ssyncset.done $0x0  }
0x25: {  	[sflag:s14] =	ssyncadd.s32 $0xFFFFFF80  }
0x26: {  	[spmem:s2] =	stream.indirect.scatter.add.f32 [tilespmem:s15], [sflag:$0x2], $0x80, s16, s16, $0xb8;
	[tilespmem:$0x18100] =	vst v63  }
0x27: {  	_ =	swait.ge [sflag:s17], $0x4000  }
0x28: {  	[sflag:s17] =	ssyncset.done $0x0  }
0x29: {  	s31 =	sadd.s32 $0x0, s11;
	[sflag:s17] =	ssyncadd.s32 $0xFFFFC000  }
0x2a: {  	[tilespmem:s3], [sflag:$0x3] =	stream.linear.gather [hbm4b:s31+s3], $0x80, $0x38;
	[tilespmem:$0x18100] =	vst v63  }
0x2b: {  	_ =	swait.ge [sflag:s14], $0x80  }
0x2c: {  	[sflag:s14] =	ssyncset.done $0x0  }
0x2d: {  	[sflag:s14] =	ssyncadd.s32 $0xFFFFFF80  }
0x2e: {  	[spmem:s2] =	stream.indirect.scatter.add.f32 [tilespmem:s15], [sflag:$0x1], $0x80, s3, s16, $0xb8;
	[tilespmem:$0x18100] =	vst v63  }
0x2f: {  	_ =	swait.ge [sflag:s18], $0x4000  }
0x30: {  	s21 =	simm.s32 $0x40;
	s20 =	simm.s32 $0x20;
	[sflag:s18] =	ssyncset.done $0x0  }
.LBB2_2:
0x31: {  	s22 =	sadd.s32 s20, s12  }
0x32: {  	[sflag:s18] =	ssyncadd.s32 $0xFFFFC000;
	s23 =	smov.u32 s21;
	s24 =	sadd.s32 $0x20, s21  }
0x33: {  	[tilespmem:s16], [sflag:$0x3] =	stream.linear.gather [hbm4b:s22+s3], $0x80, $0x38;
	[tilespmem:$0x18100] =	vst v63  }
0x34: {  	p0 =	sne.s32 s21, $0x4C0;
	_ =	swait.ge [sflag:s14], $0x80  }
0x35: {  	[sflag:s14] =	ssyncset.done $0x0  }
0x36: {  	[sflag:s14] =	ssyncadd.s32 $0xFFFFFF80  }
0x37: {  	[spmem:s2] =	stream.indirect.scatter.add.f32 [tilespmem:s15], [sflag:$0x2], $0x80, s16, s16, $0xb8;
	[tilespmem:$0x18100] =	vst v63  }
0x38: {  	_ =	swait.ge [sflag:s17], $0x4000  }
0x39: {  	[sflag:s17] =	ssyncset.done $0x0  }
0x3a: {  	s21 =	sadd.s32 s20, s11;
	s20 =	smov.u32 s23;
	[sflag:s17] =	ssyncadd.s32 $0xFFFFC000  }
0x3b: {  	[tilespmem:s3], [sflag:$0x3] =	stream.linear.gather [hbm4b:s21+s3], $0x80, $0x38;
	[tilespmem:$0x18100] =	vst v63  }
0x3c: {  	_ =	swait.ge [sflag:s14], $0x80  }
.Ltmp0:
0x3d: {  	[sflag:s14] =	ssyncset.done $0x0;
	(pc) =	sbr.rel @p0 .LBB2_2-.Ltmp0, $4  }
0x3e: {  	[sflag:s14] =	ssyncadd.s32 $0xFFFFFF80  }
0x3f: {  	[spmem:s2] =	stream.indirect.scatter.add.f32 [tilespmem:s15], [sflag:$0x1], $0x80, s3, s16, $0xb8;
	[tilespmem:$0x18100] =	vst v63  }
0x40: {  	_ =	swait.ge [sflag:s18], $0x4000  }
0x41: {  	s21 =	smov.u32 s24;
	[sflag:s18] =	ssyncset.done $0x0  }
0x42: {  	s21 =	sadd.s32 s20, s12;
	[sflag:s18] =	ssyncadd.s32 $0xFFFFC000  }
0x43: {  	[tilespmem:s16], [sflag:$0x3] =	stream.linear.gather [hbm4b:s21+s3], $0x80, $0x38;
	[tilespmem:$0x18100] =	vst v63  }
0x44: {  	_ =	swait.ge [sflag:s14], $0x80  }
0x45: {  	[sflag:s14] =	ssyncset.done $0x0  }
0x46: {  	[sflag:s14] =	ssyncadd.s32 $0xFFFFFF80  }
0x47: {  	[spmem:s2] =	stream.indirect.scatter.add.f32 [tilespmem:s15], [sflag:$0x2], $0x80, s16, s16, $0xb8;
	[tilespmem:$0x18100] =	vst v63  }
0x48: {  	_ =	swait.ge [sflag:s17], $0x4000  }
0x49: {  	[sflag:s17] =	ssyncset.done $0x0  }
0x4a: {  	s31 =	sadd.s32 s20, s11;
	[sflag:s17] =	ssyncadd.s32 $0xFFFFC000  }
0x4b: {  	[tilespmem:s3], [sflag:$0x3] =	stream.linear.gather [hbm4b:s31+s3], $0x80, $0x38;
	[tilespmem:$0x18100] =	vst v63  }
0x4c: {  	_ =	swait.ge [sflag:s14], $0x80  }
0x4d: {  	[sflag:s14] =	ssyncset.done $0x0  }
0x4e: {  	[sflag:s14] =	ssyncadd.s32 $0xFFFFFF80  }
0x4f: {  	[spmem:s2] =	stream.indirect.scatter.add.f32 [tilespmem:s15], [sflag:$0x1], $0x80, s3, s16, $0xb8;
	[tilespmem:$0x18100] =	vst v63  }
0x50: {  	_ =	swait.ge [sflag:s18], $0x4000  }
0x51: {  	[sflag:s18] =	ssyncset.done $0x0  }
0x52: {  	[sflag:s18] =	ssyncadd.s32 $0xFFFFC000  }
0x53: {  	[tilespmem:s16], [sflag:$0x3] =	stream.linear.gather [hbm4b:s10+s3], $0x80, $0x38;
	[tilespmem:$0x18100] =	vst v63  }
0x54: {  	_ =	swait.ge [sflag:s14], $0x80  }
0x55: {  	[sflag:s14] =	ssyncset.done $0x0  }
0x56: {  	[sflag:s14] =	ssyncadd.s32 $0xFFFFFF80  }
0x57: {  	[spmem:s2] =	stream.indirect.scatter.add.f32 [tilespmem:s15], [sflag:$0x2], $0x80, s16, s16, $0xb8;
	[tilespmem:$0x18100] =	vst v63  }
0x58: {  	_ =	swait.ge [sflag:s17], $0x4000  }
0x59: {  	[sflag:s17] =	ssyncset.done $0x0  }
0x5a: {  	[sflag:s17] =	ssyncadd.s32 $0xFFFFC000  }
0x5b: {  	_ =	swait.ge [sflag:s18], $0x4000  }
0x5c: {  	s19 =	sadd.s32 $0x1, s19;
	[sflag:s18] =	ssyncset.done $0x0  }
0x5d: {  	p0 =	sne.s32 s19, s9;
	[sflag:s18] =	ssyncadd.s32 $0xFFFFC000  }
.Ltmp1:
0x5e: {  	[bflag:$0x0] =	sbarrier.arrive $0xFFFF;
	(pc) =	sbr.rel @p0 .LBB2_1-.Ltmp1, $4  }
0x5f: {  	[hbm:s8], [sflag:s6] =	dma.local [spmem:s13], $0x2800  }
0x60: {  	_ =	swait.ge [sflag:s14], $0x2800  }
0x61: {  	[sflag:s14] =	ssyncset.done $0x0  }
0x62: {  	[sflag:s14] =	ssyncadd.s32 $0xFFFFD800  }
0x63: {  	_ =	sfence.sel $0x180000  }
0x64: {  	[bflag:$0x0] =	sbarrier.arrive $0xFFFF  }
0x65: {  	p0 =	sne.s32 s1, $0x0;
	_ =	strace $0x90000047  }
0x66: {  	s0 =	sadd.s32 @!p0 $0x100000, s0;
	[bflag:$0x2] =	sbarrier.arrive $0xFFFF  }
0x67: {  	[sflag:s0] =	ssyncadd.tile.s32 @!p0 $0x1;
	_ =	shalt  }
.Lfunc_end2:
_tile_overlayer_lowered:
.L_overlay_start_2:
0x68: {  	(tag) =	ssettag $0x2  }
0x69: {  	s0 =	rddreg [dreg:$0x0];
	s2 =	stileid.u32  }
0x6a: {  	s1 =	rddreg [dreg:$0x1];
	p0 =	sne.s32 s2, $0x0  }
0x6b: {  	s3 =	rddreg [dreg:$0x2];
	[bflag:$0x3] =	sbarrier.arrive $0xFFFF;
	s2 =	simm.s32 @!p0 $0x1C03  }
0x6c: {  	[timem:s3], [sflag:s2] =	dma.local @!p0 [hbm:s0], s1  }
0x6d: {  	s0 =	simm.s32 @!p0 $0x3  }
0x6e: {  	_ =	swait.ge @!p0 [sflag:s0], s1  }
0x6f: {  	s1 =	ssub.s32 @!p0 $0x0, s1;
	[sflag:s0] =	ssyncset.done @!p0 $0x0  }
0x70: {  	[sflag:s0] =	ssyncadd.s32 @!p0 s1  }
0x71: {  	[bflag:$0x3] =	sbarrier.arrive $0xFFFF  }
0x72: {  	_ =	shalt  }

// kernel: kernel.14.cloned.1.call-start
scs
__scs_entry_jumppad:
0x0: {  	(pc) =	sbr.rel $0x88, $3  }
0x1: {  	(tag) =	ssettag $0x0;
	lr =	simm.s32 $0x1  }
0x2: {  	[smem:$0x3F99] =	sst lr;
	_ =	strace $0xD0000000  }
0x3: {  	_ = 	snop  }
0x4: {  	_ = 	snop  }
0x5: {  	_ = 	snop  }
0x6: {  	_ = 	snop  }
0x7: {  	_ = 	snop  }
__scs_overlays_trampoline_lowered:
0x8: {  	[smem:$0x3FA8] =	sst s0  }
0x9: {  	[smem:$0x3FA9] =	sst s1  }
0xa: {  	[smem:$0x3FAA] =	sst s2  }
0xb: {  	[smem:$0x3FAB] =	sst s3  }
0xc: {  	[smem:$0x3FAC] =	sst s4  }
0xd: {  	[smem:$0x3FAD] =	sst s5  }
0xe: {  	[smem:$0x3FAE] =	sst s6  }
0xf: {  	[smem:$0x3FAF] =	sst s7  }
0x10: {  	[smem:$0x3FB0] =	sst s8  }
0x11: {  	[smem:$0x3FB1] =	sst s9;
	s0 =	simm.s32 @!p0 $0x0  }
0x12: {  	s1 =	sld [smem:$0x3F97];
	s0 =	simm.s32 @p0 $0x1  }
0x13: {  	[smem:$0x3FB2] =	sst s0;
	s0 =	simm.s32 @!p1 $0x0  }
0x14: {  	s2 =	sld [smem:$0x3F96];
	s0 =	simm.s32 @p1 $0x1  }
0x15: {  	[smem:$0x3FB3] =	sst s0;
	s0 =	simm.s32 @!p2 $0x0  }
0x16: {  	s3 =	sld [smem:$0x3FDB];
	s0 =	simm.s32 @p2 $0x1  }
0x17: {  	s4 =	simm.s32 $0x1BF5;
	[smem:$0x3FB5] =	sst s0  }
0x18: {  	s0 =	sld [smem:$0x3F98];
	_ =	swait.ge [sflag:s4], $0x0  }
0x19: {  	s7 =	sld [smem:$0x3F99]  }
0x1a: {  	s8 =	sadd.s32 $0xFFFFE003, lr  }
0x1b: {  	s9 =	sadd.s32 $0xFFFFFEF7, lr;
	s5 =	simm.s32 $0xFFFFFFFF;
	p2 =	slt.u32 s8, $0xFFFFF086  }
0x1c: {  	p1 =	slt.u32 s9, $0xF7A;
	s5 =	simm.s32 @!p2 $0x0  }
0x1d: {  	s5 =	simm.s32 @p1 $0x1;
	p0 =	seq.s32 s7, s2  }
0x1e: {  	s7 =	smul.u32 @!p0 $0xF7A, s2;
	p2 =	seq.s32 @!p0 s5, $0x0  }
0x1f: {  	s9 =	smul.u32 $0xF7A, s1;
	s8 =	simm.s32 @!p0 $0x1BF5;
	p2 =	por !p2, p0  }
0x20: {  	[sflag:s8] =	ssyncset.s32 @!p0 $0xFFFFF086;
	s6 =	sadd.s32 @!p0 s3, s7;
	s7 =	simm.s32 @!p0 $0x108  }
0x21: {  	s3 =	sadd.s32 s3, s9;
	s6 =	sadd.s32 @!p0 $0x88, s6;
	s7 =	simm.s32 @p2 $0x1082  }
0x22: {  	[simem:s7], [sflag:s8] =	dma.local @!p0 [hbm:s6], $0xF7A  }
0x23: {  	s9 =	sor.u32 $0xD0000000, s2;
	s6 =	simm.s32 $0x108;
	_ =	swait.ge @!p0 [sflag:s8], $0x0  }
0x24: {  	s3 =	sadd.s32 $0x88, s3;
	s6 =	simm.s32 @!p1 $0x1082;
	[sflag:s4] =	ssyncset.s32 $0xFFFFF086  }
0x25: {  	[simem:s6], [sflag:s4] =	dma.local [hbm:s3], $0xF7A  }
0x26: {  	[smem:$0x3F99] =	sst s1;
	(tag) =	ssettag s2;
	_ =	strace s9  }
0x27: {  	s1 =	sld [smem:$0x3FA9]  }
0x28: {  	s2 =	sld [smem:$0x3FAA]  }
0x29: {  	s4 =	sld [smem:$0x3FAC]  }
0x2a: {  	p0 =	seq.s32 s5, $0x0;
	s5 =	sld [smem:$0x3FAD]  }
0x2b: {  	s6 =	sld [smem:$0x3FAE]  }
0x2c: {  	s7 =	sld [smem:$0x3FAF]  }
0x2d: {  	s3 =	simm.s32 $0x108;
	s8 =	sld [smem:$0x3FB0]  }
0x2e: {  	s3 =	simm.s32 @!p0 $0x1082;
	s9 =	sld [smem:$0x3FB1]  }
0x2f: {  	lr =	sadd.s32 s0, s3;
	s0 =	sld [smem:$0x3FA8]  }
0x30: {  	s3 =	sld [smem:$0x3FAB]  }
0x31: {  	[smem:$0x3FB4] =	sst s10  }
0x32: {  	s10 =	sld [smem:$0x3FB2];
	_ =	sdelay $0x3  }
0x33: {  	p0 =	seq.s32 s10, $0x1;
	s10 =	sld [smem:$0x3FB4];
	_ =	sdelay $0x3  }
0x34: {  	[smem:$0x3FB4] =	sst s10  }
0x35: {  	s10 =	sld [smem:$0x3FB3];
	_ =	sdelay $0x3  }
0x36: {  	p1 =	seq.s32 s10, $0x1;
	s10 =	sld [smem:$0x3FB4];
	_ =	sdelay $0x3  }
0x37: {  	[smem:$0x3FB4] =	sst s10  }
0x38: {  	s10 =	sld [smem:$0x3FB5]  }
0x39: {  	_ = 	snop;
	(pc) =	sbr.ind lr, $3  }
0x3a: {  	_ = 	snop  }
0x3b: {  	_ = 	snop  }
0x3c: {  	p2 =	seq.s32 s10, $0x1;
	s10 =	sld [smem:$0x3FB4]  }
0x3d: {  	_ =	shalt  }
0x3e: {  	_ =	shalt  }
0x3f: {  	_ =	shalt  }
0x40: {  	_ =	shalt  }
0x41: {  	_ =	shalt  }
0x42: {  	_ =	shalt  }
0x43: {  	_ =	shalt  }
0x44: {  	_ =	shalt  }
0x45: {  	_ =	shalt  }
0x46: {  	_ =	shalt  }
0x47: {  	_ =	shalt  }
0x48: {  	_ =	shalt  }
0x49: {  	_ =	shalt  }
0x4a: {  	_ =	shalt  }
0x4b: {  	_ =	shalt  }
0x4c: {  	_ =	shalt  }
0x4d: {  	_ =	shalt  }
0x4e: {  	_ =	shalt  }
0x4f: {  	_ =	shalt  }
0x50: {  	_ =	shalt  }
0x51: {  	_ =	shalt  }
0x52: {  	_ =	shalt  }
0x53: {  	_ =	shalt  }
0x54: {  	_ =	shalt  }
0x55: {  	_ =	shalt  }
0x56: {  	_ =	shalt  }
0x57: {  	_ =	shalt  }
0x58: {  	_ =	shalt  }
0x59: {  	_ =	shalt  }
0x5a: {  	_ =	shalt  }
0x5b: {  	_ =	shalt  }
0x5c: {  	_ =	shalt  }
0x5d: {  	_ =	shalt  }
0x5e: {  	_ =	shalt  }
0x5f: {  	_ =	shalt  }
0x60: {  	_ =	shalt  }
0x61: {  	_ =	shalt  }
0x62: {  	_ =	shalt  }
0x63: {  	_ =	shalt  }
0x64: {  	_ =	shalt  }
0x65: {  	_ =	shalt  }
0x66: {  	_ =	shalt  }
0x67: {  	_ =	shalt  }
0x68: {  	_ =	shalt  }
0x69: {  	_ =	shalt  }
0x6a: {  	_ =	shalt  }
0x6b: {  	_ =	shalt  }
0x6c: {  	_ =	shalt  }
0x6d: {  	_ =	shalt  }
0x6e: {  	_ =	shalt  }
0x6f: {  	_ =	shalt  }
0x70: {  	_ =	shalt  }
0x71: {  	_ =	shalt  }
0x72: {  	_ =	shalt  }
0x73: {  	_ =	shalt  }
0x74: {  	_ =	shalt  }
0x75: {  	_ =	shalt  }
0x76: {  	_ =	shalt  }
0x77: {  	_ =	shalt  }
0x78: {  	_ =	shalt  }
0x79: {  	_ =	shalt  }
0x7a: {  	_ =	shalt  }
0x7b: {  	_ =	shalt  }
0x7c: {  	_ =	shalt  }
0x7d: {  	_ =	shalt  }
0x7e: {  	_ =	shalt  }
0x7f: {  	_ =	shalt  }
0x80: {  	_ =	shalt  }
0x81: {  	_ =	shalt  }
0x82: {  	_ =	shalt  }
0x83: {  	_ =	shalt  }
0x84: {  	_ =	shalt  }
0x85: {  	_ =	shalt  }
0x86: {  	_ =	shalt  }
0x87: {  	_ =	shalt  }
.Lfunc_end0:
.L_simem_size_0:
called_computation.1_lowered:
.L_overlay_start_0:
0x88: {  	s2 =	sld [smem:$0x3FD9]  }
0x89: {  	s3 =	sld [smem:$0x3FFE];
	_ =	sdelay $0x1  }
0x8a: {  	s1 =	srdreg.scid  }
0x8b: {  	s0 =	sand.u32 $0x1, s1  }
0x8c: {  	s16 =	sshll.u32 s0, $0xA;
	s2 =	sadd.s32 s3, s2  }
0x8d: {  	s2 =	sadd.s32 s2, s16  }
0x8e: {  	[smem:$0x3FC0] =	sst s2  }
0x8f: {  	_ = 	snop  }
0x90: {  	(tm) =	ssettm $0x1  }
0x91: {  	s17 =	sld [smem:$0x3FFB];
	_ =	sdelay $0x3  }
0x92: {  	_ =	strace s17  }
0x93: {  	s2 =	sld [smem:$0x3FFC];
	_ =	sdelay $0x3  }
0x94: {  	_ =	strace s2  }
0x95: {  	s2 =	sld [smem:$0x3FFD];
	_ =	sdelay $0x3  }
0x96: {  	_ =	strace s2  }
0x97: {  	_ =	strace $0x8FFFFFFF  }
0x98: {  	s18 =	sld [smem:$0x3FDB];
	_ =	sdelay $0x1  }
0x99: {  	s19 =	simm.s32 $_scs_section_size  }
0x9a: {  	s4 =	simm.s32 $_size__tile_overlayer_lowered;
	s5 =	simm.s32 $_tile_overlayer_lowered  }
0x9b: {  	s22 =	simm.s32 $0x1BFF;
	s21 =	sshll.u32 s5, $0x1;
	s2 =	sadd.s32 s19, s18  }
0x9c: {  	s6 =	simm.s32 $0x0;
	s20 =	sshll.u32 s4, $0x1;
	s4 =	sadd.s32 s21, s2  }
0x9d: {  	[timem:s6], [sflag:s22] =	dma.local [hbm:s4], s20  }
0x9e: {  	_ =	swait.ge [sflag:s22], s20  }
0x9f: {  	s3 =	ssub.s32 $0x0, s20;
	[sflag:s22] =	ssyncset.done $0x0  }
0xa0: {  	[sflag:s22] =	ssyncadd.s32 s3;
	_ =	sdelay $0x1  }
0xa1: {  	s23 =	simm.s32 $0x1B8B  }
0xa2: {  	_ =	swait.ge [sflag:s23], $0x1  }
0xa3: {  	[sflag:s23] =	ssyncset.done $0x0  }
0xa4: {  	s25 =	simm.s32 $0x1B8E;
	s24 =	sld [smem:$0x3FFE];
	[sflag:s23] =	ssyncadd.s32 $0xFFFFFFFF  }
0xa5: {  	s26 =	simm.s32 $execute0_lowered;
	[smem:$0x3FD2] =	sst s25  }
0xa6: {  	s4 =	sshll.u32 s26, $0x1;
	_ =	strace $0x80000049;
	[dreg:$0x1] =	wrdreg $0xFFFFFFFF  }
0xa7: {  	s28 =	simm.s32 $_size_execute0_lowered;
	s2 =	sadd.s32 s2, s4;
	[dreg:$0x0] =	wrdreg $0x0  }
0xa8: {  	s4 =	sshll.u32 s28, $0x1;
	[dreg:$0x2] =	wrdreg s2  }
0xa9: {  	[dreg:$0x3] =	wrdreg s4  }
0xaa: {  	[dreg:$0x4] =	wrdreg $0xC0  }
0xab: {  	_ =	task [dreg:s6], $0x5FFFF  }
0xac: {  	[dreg:$0x1] =	wrdreg $0xFFFFFFFF  }
0xad: {  	[dreg:$0x0] =	wrdreg $0x60  }
0xae: {  	[dreg:$0x2] =	wrdreg s24  }
0xaf: {  	[dreg:$0x3] =	wrdreg $0xA4000  }
0xb0: {  	[dreg:$0x4] =	wrdreg $0x9  }
0xb1: {  	_ =	task.clear_ibuf [dreg:s6], $0x5FFFF;
	_ =	strace $0x90000049  }
0xb2: {  	s29 =	simm.s32 $0x9;
	_ =	strace $0x8000004B  }
0xb3: {  	_ =	swait.ge [sflag:s29], $0x1  }
0xb4: {  	[sflag:s29] =	ssyncadd.s32 $0xFFFFFFFF  }
0xb5: {  	_ =	strace $0x9000004B  }
0xb6: {  	_ =	sfence  }
0xb7: {  	s30 =	sld [smem:$0x0];
	_ =	sdelay $0x2  }
0xb8: {  	s31 =	sshll.u32 s1, $0xD;
	s1 =	sshrl.u32 s1, $0x2  }
0xb9: {  	s3 =	sand.u32 $0x4000, s31;
	s1 =	sadd.s32 s1, s30  }
0xba: {  	s0 =	sor.u32 s3, s0;
	s1 =	sshll.u32 s1, $0x11  }
0xbb: {  	s0 =	sor.u32 s1, s0  }
0xbc: {  	s0 =	sadd.s32 $0x8F2B, s0  }
0xbd: {  	[sflag:s0] =	ssyncadd.remote.s32 $0x1  }
0xbe: {  	_ =	sfence.sel $0xFFFF  }
0xbf: {  	[dreg:$0x0] =	wrdreg $0xFFFFFFFF;
	(pc) =	sbr.abs _section_cstart, $3  }
0xc0: {  	[dreg:$0x1] =	wrdreg $0xFFFFFFFF  }
0xc1: {  	_ =	task.clear_ibuf [dreg:s6], $0x2FFFF;
	_ =	strace $0x9FFFFFFF  }
0xc2: {  	(tm) =	ssettm $0x7FFFFFFF  }
0xc3: {  	_ =	shalt  }
tec
execute0_lowered:
.L_overlay_start_1:
0x0: {  	(tag) =	ssettag $0x1  }
0x1: {  	s0 =	rddreg [dreg:$0x0]  }
0x2: {  	s1 =	rddreg [dreg:$0x1];
	s2 =	simm.s32 $0x0  }
0x3: {  	s3 =	srdreg.scid;
	s14 =	stileid.u32;
	s29 =	simm.s32 $0x9  }
0x4: {  	s30 =	simm.s32 $0x200;
	s31 =	simm.s32 $0x50;
	s28 =	simm.s32 $0x7  }
0x5: {  	[smem:$0x7FF] =	sst s2;
	s4 =	sand.u32 $0x1, s3;
	s5 =	smul.u32 $0x2800, s14  }
0x6: {  	s3 =	sadd.s32 $0x3EE00, s0;
	s8 =	sadd.s32 $0x16E00, s0;
	s25 =	smul.u32 $0x2710, s14  }
0x7: {  	s9 =	sadd.s32 $0x2A00, s0;
	s11 =	sadd.s32 $0xC800, s0;
	s6 =	smul.u32 $0x28000, s4  }
0x8: {  	s7 =	sshll.u32 s4, $0x4;
	s10 =	ssub.s32 $0x2, s4;
	p0 =	seq.s32 s4, $0x0  }
0x9: {  	s4 =	smul.u32 $0x27100, s4;
	s7 =	sor.u32 s14, s7;
	s21 =	sshrl.u32 s10, $0x1  }
0xa: {  	s8 =	smov.u32 @p0 s3;
	s6 =	sadd.s32 s5, s6;
	s7 =	smul.u32 $0x2710, s7  }
0xb: {  	s4 =	sadd.s32 s25, s4;
	s5 =	sadd.s32 s8, s5;
	s25 =	sshll.u32 s14, $0x6  }
0xc: {  	s8 =	simm.s32 $0x300;
	s0 =	sadd.s32 s6, s0;
	s6 =	ssub.s32 s10, s21  }
0xd: {  	s10 =	smul.u32 $0x50000, s14;
	s18 =	sadd.s32 $0x280, s4;
	[dreg:$0xd] =	wrdreg s5  }
0xe: {  	s21 =	sadd.s32 $0x230, s4;
	s14 =	simm.s32 $0x3;
	s7 =	sshrl.u32 s7, $0x3  }
0xf: {  	s19 =	sshrl.u32 s18, $0x3;
	s5 =	sshrl.u32 s21, $0x3;
	s12 =	sadd.s32 s9, s7  }
0x10: {  	s0 =	sadd.s32 $0x66E00, s0;
	s13 =	sadd.s32 s11, s7;
	[dreg:$0x3] =	wrdreg s12  }
0x11: {  	s22 =	sadd.s32 $0xA, s7;
	s20 =	sadd.s32 s19, s11;
	[dreg:$0x4] =	wrdreg s13  }
0x12: {  	s18 =	simm.s32 $0x400;
	s23 =	sadd.s32 s9, s22;
	[dreg:$0xe] =	wrdreg s20  }
0x13: {  	s24 =	sadd.s32 $0x14, s7;
	s12 =	sadd.s32 s11, s22;
	[dreg:$0x5] =	wrdreg s23  }
0x14: {  	s26 =	sadd.s32 $0x1E, s7;
	s15 =	sadd.s32 s9, s24;
	[dreg:$0x6] =	wrdreg s12  }
0x15: {  	s7 =	sadd.s32 $0x28, s7;
	s16 =	sadd.s32 s9, s26;
	[dreg:$0x7] =	wrdreg s15  }
0x16: {  	s17 =	sadd.s32 s9, s7;
	s7 =	sadd.s32 s11, s7;
	[dreg:$0x9] =	wrdreg s16  }
0x17: {  	s22 =	sadd.s32 $0x1E0, s4;
	s4 =	sadd.s32 $0x190, s4;
	[dreg:$0xb] =	wrdreg s17  }
0x18: {  	s13 =	simm.s32 $0x2;
	s12 =	sadd.s32 s11, s24;
	[dreg:$0xc] =	wrdreg s7  }
0x19: {  	s7 =	sadd.s32 s19, s9;
	s23 =	sadd.s32 s5, s11;
	s5 =	sadd.s32 s5, s9  }
0x1a: {  	s4 =	sshrl.u32 s4, $0x3;
	s24 =	sshrl.u32 s10, $0x2;
	s17 =	sor.u32 $0x1C09, s25  }
0x1b: {  	s10 =	simm.s32 $0x180;
	s25 =	simm.s32 $0x5;
	[dreg:$0x8] =	wrdreg s12  }
0x1c: {  	s15 =	simm.s32 $0x8;
	s16 =	simm.s32 $0x0;
	[dreg:$0xf] =	wrdreg s7  }
0x1d: {  	s12 =	sadd.s32 s11, s26;
	[dreg:$0x10] =	wrdreg s23;
	s7 =	sshrl.u32 s22, $0x3  }
0x1e: {  	[dreg:$0x14] =	wrdreg s5;
	s22 =	sadd.s32 s4, s11;
	s23 =	sadd.s32 s4, s9  }
0x1f: {  	s4 =	sadd.s32 s24, s1;
	s26 =	smax.u32 s6, $0x1;
	s5 =	simm.s32 $0x280  }
0x20: {  	s6 =	simm.s32 $0x2C00;
	s24 =	simm.s32 $0x4;
	[dreg:$0xa] =	wrdreg s12  }
.Ltmp0:
0x21: {  	s20 =	sadd.s32 s7, s11;
	s21 =	sadd.s32 s7, s9;
	(pc) =	sbr.rel .LBB2_1-.Ltmp0, $4  }
0x22: {  	s7 =	simm.s32 $0x100;
	_ =	strace $0x8000004A;
	[dreg:$0x11] =	wrdreg s4  }
0x23: {  	s9 =	simm.s32 $0x5400;
	s11 =	simm.s32 $0x380;
	[dreg:$0x12] =	wrdreg s0  }
0x24: {  	s12 =	simm.s32 $0x7C00;
	[dreg:$0x13] =	wrdreg s26;
	s0 =	simm.s32 $0x1  }
0x25: {  	s4 =	simm.s32 $0x80;
	s26 =	simm.s32 $0x6;
	[dreg:$0x15] =	wrdreg s16  }
.LBB2_4:
0x26: {  	_ =	swait.ge [sflag:s26], $0x2800  }
0x27: {  	[sflag:s26] =	ssyncset.done $0x0  }
0x28: {  	[sflag:s26] =	ssyncadd.s32 $0xFFFFD800  }
0x29: {  	_ =	swait.ge [sflag:s28], $0x2800  }
0x2a: {  	[sflag:s28] =	ssyncset.done $0x0  }
0x2b: {  	[sflag:s28] =	ssyncadd.s32 $0xFFFFD800  }
0x2c: {  	_ =	swait.ge [sflag:s15], $0x2800  }
0x2d: {  	[sflag:s15] =	ssyncset.done $0x0  }
0x2e: {  	[sflag:s15] =	ssyncadd.s32 $0xFFFFD800  }
0x2f: {  	[bflag:$0x0] =	sbarrier.arrive $0xFFFF  }
0x30: {  	s16 =	rddreg [dreg:$0x12]  }
0x31: {  	s19 =	rddreg [dreg:$0x16]  }
0x32: {  	[hbm:s16], [sflag:s17] =	dma.local [spmem:s19], $0x2800  }
0x33: {  	_ =	swait.ge [sflag:s29], $0x2800  }
0x34: {  	s16 =	rddreg [dreg:$0x15]  }
0x35: {  	s19 =	sadd.s32 $0x1, s16;
	s16 =	rddreg [dreg:$0x13]  }
0x36: {  	p0 =	sne.s32 s19, s16  }
.Ltmp1:
0x37: {  	_ = 	snop;
	(pc) =	sbr.rel @!p0 .LBB2_5-.Ltmp1, $3  }
0x38: {  	_ =	sdelay $0x1  }
0x39: {  	[sflag:s29] =	ssyncset.done $0x0  }
0x3a: {  	[sflag:s29] =	ssyncadd.s32 $0xFFFFD800;
	[dreg:$0x15] =	wrdreg s19  }
.LBB2_1:
0x3b: {  	s16 =	rddreg [dreg:$0x11]  }
0x3c: {  	s19 =	sshrl.u32 s16, $0x3;
	s16 =	rddreg [dreg:$0xd]  }
0x3d: {  	[dreg:$0x16] =	wrdreg s19  }
0x3e: {  	[spmem:s19], [sflag:s17] =	dma.local [hbm:s16], $0x2800  }
0x3f: {  	_ =	swait.ge [sflag:s29], $0x2800  }
0x40: {  	[sflag:s29] =	ssyncset.done $0x0  }
0x41: {  	[sflag:s29] =	ssyncadd.s32 $0xFFFFD800  }
0x42: {  	[bflag:$0x0] =	sbarrier.arrive $0xFFFF  }
0x43: {  	s19 =	rddreg [dreg:$0x3]  }
0x44: {  	[tilespmem:s2], [sflag:$0x9] =	stream.linear.gather [hbm4b:s19+s2], $0x50, $0x38;
	[tilespmem:$0x1E400] =	vst v63  }
0x45: {  	_ =	swait.ge [sflag:s29], $0x50  }
0x46: {  	[sflag:s29] =	ssyncset.done $0x0  }
0x47: {  	s19 =	rddreg [dreg:$0x4];
	[sflag:s29] =	ssyncadd.s32 $0xFFFFFFB0  }
0x48: {  	[tilespmem:s30], [sflag:$0x9] =	stream.linear.gather [hbm4b:s19+s2], $0x50, $0x38;
	[tilespmem:$0x1E400] =	vst v63  }
0x49: {  	_ =	swait.ge [sflag:s29], $0x50  }
0x4a: {  	[sflag:s29] =	ssyncset.done $0x0  }
0x4b: {  	[sflag:s29] =	ssyncadd.s32 $0xFFFFFFB0  }
0x4c: {  	[tilespmem:s18], [sflag:$0x1] =	stream.indirect.gather [hbm4b:s3+s31], $0x80, s2, s31, $0xb8;
	[tilespmem:$0x1E400] =	vst v63  }
0x4d: {  	_ =	swait.ge [sflag:s0], $0x2800  }
0x4e: {  	[sflag:s0] =	ssyncset.done $0x0  }
0x4f: {  	[sflag:s0] =	ssyncadd.s32 $0xFFFFD800  }
0x50: {  	[spmem:s1] =	stream.indirect.scatter.add.f32 [tilespmem:s18], [sflag:$0x9], $0x80, s30, s31, $0xb8;
	[tilespmem:$0x1E400] =	vst v63  }
0x51: {  	_ =	swait.ge [sflag:s29], $0x2800  }
0x52: {  	[sflag:s29] =	ssyncset.done $0x0  }
0x53: {  	s19 =	rddreg [dreg:$0x5];
	[sflag:s29] =	ssyncadd.s32 $0xFFFFD800  }
0x54: {  	[tilespmem:s2], [sflag:$0x9] =	stream.linear.gather [hbm4b:s19+s2], $0x50, $0x38;
	[tilespmem:$0x1E400] =	vst v63  }
0x55: {  	_ =	swait.ge [sflag:s29], $0x50  }
0x56: {  	[sflag:s29] =	ssyncset.done $0x0  }
0x57: {  	s19 =	rddreg [dreg:$0x6];
	[sflag:s29] =	ssyncadd.s32 $0xFFFFFFB0  }
0x58: {  	[tilespmem:s30], [sflag:$0x9] =	stream.linear.gather [hbm4b:s19+s2], $0x50, $0x38;
	[tilespmem:$0x1E400] =	vst v63  }
0x59: {  	_ =	swait.ge [sflag:s29], $0x50  }
0x5a: {  	[sflag:s29] =	ssyncset.done $0x0  }
0x5b: {  	[sflag:s29] =	ssyncadd.s32 $0xFFFFFFB0  }
0x5c: {  	[tilespmem:s18], [sflag:$0x1] =	stream.indirect.gather [hbm4b:s3+s31], $0x80, s2, s31, $0xb8;
	[tilespmem:$0x1E400] =	vst v63  }
0x5d: {  	s19 =	rddreg [dreg:$0x7]  }
0x5e: {  	[tilespmem:s4], [sflag:$0x9] =	stream.linear.gather [hbm4b:s19+s2], $0x50, $0x38;
	[tilespmem:$0x1E400] =	vst v63  }
0x5f: {  	_ =	swait.ge [sflag:s29], $0x50  }
0x60: {  	[sflag:s29] =	ssyncset.done $0x0  }
0x61: {  	s19 =	rddreg [dreg:$0x8];
	[sflag:s29] =	ssyncadd.s32 $0xFFFFFFB0  }
0x62: {  	[tilespmem:s5], [sflag:$0x9] =	stream.linear.gather [hbm4b:s19+s2], $0x50, $0x38;
	[tilespmem:$0x1E400] =	vst v63  }
0x63: {  	_ =	swait.ge [sflag:s29], $0x50  }
0x64: {  	[sflag:s29] =	ssyncset.done $0x0  }
0x65: {  	[sflag:s29] =	ssyncadd.s32 $0xFFFFFFB0  }
0x66: {  	[tilespmem:s6], [sflag:$0x2] =	stream.indirect.gather [hbm4b:s3+s31], $0x80, s4, s31, $0xb8;
	[tilespmem:$0x1E400] =	vst v63  }
0x67: {  	s19 =	rddreg [dreg:$0x9]  }
0x68: {  	[tilespmem:s7], [sflag:$0x9] =	stream.linear.gather [hbm4b:s19+s2], $0x50, $0x38;
	[tilespmem:$0x1E400] =	vst v63  }
0x69: {  	_ =	swait.ge [sflag:s29], $0x50  }
0x6a: {  	[sflag:s29] =	ssyncset.done $0x0  }
0x6b: {  	s19 =	rddreg [dreg:$0xa];
	[sflag:s29] =	ssyncadd.s32 $0xFFFFFFB0  }
0x6c: {  	[tilespmem:s8], [sflag:$0x9] =	stream.linear.gather [hbm4b:s19+s2], $0x50, $0x38;
	[tilespmem:$0x1E400] =	vst v63  }
0x6d: {  	_ =	swait.ge [sflag:s29], $0x50  }
0x6e: {  	[sflag:s29] =	ssyncset.done $0x0  }
0x6f: {  	[sflag:s29] =	ssyncadd.s32 $0xFFFFFFB0  }
0x70: {  	[tilespmem:s9], [sflag:$0x3] =	stream.indirect.gather [hbm4b:s3+s31], $0x80, s7, s31, $0xb8;
	[tilespmem:$0x1E400] =	vst v63  }
0x71: {  	s19 =	rddreg [dreg:$0xb]  }
0x72: {  	[tilespmem:s10], [sflag:$0x9] =	stream.linear.gather [hbm4b:s19+s2], $0x50, $0x38;
	[tilespmem:$0x1E400] =	vst v63  }
0x73: {  	_ =	swait.ge [sflag:s29], $0x50  }
0x74: {  	[sflag:s29] =	ssyncset.done $0x0  }
0x75: {  	s19 =	rddreg [dreg:$0xc];
	[sflag:s29] =	ssyncadd.s32 $0xFFFFFFB0  }
0x76: {  	[tilespmem:s11], [sflag:$0x9] =	stream.linear.gather [hbm4b:s19+s2], $0x50, $0x38;
	[tilespmem:$0x1E400] =	vst v63  }
0x77: {  	_ =	swait.ge [sflag:s29], $0x50  }
0x78: {  	[sflag:s29] =	ssyncset.done $0x0  }
0x79: {  	s16 =	simm.s32 $0x0;
	[sflag:s29] =	ssyncadd.s32 $0xFFFFFFB0  }
0x7a: {  	[tilespmem:s12], [sflag:$0x4] =	stream.indirect.gather [hbm4b:s3+s31], $0x80, s10, s31, $0xb8;
	[tilespmem:$0x1E400] =	vst v63  }
.LBB2_2:
0x7b: {  	_ =	swait.ge [sflag:s0], $0x2800  }
0x7c: {  	[sflag:s0] =	ssyncset.done $0x0  }
0x7d: {  	[sflag:s0] =	ssyncadd.s32 $0xFFFFD800  }
0x7e: {  	[spmem:s1] =	stream.indirect.scatter.add.f32 [tilespmem:s18], [sflag:$0x5], $0x80, s30, s31, $0xb8;
	[tilespmem:$0x1E400] =	vst v63  }
0x7f: {  	_ =	swait.ge [sflag:s13], $0x2800  }
0x80: {  	[sflag:s13] =	ssyncset.done $0x0  }
0x81: {  	[sflag:s13] =	ssyncadd.s32 $0xFFFFD800  }
0x82: {  	[spmem:s1] =	stream.indirect.scatter.add.f32 [tilespmem:s6], [sflag:$0x6], $0x80, s5, s31, $0xb8;
	[tilespmem:$0x1E400] =	vst v63  }
0x83: {  	_ =	swait.ge [sflag:s14], $0x2800  }
0x84: {  	[sflag:s14] =	ssyncset.done $0x0  }
0x85: {  	[sflag:s14] =	ssyncadd.s32 $0xFFFFD800  }
0x86: {  	[spmem:s1] =	stream.indirect.scatter.add.f32 [tilespmem:s9], [sflag:$0x7], $0x80, s8, s31, $0xb8;
	[tilespmem:$0x1E400] =	vst v63  }
0x87: {  	_ =	swait.ge [sflag:s24], $0x2800  }
0x88: {  	p0 =	seq.s32 s16, $0x4B0;
	[sflag:s24] =	ssyncset.done $0x0  }
.Ltmp2:
0x89: {  	[sflag:s24] =	ssyncadd.s32 $0xFFFFD800;
	(pc) =	sbr.rel @p0 .LBB2_4-.Ltmp2, $4  }
0x8a: {  	[spmem:s1] =	stream.indirect.scatter.add.f32 [tilespmem:s12], [sflag:$0x8], $0x80, s11, s31, $0xb8;
	[tilespmem:$0x1E400] =	vst v63  }
0x8b: {  	_ =	swait.ge [sflag:s25], $0x2800  }
0x8c: {  	[sflag:s25] =	ssyncset.done $0x0  }
0x8d: {  	[sflag:s25] =	ssyncadd.s32 $0xFFFFD800  }
0x8e: {  	s19 =	smov.u32 s17;
	s17 =	sadd.s32 s16, s23  }
0x8f: {  	[tilespmem:s2], [sflag:$0x9] =	stream.linear.gather [hbm4b:s17+s2], $0x50, $0x38;
	[tilespmem:$0x1E400] =	vst v63  }
0x90: {  	_ =	swait.ge [sflag:s29], $0x50  }
0x91: {  	[sflag:s29] =	ssyncset.done $0x0  }
0x92: {  	s17 =	sadd.s32 s16, s22;
	[sflag:s29] =	ssyncadd.s32 $0xFFFFFFB0  }
0x93: {  	[tilespmem:s30], [sflag:$0x9] =	stream.linear.gather [hbm4b:s17+s2], $0x50, $0x38;
	[tilespmem:$0x1E400] =	vst v63  }
0x94: {  	_ =	swait.ge [sflag:s29], $0x50  }
0x95: {  	[sflag:s29] =	ssyncset.done $0x0  }
0x96: {  	[sflag:s29] =	ssyncadd.s32 $0xFFFFFFB0  }
0x97: {  	[tilespmem:s18], [sflag:$0x1] =	stream.indirect.gather [hbm4b:s3+s31], $0x80, s2, s31, $0xb8;
	[tilespmem:$0x1E400] =	vst v63  }
0x98: {  	_ =	swait.ge [sflag:s26], $0x2800  }
0x99: {  	[sflag:s26] =	ssyncset.done $0x0  }
0x9a: {  	s17 =	sadd.s32 s16, s21;
	[sflag:s26] =	ssyncadd.s32 $0xFFFFD800  }
0x9b: {  	[tilespmem:s4], [sflag:$0x9] =	stream.linear.gather [hbm4b:s17+s2], $0x50, $0x38;
	[tilespmem:$0x1E400] =	vst v63  }
0x9c: {  	_ =	swait.ge [sflag:s29], $0x50  }
0x9d: {  	[sflag:s29] =	ssyncset.done $0x0  }
0x9e: {  	s17 =	sadd.s32 s16, s20;
	[sflag:s29] =	ssyncadd.s32 $0xFFFFFFB0  }
0x9f: {  	[tilespmem:s5], [sflag:$0x9] =	stream.linear.gather [hbm4b:s17+s2], $0x50, $0x38;
	[tilespmem:$0x1E400] =	vst v63  }
0xa0: {  	_ =	swait.ge [sflag:s29], $0x50  }
0xa1: {  	[sflag:s29] =	ssyncset.done $0x0  }
0xa2: {  	[sflag:s29] =	ssyncadd.s32 $0xFFFFFFB0  }
0xa3: {  	[tilespmem:s6], [sflag:$0x2] =	stream.indirect.gather [hbm4b:s3+s31], $0x80, s4, s31, $0xb8;
	[tilespmem:$0x1E400] =	vst v63  }
0xa4: {  	_ =	swait.ge [sflag:s28], $0x2800  }
0xa5: {  	[sflag:s28] =	ssyncset.done $0x0;
	s17 =	rddreg [dreg:$0x14]  }
0xa6: {  	[sflag:s28] =	ssyncadd.s32 $0xFFFFD800;
	s17 =	sadd.s32 s16, s17  }
0xa7: {  	[tilespmem:s7], [sflag:$0x9] =	stream.linear.gather [hbm4b:s17+s2], $0x50, $0x38;
	[tilespmem:$0x1E400] =	vst v63  }
0xa8: {  	_ =	swait.ge [sflag:s29], $0x50  }
0xa9: {  	[sflag:s29] =	ssyncset.done $0x0;
	s17 =	rddreg [dreg:$0x10]  }
0xaa: {  	[sflag:s29] =	ssyncadd.s32 $0xFFFFFFB0;
	s17 =	sadd.s32 s16, s17  }
0xab: {  	[tilespmem:s8], [sflag:$0x9] =	stream.linear.gather [hbm4b:s17+s2], $0x50, $0x38;
	[tilespmem:$0x1E400] =	vst v63  }
0xac: {  	_ =	swait.ge [sflag:s29], $0x50  }
0xad: {  	[sflag:s29] =	ssyncset.done $0x0  }
0xae: {  	[sflag:s29] =	ssyncadd.s32 $0xFFFFFFB0  }
0xaf: {  	[tilespmem:s9], [sflag:$0x3] =	stream.indirect.gather [hbm4b:s3+s31], $0x80, s7, s31, $0xb8;
	[tilespmem:$0x1E400] =	vst v63  }
0xb0: {  	_ =	swait.ge [sflag:s15], $0x2800  }
0xb1: {  	[sflag:s15] =	ssyncset.done $0x0;
	s17 =	rddreg [dreg:$0xf]  }
0xb2: {  	[sflag:s15] =	ssyncadd.s32 $0xFFFFD800;
	s17 =	sadd.s32 s16, s17  }
0xb3: {  	[tilespmem:s10], [sflag:$0x9] =	stream.linear.gather [hbm4b:s17+s2], $0x50, $0x38;
	[tilespmem:$0x1E400] =	vst v63  }
0xb4: {  	_ =	swait.ge [sflag:s29], $0x50  }
0xb5: {  	[sflag:s29] =	ssyncset.done $0x0;
	s17 =	rddreg [dreg:$0xe]  }
0xb6: {  	[sflag:s29] =	ssyncadd.s32 $0xFFFFFFB0;
	s17 =	sadd.s32 s16, s17  }
0xb7: {  	[tilespmem:s11], [sflag:$0x9] =	stream.linear.gather [hbm4b:s17+s2], $0x50, $0x38;
	[tilespmem:$0x1E400] =	vst v63  }
.Ltmp3:
0xb8: {  	_ = 	snop;
	(pc) =	sbr.rel .LBB2_2-.Ltmp3, $4  }
0xb9: {  	_ =	swait.ge [sflag:s29], $0x50  }
0xba: {  	[sflag:s29] =	ssyncset.done $0x0  }
0xbb: {  	s16 =	sadd.s32 $0x28, s16;
	s17 =	smov.u32 s19;
	[sflag:s29] =	ssyncadd.s32 $0xFFFFFFB0  }
0xbc: {  	[tilespmem:s12], [sflag:$0x4] =	stream.indirect.gather [hbm4b:s3+s31], $0x80, s10, s31, $0xb8;
	[tilespmem:$0x1E400] =	vst v63  }
.LBB2_5:
0xbd: {  	_ =	sfence.sel $0x180000  }
0xbe: {  	[bflag:$0x0] =	sbarrier.arrive $0xFFFF  }
0xbf: {  	_ =	strace $0x9000004A  }
0xc0: {  	s0 =	stileid.u32;
	[bflag:$0x2] =	sbarrier.arrive $0xFFFF  }
0xc1: {  	p0 =	sne.s32 s0, $0x0;
	s0 =	rddreg [dreg:$0x2]  }
0xc2: {  	s0 =	sadd.s32 @!p0 $0x100000, s0  }
0xc3: {  	[sflag:s0] =	ssyncadd.tile.s32 @!p0 $0x1;
	_ =	shalt  }
.Lfunc_end2:
_tile_overlayer_lowered:
.L_overlay_start_2:
0xc4: {  	(tag) =	ssettag $0x2  }
0xc5: {  	s0 =	rddreg [dreg:$0x0];
	s2 =	stileid.u32  }
0xc6: {  	s1 =	rddreg [dreg:$0x1];
	p0 =	sne.s32 s2, $0x0  }
0xc7: {  	s3 =	rddreg [dreg:$0x2];
	[bflag:$0x3] =	sbarrier.arrive $0xFFFF;
	s2 =	simm.s32 @!p0 $0x1C09  }
0xc8: {  	[timem:s3], [sflag:s2] =	dma.local @!p0 [hbm:s0], s1  }
0xc9: {  	s0 =	simm.s32 @!p0 $0x9  }
0xca: {  	_ =	swait.ge @!p0 [sflag:s0], s1  }
0xcb: {  	s1 =	ssub.s32 @!p0 $0x0, s1;
	[sflag:s0] =	ssyncset.done @!p0 $0x0  }
0xcc: {  	[sflag:s0] =	ssyncadd.s32 @!p0 s1  }
0xcd: {  	[bflag:$0x3] =	sbarrier.arrive $0xFFFF  }
0xce: {  	_ =	shalt  }

// kernel: kernel.17.cloned.1.call-start
scs
__scs_entry_jumppad:
0x0: {  	(pc) =	sbr.rel $0x88, $3  }
0x1: {  	(tag) =	ssettag $0x0;
	lr =	simm.s32 $0x1  }
0x2: {  	[smem:$0x3F99] =	sst lr;
	_ =	strace $0xD0000000  }
0x3: {  	_ = 	snop  }
0x4: {  	_ = 	snop  }
0x5: {  	_ = 	snop  }
0x6: {  	_ = 	snop  }
0x7: {  	_ = 	snop  }
__scs_overlays_trampoline_lowered:
0x8: {  	[smem:$0x3FA8] =	sst s0  }
0x9: {  	[smem:$0x3FA9] =	sst s1  }
0xa: {  	[smem:$0x3FAA] =	sst s2  }
0xb: {  	[smem:$0x3FAB] =	sst s3  }
0xc: {  	[smem:$0x3FAC] =	sst s4  }
0xd: {  	[smem:$0x3FAD] =	sst s5  }
0xe: {  	[smem:$0x3FAE] =	sst s6  }
0xf: {  	[smem:$0x3FAF] =	sst s7  }
0x10: {  	[smem:$0x3FB0] =	sst s8  }
0x11: {  	[smem:$0x3FB1] =	sst s9;
	s0 =	simm.s32 @!p0 $0x0  }
0x12: {  	s1 =	sld [smem:$0x3F97];
	s0 =	simm.s32 @p0 $0x1  }
0x13: {  	[smem:$0x3FB2] =	sst s0;
	s0 =	simm.s32 @!p1 $0x0  }
0x14: {  	s2 =	sld [smem:$0x3F96];
	s0 =	simm.s32 @p1 $0x1  }
0x15: {  	[smem:$0x3FB3] =	sst s0;
	s0 =	simm.s32 @!p2 $0x0  }
0x16: {  	s3 =	sld [smem:$0x3FDB];
	s0 =	simm.s32 @p2 $0x1  }
0x17: {  	s4 =	simm.s32 $0x1BF5;
	[smem:$0x3FB5] =	sst s0  }
0x18: {  	s0 =	sld [smem:$0x3F98];
	_ =	swait.ge [sflag:s4], $0x0  }
0x19: {  	s7 =	sld [smem:$0x3F99]  }
0x1a: {  	s8 =	sadd.s32 $0xFFFFE003, lr  }
0x1b: {  	s9 =	sadd.s32 $0xFFFFFEF7, lr;
	s5 =	simm.s32 $0xFFFFFFFF;
	p2 =	slt.u32 s8, $0xFFFFF086  }
0x1c: {  	p1 =	slt.u32 s9, $0xF7A;
	s5 =	simm.s32 @!p2 $0x0  }
0x1d: {  	s5 =	simm.s32 @p1 $0x1;
	p0 =	seq.s32 s7, s2  }
0x1e: {  	s7 =	smul.u32 @!p0 $0xF7A, s2;
	p2 =	seq.s32 @!p0 s5, $0x0  }
0x1f: {  	s9 =	smul.u32 $0xF7A, s1;
	s8 =	simm.s32 @!p0 $0x1BF5;
	p2 =	por !p2, p0  }
0x20: {  	[sflag:s8] =	ssyncset.s32 @!p0 $0xFFFFF086;
	s6 =	sadd.s32 @!p0 s3, s7;
	s7 =	simm.s32 @!p0 $0x108  }
0x21: {  	s3 =	sadd.s32 s3, s9;
	s6 =	sadd.s32 @!p0 $0x88, s6;
	s7 =	simm.s32 @p2 $0x1082  }
0x22: {  	[simem:s7], [sflag:s8] =	dma.local @!p0 [hbm:s6], $0xF7A  }
0x23: {  	s9 =	sor.u32 $0xD0000000, s2;
	s6 =	simm.s32 $0x108;
	_ =	swait.ge @!p0 [sflag:s8], $0x0  }
0x24: {  	s3 =	sadd.s32 $0x88, s3;
	s6 =	simm.s32 @!p1 $0x1082;
	[sflag:s4] =	ssyncset.s32 $0xFFFFF086  }
0x25: {  	[simem:s6], [sflag:s4] =	dma.local [hbm:s3], $0xF7A  }
0x26: {  	[smem:$0x3F99] =	sst s1;
	(tag) =	ssettag s2;
	_ =	strace s9  }
0x27: {  	s1 =	sld [smem:$0x3FA9]  }
0x28: {  	s2 =	sld [smem:$0x3FAA]  }
0x29: {  	s4 =	sld [smem:$0x3FAC]  }
0x2a: {  	p0 =	seq.s32 s5, $0x0;
	s5 =	sld [smem:$0x3FAD]  }
0x2b: {  	s6 =	sld [smem:$0x3FAE]  }
0x2c: {  	s7 =	sld [smem:$0x3FAF]  }
0x2d: {  	s3 =	simm.s32 $0x108;
	s8 =	sld [smem:$0x3FB0]  }
0x2e: {  	s3 =	simm.s32 @!p0 $0x1082;
	s9 =	sld [smem:$0x3FB1]  }
0x2f: {  	lr =	sadd.s32 s0, s3;
	s0 =	sld [smem:$0x3FA8]  }
0x30: {  	s3 =	sld [smem:$0x3FAB]  }
0x31: {  	[smem:$0x3FB4] =	sst s10  }
0x32: {  	s10 =	sld [smem:$0x3FB2];
	_ =	sdelay $0x3  }
0x33: {  	p0 =	seq.s32 s10, $0x1;
	s10 =	sld [smem:$0x3FB4];
	_ =	sdelay $0x3  }
0x34: {  	[smem:$0x3FB4] =	sst s10  }
0x35: {  	s10 =	sld [smem:$0x3FB3];
	_ =	sdelay $0x3  }
0x36: {  	p1 =	seq.s32 s10, $0x1;
	s10 =	sld [smem:$0x3FB4];
	_ =	sdelay $0x3  }
0x37: {  	[smem:$0x3FB4] =	sst s10  }
0x38: {  	s10 =	sld [smem:$0x3FB5]  }
0x39: {  	_ = 	snop;
	(pc) =	sbr.ind lr, $3  }
0x3a: {  	_ = 	snop  }
0x3b: {  	_ = 	snop  }
0x3c: {  	p2 =	seq.s32 s10, $0x1;
	s10 =	sld [smem:$0x3FB4]  }
0x3d: {  	_ =	shalt  }
0x3e: {  	_ =	shalt  }
0x3f: {  	_ =	shalt  }
0x40: {  	_ =	shalt  }
0x41: {  	_ =	shalt  }
0x42: {  	_ =	shalt  }
0x43: {  	_ =	shalt  }
0x44: {  	_ =	shalt  }
0x45: {  	_ =	shalt  }
0x46: {  	_ =	shalt  }
0x47: {  	_ =	shalt  }
0x48: {  	_ =	shalt  }
0x49: {  	_ =	shalt  }
0x4a: {  	_ =	shalt  }
0x4b: {  	_ =	shalt  }
0x4c: {  	_ =	shalt  }
0x4d: {  	_ =	shalt  }
0x4e: {  	_ =	shalt  }
0x4f: {  	_ =	shalt  }
0x50: {  	_ =	shalt  }
0x51: {  	_ =	shalt  }
0x52: {  	_ =	shalt  }
0x53: {  	_ =	shalt  }
0x54: {  	_ =	shalt  }
0x55: {  	_ =	shalt  }
0x56: {  	_ =	shalt  }
0x57: {  	_ =	shalt  }
0x58: {  	_ =	shalt  }
0x59: {  	_ =	shalt  }
0x5a: {  	_ =	shalt  }
0x5b: {  	_ =	shalt  }
0x5c: {  	_ =	shalt  }
0x5d: {  	_ =	shalt  }
0x5e: {  	_ =	shalt  }
0x5f: {  	_ =	shalt  }
0x60: {  	_ =	shalt  }
0x61: {  	_ =	shalt  }
0x62: {  	_ =	shalt  }
0x63: {  	_ =	shalt  }
0x64: {  	_ =	shalt  }
0x65: {  	_ =	shalt  }
0x66: {  	_ =	shalt  }
0x67: {  	_ =	shalt  }
0x68: {  	_ =	shalt  }
0x69: {  	_ =	shalt  }
0x6a: {  	_ =	shalt  }
0x6b: {  	_ =	shalt  }
0x6c: {  	_ =	shalt  }
0x6d: {  	_ =	shalt  }
0x6e: {  	_ =	shalt  }
0x6f: {  	_ =	shalt  }
0x70: {  	_ =	shalt  }
0x71: {  	_ =	shalt  }
0x72: {  	_ =	shalt  }
0x73: {  	_ =	shalt  }
0x74: {  	_ =	shalt  }
0x75: {  	_ =	shalt  }
0x76: {  	_ =	shalt  }
0x77: {  	_ =	shalt  }
0x78: {  	_ =	shalt  }
0x79: {  	_ =	shalt  }
0x7a: {  	_ =	shalt  }
0x7b: {  	_ =	shalt  }
0x7c: {  	_ =	shalt  }
0x7d: {  	_ =	shalt  }
0x7e: {  	_ =	shalt  }
0x7f: {  	_ =	shalt  }
0x80: {  	_ =	shalt  }
0x81: {  	_ =	shalt  }
0x82: {  	_ =	shalt  }
0x83: {  	_ =	shalt  }
0x84: {  	_ =	shalt  }
0x85: {  	_ =	shalt  }
0x86: {  	_ =	shalt  }
0x87: {  	_ =	shalt  }
.Lfunc_end0:
.L_simem_size_0:
called_computation.2_lowered:
.L_overlay_start_0:
0x88: {  	s2 =	sld [smem:$0x3FD9]  }
0x89: {  	s3 =	sld [smem:$0x3FFE];
	_ =	sdelay $0x1  }
0x8a: {  	s1 =	srdreg.scid  }
0x8b: {  	s0 =	sand.u32 $0x1, s1  }
0x8c: {  	s17 =	sshll.u32 s0, $0xA;
	s2 =	sadd.s32 s3, s2  }
0x8d: {  	s2 =	sadd.s32 s2, s17  }
0x8e: {  	[smem:$0x3FC0] =	sst s2  }
0x8f: {  	_ = 	snop  }
0x90: {  	s2 =	sld [smem:$0x3FD0];
	(tm) =	ssettm $0x1  }
0x91: {  	s18 =	sld [smem:$0x3FFB];
	_ =	sdelay $0x3  }
0x92: {  	_ =	strace s18  }
0x93: {  	s3 =	sld [smem:$0x3FFC];
	_ =	sdelay $0x3  }
0x94: {  	_ =	strace s3  }
0x95: {  	s3 =	sld [smem:$0x3FFD];
	_ =	sdelay $0x3  }
0x96: {  	_ =	strace s3  }
0x97: {  	_ =	strace $0x8FFFFFFF  }
0x98: {  	s19 =	sld [smem:$0x3FDB];
	_ =	sdelay $0x1  }
0x99: {  	s4 =	simm.s32 $_scs_section_size  }
0x9a: {  	s5 =	simm.s32 $_size__tile_overlayer_lowered;
	s6 =	simm.s32 $_tile_overlayer_lowered  }
0x9b: {  	s22 =	simm.s32 $0x1BFF;
	s21 =	sshll.u32 s6, $0x1;
	s3 =	sadd.s32 s4, s19  }
0x9c: {  	s7 =	simm.s32 $0x0;
	s20 =	sshll.u32 s5, $0x1;
	s5 =	sadd.s32 s21, s3  }
0x9d: {  	[timem:s7], [sflag:s22] =	dma.local [hbm:s5], s20  }
0x9e: {  	_ =	swait.ge [sflag:s22], s20  }
0x9f: {  	s4 =	ssub.s32 $0x0, s20;
	[sflag:s22] =	ssyncset.done $0x0  }
0xa0: {  	[sflag:s22] =	ssyncadd.s32 s4;
	_ =	sdelay $0x1  }
0xa1: {  	s23 =	simm.s32 $0x1B8B  }
0xa2: {  	_ =	swait.ge [sflag:s23], $0x1  }
0xa3: {  	[sflag:s23] =	ssyncset.done $0x0  }
0xa4: {  	s25 =	simm.s32 $0x1B8E;
	s24 =	sld [smem:$0x3FFE];
	[sflag:s23] =	ssyncadd.s32 $0xFFFFFFFF  }
0xa5: {  	s26 =	simm.s32 $execute0_lowered;
	[smem:$0x3FD2] =	sst s25  }
0xa6: {  	s5 =	sshll.u32 s26, $0x1;
	_ =	strace $0x8000004C;
	[dreg:$0x1] =	wrdreg $0xFFFFFFFF  }
0xa7: {  	s28 =	simm.s32 $_size_execute0_lowered;
	s3 =	sadd.s32 s3, s5;
	[dreg:$0x0] =	wrdreg $0x0  }
0xa8: {  	s5 =	sshll.u32 s28, $0x1;
	[dreg:$0x2] =	wrdreg s3  }
0xa9: {  	[dreg:$0x3] =	wrdreg s5  }
0xaa: {  	[dreg:$0x4] =	wrdreg $0xC0  }
0xab: {  	_ =	task [dreg:s7], $0x5FFFF  }
0xac: {  	[dreg:$0x1] =	wrdreg $0xFFFFFFFF  }
0xad: {  	[dreg:$0x0] =	wrdreg $0x60  }
0xae: {  	[dreg:$0x2] =	wrdreg s24  }
0xaf: {  	[dreg:$0x3] =	wrdreg s2  }
0xb0: {  	[dreg:$0x4] =	wrdreg $0xA4000  }
0xb1: {  	[dreg:$0x5] =	wrdreg $0x9  }
0xb2: {  	_ =	task.clear_ibuf [dreg:s7], $0x6FFFF;
	_ =	strace $0x9000004C  }
0xb3: {  	s29 =	simm.s32 $0x9;
	_ =	strace $0x8000004E  }
0xb4: {  	_ =	swait.ge [sflag:s29], $0x1  }
0xb5: {  	[sflag:s29] =	ssyncadd.s32 $0xFFFFFFFF  }
0xb6: {  	_ =	strace $0x9000004E  }
0xb7: {  	_ =	sfence  }
0xb8: {  	s30 =	sld [smem:$0x0];
	_ =	sdelay $0x2  }
0xb9: {  	s31 =	sshll.u32 s1, $0xD;
	s1 =	sshrl.u32 s1, $0x2  }
0xba: {  	s3 =	sand.u32 $0x4000, s31;
	s1 =	sadd.s32 s1, s30  }
0xbb: {  	s0 =	sor.u32 s3, s0;
	s1 =	sshll.u32 s1, $0x11  }
0xbc: {  	s0 =	sor.u32 s1, s0  }
0xbd: {  	s0 =	sadd.s32 $0x8F2B, s0  }
0xbe: {  	[sflag:s0] =	ssyncadd.remote.s32 $0x1  }
0xbf: {  	_ =	sfence.sel $0xFFFF  }
0xc0: {  	[dreg:$0x0] =	wrdreg $0xFFFFFFFF;
	(pc) =	sbr.abs _section_cstart, $3  }
0xc1: {  	[dreg:$0x1] =	wrdreg $0xFFFFFFFF  }
0xc2: {  	_ =	task.clear_ibuf [dreg:s7], $0x2FFFF;
	_ =	strace $0x9FFFFFFF  }
0xc3: {  	(tm) =	ssettm $0x7FFFFFFF  }
tec
execute0_lowered:
.L_overlay_start_1:
0x0: {  	(tag) =	ssettag $0x1  }
0x1: {  	s0 =	rddreg [dreg:$0x0]  }
0x2: {  	s2 =	rddreg [dreg:$0x1]  }
0x3: {  	s1 =	rddreg [dreg:$0x2];
	s12 =	stileid.u32  }
0x4: {  	s3 =	srdreg.scid;
	s28 =	simm.s32 $0x9;
	s7 =	smul.u32 $0x280, s12  }
0x5: {  	s29 =	simm.s32 $0x200;
	s30 =	simm.s32 $0x50;
	s26 =	smul.u32 $0x50000, s12  }
0x6: {  	s31 =	simm.s32 $0x400;
	s5 =	sand.u32 $0x1, s3;
	s13 =	smul.u32 $0x4E20, s12  }
0x7: {  	s3 =	simm.s32 $0x0;
	s4 =	sadd.s32 $0x3EE00, s0;
	s24 =	smul.u32 $0x9C4, s12  }
0x8: {  	s8 =	sadd.s32 $0xC800, s0;
	s14 =	sshll.u32 s12, $0x6;
	s6 =	smul.u32 $0x2800, s5  }
0x9: {  	[smem:$0x7FF] =	sst s3;
	s9 =	sshll.u32 s5, $0x4;
	s10 =	ssub.s32 $0x2, s5  }
0xa: {  	s5 =	smul.u32 $0x4E200, s5;
	s19 =	sor.u32 $0x1C09, s14;
	_ =	strace $0x8000004D  }
0xb: {  	s9 =	sor.u32 s12, s9;
	s11 =	sshrl.u32 s10, $0x1;
	s15 =	sshrl.u32 s13, $0x3  }
0xc: {  	s12 =	sadd.s32 s24, s8;
	s24 =	simm.s32 $0x5;
	s6 =	sadd.s32 s7, s6  }
0xd: {  	s7 =	sshrl.u32 s26, $0x2;
	s9 =	smul.u32 $0x4E20, s9;
	s10 =	ssub.s32 s10, s11  }
0xe: {  	s5 =	sadd.s32 s13, s5;
	[dreg:$0x11] =	wrdreg s12;
	s6 =	sshll.u32 s6, $0x4  }
0xf: {  	s12 =	simm.s32 $0x5400;
	s7 =	sadd.s32 s7, s1;
	s0 =	sadd.s32 s6, s0  }
0x10: {  	[dreg:$0x4] =	wrdreg s7;
	s6 =	sadd.s32 s4, s6;
	s9 =	sshrl.u32 s9, $0x3  }
0x11: {  	s22 =	sadd.s32 $0x2D0, s5;
	[dreg:$0x5] =	wrdreg s6;
	s11 =	sadd.s32 s2, s9  }
0x12: {  	s13 =	sadd.s32 $0x280, s5;
	s0 =	sadd.s32 $0x8EE00, s0;
	[dreg:$0x6] =	wrdreg s11  }
0x13: {  	s14 =	sadd.s32 $0x230, s5;
	s9 =	sadd.s32 s8, s15;
	[dreg:$0x13] =	wrdreg s0  }
0x14: {  	s5 =	sadd.s32 $0x1E0, s5;
	s16 =	sadd.s32 $0xA, s11;
	[dreg:$0x7] =	wrdreg s9  }
0x15: {  	s7 =	sshrl.u32 s14, $0x3;
	s17 =	sadd.s32 $0xA, s9;
	[dreg:$0x8] =	wrdreg s16  }
0x16: {  	s5 =	sshrl.u32 s5, $0x3;
	s18 =	sadd.s32 $0x14, s11;
	[dreg:$0x9] =	wrdreg s17  }
0x17: {  	s14 =	simm.s32 $0x380;
	s20 =	sadd.s32 $0x14, s9;
	[dreg:$0xa] =	wrdreg s18  }
0x18: {  	s6 =	sshrl.u32 s22, $0x3;
	s21 =	sadd.s32 $0x1E, s11;
	[dreg:$0xb] =	wrdreg s20  }
0x19: {  	s22 =	sadd.s32 s5, s2;
	s23 =	sadd.s32 $0x1E, s9;
	[dreg:$0xc] =	wrdreg s21  }
0x1a: {  	s5 =	simm.s32 $0x280;
	s25 =	sadd.s32 $0x28, s11;
	[dreg:$0xd] =	wrdreg s23  }
0x1b: {  	s26 =	sadd.s32 $0x28, s9;
	s6 =	sadd.s32 s6, s2;
	[dreg:$0xe] =	wrdreg s25  }
0x1c: {  	s15 =	sadd.s32 $0x32, s11;
	s0 =	simm.s32 $0x1;
	[dreg:$0xf] =	wrdreg s26  }
0x1d: {  	s11 =	simm.s32 $0x300;
	[dreg:$0x10] =	wrdreg s6;
	s6 =	sshrl.u32 s13, $0x3  }
0x1e: {  	s21 =	sadd.s32 s7, s2;
	[dreg:$0x12] =	wrdreg s15;
	s16 =	smax.u32 s10, $0x1  }
0x1f: {  	s17 =	sadd.s32 $0x32, s9;
	s10 =	simm.s32 $0x100;
	s13 =	simm.s32 $0x180  }
.Ltmp0:
0x20: {  	s15 =	simm.s32 $0x7C00;
	s23 =	simm.s32 $0x4;
	(pc) =	sbr.rel .LBB2_1-.Ltmp0, $4  }
0x21: {  	s25 =	simm.s32 $0x6;
	s26 =	simm.s32 $0x7;
	s7 =	simm.s32 $0x8  }
0x22: {  	s18 =	simm.s32 $0x0;
	s20 =	sadd.s32 s6, s2;
	[dreg:$0x14] =	wrdreg s16  }
0x23: {  	[dreg:$0x15] =	wrdreg s17;
	s2 =	simm.s32 $0x80;
	s6 =	simm.s32 $0x2C00  }
0x24: {  	s16 =	simm.s32 $0x2;
	s17 =	simm.s32 $0x3;
	[dreg:$0x16] =	wrdreg s18  }
.LBB2_4:
0x25: {  	_ =	swait.ge [sflag:s25], $0x2800  }
0x26: {  	[sflag:s25] =	ssyncset.done $0x0  }
0x27: {  	[sflag:s25] =	ssyncadd.s32 $0xFFFFD800  }
0x28: {  	_ =	swait.ge [sflag:s26], $0x2800  }
0x29: {  	[sflag:s26] =	ssyncset.done $0x0  }
0x2a: {  	[sflag:s26] =	ssyncadd.s32 $0xFFFFD800  }
0x2b: {  	_ =	swait.ge [sflag:s7], $0x2800  }
0x2c: {  	[sflag:s7] =	ssyncset.done $0x0  }
0x2d: {  	[sflag:s7] =	ssyncadd.s32 $0xFFFFD800  }
0x2e: {  	[bflag:$0x0] =	sbarrier.arrive $0xFFFF  }
0x2f: {  	s8 =	rddreg [dreg:$0x13]  }
0x30: {  	s9 =	rddreg [dreg:$0x17]  }
0x31: {  	[hbm:s8], [sflag:s19] =	dma.local [spmem:s9], $0x2800  }
0x32: {  	_ =	swait.ge [sflag:s28], $0x2800  }
0x33: {  	s8 =	rddreg [dreg:$0x16]  }
0x34: {  	s18 =	rddreg [dreg:$0x14];
	s9 =	sadd.s32 $0x1, s8  }
0x35: {  	p0 =	sne.s32 s9, s18  }
.Ltmp1:
0x36: {  	_ = 	snop;
	(pc) =	sbr.rel @!p0 .LBB2_5-.Ltmp1, $3  }
0x37: {  	_ =	sdelay $0x1  }
0x38: {  	[sflag:s28] =	ssyncset.done $0x0  }
0x39: {  	[sflag:s28] =	ssyncadd.s32 $0xFFFFD800;
	[dreg:$0x16] =	wrdreg s9  }
.LBB2_1:
0x3a: {  	s8 =	rddreg [dreg:$0x4]  }
0x3b: {  	s18 =	rddreg [dreg:$0x5];
	s9 =	sshrl.u32 s8, $0x3  }
0x3c: {  	[dreg:$0x17] =	wrdreg s9  }
0x3d: {  	[spmem:s9], [sflag:s19] =	dma.local [hbm:s18], $0x2800  }
0x3e: {  	_ =	swait.ge [sflag:s28], $0x2800  }
0x3f: {  	[sflag:s28] =	ssyncset.done $0x0  }
0x40: {  	[sflag:s28] =	ssyncadd.s32 $0xFFFFD800  }
0x41: {  	[bflag:$0x0] =	sbarrier.arrive $0xFFFF  }
0x42: {  	s9 =	rddreg [dreg:$0x6]  }
0x43: {  	[tilespmem:s3], [sflag:$0x9] =	stream.linear.gather [hbm4b:s9+s3], $0x50, $0x38;
	[tilespmem:$0x1E400] =	vst v63  }
0x44: {  	_ =	swait.ge [sflag:s28], $0x50  }
0x45: {  	[sflag:s28] =	ssyncset.done $0x0  }
0x46: {  	s18 =	rddreg [dreg:$0x7];
	[sflag:s28] =	ssyncadd.s32 $0xFFFFFFB0  }
0x47: {  	[tilespmem:s29], [sflag:$0x9] =	stream.linear.gather [hbm4b:s18+s3], $0x50, $0x38;
	[tilespmem:$0x1E400] =	vst v63  }
0x48: {  	_ =	swait.ge [sflag:s28], $0x50  }
0x49: {  	[sflag:s28] =	ssyncset.done $0x0  }
0x4a: {  	[sflag:s28] =	ssyncadd.s32 $0xFFFFFFB0  }
0x4b: {  	[tilespmem:s31], [sflag:$0x1] =	stream.indirect.gather [hbm4b:s4+s30], $0x80, s3, s30, $0xb8;
	[tilespmem:$0x1E400] =	vst v63  }
0x4c: {  	_ =	swait.ge [sflag:s0], $0x2800  }
0x4d: {  	[sflag:s0] =	ssyncset.done $0x0  }
0x4e: {  	[sflag:s0] =	ssyncadd.s32 $0xFFFFD800  }
0x4f: {  	[spmem:s1] =	stream.indirect.scatter.add.f32 [tilespmem:s31], [sflag:$0x9], $0x80, s29, s30, $0xb8;
	[tilespmem:$0x1E400] =	vst v63  }
0x50: {  	_ =	swait.ge [sflag:s28], $0x2800  }
0x51: {  	[sflag:s28] =	ssyncset.done $0x0  }
0x52: {  	s9 =	rddreg [dreg:$0x8];
	[sflag:s28] =	ssyncadd.s32 $0xFFFFD800  }
0x53: {  	[tilespmem:s3], [sflag:$0x9] =	stream.linear.gather [hbm4b:s9+s3], $0x50, $0x38;
	[tilespmem:$0x1E400] =	vst v63  }
0x54: {  	_ =	swait.ge [sflag:s28], $0x50  }
0x55: {  	[sflag:s28] =	ssyncset.done $0x0  }
0x56: {  	s18 =	rddreg [dreg:$0x9];
	[sflag:s28] =	ssyncadd.s32 $0xFFFFFFB0  }
0x57: {  	[tilespmem:s29], [sflag:$0x9] =	stream.linear.gather [hbm4b:s18+s3], $0x50, $0x38;
	[tilespmem:$0x1E400] =	vst v63  }
0x58: {  	_ =	swait.ge [sflag:s28], $0x50  }
0x59: {  	[sflag:s28] =	ssyncset.done $0x0  }
0x5a: {  	[sflag:s28] =	ssyncadd.s32 $0xFFFFFFB0  }
0x5b: {  	[tilespmem:s31], [sflag:$0x1] =	stream.indirect.gather [hbm4b:s4+s30], $0x80, s3, s30, $0xb8;
	[tilespmem:$0x1E400] =	vst v63  }
0x5c: {  	_ =	swait.ge [sflag:s0], $0x2800  }
0x5d: {  	[sflag:s0] =	ssyncset.done $0x0  }
0x5e: {  	[sflag:s0] =	ssyncadd.s32 $0xFFFFD800  }
0x5f: {  	[spmem:s1] =	stream.indirect.scatter.add.f32 [tilespmem:s31], [sflag:$0x9], $0x80, s29, s30, $0xb8;
	[tilespmem:$0x1E400] =	vst v63  }
0x60: {  	_ =	swait.ge [sflag:s28], $0x2800  }
0x61: {  	[sflag:s28] =	ssyncset.done $0x0  }
0x62: {  	s9 =	rddreg [dreg:$0xa];
	[sflag:s28] =	ssyncadd.s32 $0xFFFFD800  }
0x63: {  	[tilespmem:s3], [sflag:$0x9] =	stream.linear.gather [hbm4b:s9+s3], $0x50, $0x38;
	[tilespmem:$0x1E400] =	vst v63  }
0x64: {  	_ =	swait.ge [sflag:s28], $0x50  }
0x65: {  	[sflag:s28] =	ssyncset.done $0x0  }
0x66: {  	s18 =	rddreg [dreg:$0xb];
	[sflag:s28] =	ssyncadd.s32 $0xFFFFFFB0  }
0x67: {  	[tilespmem:s29], [sflag:$0x9] =	stream.linear.gather [hbm4b:s18+s3], $0x50, $0x38;
	[tilespmem:$0x1E400] =	vst v63  }
0x68: {  	_ =	swait.ge [sflag:s28], $0x50  }
0x69: {  	[sflag:s28] =	ssyncset.done $0x0  }
0x6a: {  	[sflag:s28] =	ssyncadd.s32 $0xFFFFFFB0  }
0x6b: {  	[tilespmem:s31], [sflag:$0x1] =	stream.indirect.gather [hbm4b:s4+s30], $0x80, s3, s30, $0xb8;
	[tilespmem:$0x1E400] =	vst v63  }
0x6c: {  	s9 =	rddreg [dreg:$0xc]  }
0x6d: {  	[tilespmem:s2], [sflag:$0x9] =	stream.linear.gather [hbm4b:s9+s3], $0x50, $0x38;
	[tilespmem:$0x1E400] =	vst v63  }
0x6e: {  	_ =	swait.ge [sflag:s28], $0x50  }
0x6f: {  	[sflag:s28] =	ssyncset.done $0x0  }
0x70: {  	s18 =	rddreg [dreg:$0xd];
	[sflag:s28] =	ssyncadd.s32 $0xFFFFFFB0  }
0x71: {  	[tilespmem:s5], [sflag:$0x9] =	stream.linear.gather [hbm4b:s18+s3], $0x50, $0x38;
	[tilespmem:$0x1E400] =	vst v63  }
0x72: {  	_ =	swait.ge [sflag:s28], $0x50  }
0x73: {  	[sflag:s28] =	ssyncset.done $0x0  }
0x74: {  	[sflag:s28] =	ssyncadd.s32 $0xFFFFFFB0  }
0x75: {  	[tilespmem:s6], [sflag:$0x2] =	stream.indirect.gather [hbm4b:s4+s30], $0x80, s2, s30, $0xb8;
	[tilespmem:$0x1E400] =	vst v63  }
0x76: {  	s9 =	rddreg [dreg:$0xe]  }
0x77: {  	[tilespmem:s10], [sflag:$0x9] =	stream.linear.gather [hbm4b:s9+s3], $0x50, $0x38;
	[tilespmem:$0x1E400] =	vst v63  }
0x78: {  	_ =	swait.ge [sflag:s28], $0x50  }
0x79: {  	[sflag:s28] =	ssyncset.done $0x0  }
0x7a: {  	s18 =	rddreg [dreg:$0xf];
	[sflag:s28] =	ssyncadd.s32 $0xFFFFFFB0  }
0x7b: {  	[tilespmem:s11], [sflag:$0x9] =	stream.linear.gather [hbm4b:s18+s3], $0x50, $0x38;
	[tilespmem:$0x1E400] =	vst v63  }
0x7c: {  	_ =	swait.ge [sflag:s28], $0x50  }
0x7d: {  	[sflag:s28] =	ssyncset.done $0x0  }
0x7e: {  	[sflag:s28] =	ssyncadd.s32 $0xFFFFFFB0  }
0x7f: {  	[tilespmem:s12], [sflag:$0x3] =	stream.indirect.gather [hbm4b:s4+s30], $0x80, s10, s30, $0xb8;
	[tilespmem:$0x1E400] =	vst v63  }
0x80: {  	s9 =	rddreg [dreg:$0x12]  }
0x81: {  	[tilespmem:s13], [sflag:$0x9] =	stream.linear.gather [hbm4b:s9+s3], $0x50, $0x38;
	[tilespmem:$0x1E400] =	vst v63  }
0x82: {  	_ =	swait.ge [sflag:s28], $0x50  }
0x83: {  	[sflag:s28] =	ssyncset.done $0x0  }
0x84: {  	s18 =	rddreg [dreg:$0x15];
	[sflag:s28] =	ssyncadd.s32 $0xFFFFFFB0  }
0x85: {  	[tilespmem:s14], [sflag:$0x9] =	stream.linear.gather [hbm4b:s18+s3], $0x50, $0x38;
	[tilespmem:$0x1E400] =	vst v63  }
0x86: {  	_ =	swait.ge [sflag:s28], $0x50  }
0x87: {  	[sflag:s28] =	ssyncset.done $0x0  }
0x88: {  	s8 =	simm.s32 $0x0;
	[sflag:s28] =	ssyncadd.s32 $0xFFFFFFB0  }
0x89: {  	[tilespmem:s15], [sflag:$0x4] =	stream.indirect.gather [hbm4b:s4+s30], $0x80, s13, s30, $0xb8;
	[tilespmem:$0x1E400] =	vst v63  }
.LBB2_2:
0x8a: {  	_ =	swait.ge [sflag:s0], $0x2800  }
0x8b: {  	[sflag:s0] =	ssyncset.done $0x0  }
0x8c: {  	[sflag:s0] =	ssyncadd.s32 $0xFFFFD800  }
0x8d: {  	[spmem:s1] =	stream.indirect.scatter.add.f32 [tilespmem:s31], [sflag:$0x5], $0x80, s29, s30, $0xb8;
	[tilespmem:$0x1E400] =	vst v63  }
0x8e: {  	_ =	swait.ge [sflag:s16], $0x2800  }
0x8f: {  	[sflag:s16] =	ssyncset.done $0x0  }
0x90: {  	[sflag:s16] =	ssyncadd.s32 $0xFFFFD800  }
0x91: {  	[spmem:s1] =	stream.indirect.scatter.add.f32 [tilespmem:s6], [sflag:$0x6], $0x80, s5, s30, $0xb8;
	[tilespmem:$0x1E400] =	vst v63  }
0x92: {  	_ =	swait.ge [sflag:s17], $0x2800  }
0x93: {  	[sflag:s17] =	ssyncset.done $0x0  }
0x94: {  	[sflag:s17] =	ssyncadd.s32 $0xFFFFD800  }
0x95: {  	[spmem:s1] =	stream.indirect.scatter.add.f32 [tilespmem:s12], [sflag:$0x7], $0x80, s11, s30, $0xb8;
	[tilespmem:$0x1E400] =	vst v63  }
0x96: {  	_ =	swait.ge [sflag:s23], $0x2800  }
0x97: {  	p0 =	seq.s32 s8, $0x988;
	[sflag:s23] =	ssyncset.done $0x0  }
.Ltmp2:
0x98: {  	[sflag:s23] =	ssyncadd.s32 $0xFFFFD800;
	(pc) =	sbr.rel @p0 .LBB2_4-.Ltmp2, $4  }
0x99: {  	[spmem:s1] =	stream.indirect.scatter.add.f32 [tilespmem:s15], [sflag:$0x8], $0x80, s14, s30, $0xb8;
	[tilespmem:$0x1E400] =	vst v63  }
0x9a: {  	_ =	swait.ge [sflag:s24], $0x2800  }
0x9b: {  	[sflag:s24] =	ssyncset.done $0x0  }
0x9c: {  	[sflag:s24] =	ssyncadd.s32 $0xFFFFD800  }
0x9d: {  	s9 =	sadd.s32 s8, s22  }
0x9e: {  	[tilespmem:s3], [sflag:$0x9] =	stream.linear.gather [hbm4b:s9+s3], $0x50, $0x38;
	[tilespmem:$0x1E400] =	vst v63  }
0x9f: {  	_ =	swait.ge [sflag:s28], $0x50  }
0xa0: {  	s18 =	rddreg [dreg:$0x11]  }
0xa1: {  	[sflag:s28] =	ssyncset.done $0x0;
	s9 =	sadd.s32 s8, s18  }
0xa2: {  	[sflag:s28] =	ssyncadd.s32 $0xFFFFFFB0;
	s18 =	sadd.s32 $0x3C, s9  }
0xa3: {  	[tilespmem:s29], [sflag:$0x9] =	stream.linear.gather [hbm4b:s18+s3], $0x50, $0x38;
	[tilespmem:$0x1E400] =	vst v63  }
0xa4: {  	_ =	swait.ge [sflag:s28], $0x50  }
0xa5: {  	[sflag:s28] =	ssyncset.done $0x0  }
0xa6: {  	[sflag:s28] =	ssyncadd.s32 $0xFFFFFFB0  }
0xa7: {  	[tilespmem:s31], [sflag:$0x1] =	stream.indirect.gather [hbm4b:s4+s30], $0x80, s3, s30, $0xb8;
	[tilespmem:$0x1E400] =	vst v63  }
0xa8: {  	_ =	swait.ge [sflag:s25], $0x2800  }
0xa9: {  	[sflag:s25] =	ssyncset.done $0x0  }
0xaa: {  	s18 =	sadd.s32 s8, s21;
	[sflag:s25] =	ssyncadd.s32 $0xFFFFD800  }
0xab: {  	[tilespmem:s2], [sflag:$0x9] =	stream.linear.gather [hbm4b:s18+s3], $0x50, $0x38;
	[tilespmem:$0x1E400] =	vst v63  }
0xac: {  	_ =	swait.ge [sflag:s28], $0x50  }
0xad: {  	[sflag:s28] =	ssyncset.done $0x0  }
0xae: {  	s18 =	sadd.s32 $0x46, s9;
	[sflag:s28] =	ssyncadd.s32 $0xFFFFFFB0  }
0xaf: {  	[tilespmem:s5], [sflag:$0x9] =	stream.linear.gather [hbm4b:s18+s3], $0x50, $0x38;
	[tilespmem:$0x1E400] =	vst v63  }
0xb0: {  	_ =	swait.ge [sflag:s28], $0x50  }
0xb1: {  	[sflag:s28] =	ssyncset.done $0x0  }
0xb2: {  	[sflag:s28] =	ssyncadd.s32 $0xFFFFFFB0  }
0xb3: {  	[tilespmem:s6], [sflag:$0x2] =	stream.indirect.gather [hbm4b:s4+s30], $0x80, s2, s30, $0xb8;
	[tilespmem:$0x1E400] =	vst v63  }
0xb4: {  	_ =	swait.ge [sflag:s26], $0x2800  }
0xb5: {  	[sflag:s26] =	ssyncset.done $0x0  }
0xb6: {  	s18 =	sadd.s32 s8, s20;
	[sflag:s26] =	ssyncadd.s32 $0xFFFFD800  }
0xb7: {  	[tilespmem:s10], [sflag:$0x9] =	stream.linear.gather [hbm4b:s18+s3], $0x50, $0x38;
	[tilespmem:$0x1E400] =	vst v63  }
0xb8: {  	_ =	swait.ge [sflag:s28], $0x50  }
0xb9: {  	[sflag:s28] =	ssyncset.done $0x0  }
0xba: {  	s18 =	sadd.s32 $0x50, s9;
	[sflag:s28] =	ssyncadd.s32 $0xFFFFFFB0  }
0xbb: {  	[tilespmem:s11], [sflag:$0x9] =	stream.linear.gather [hbm4b:s18+s3], $0x50, $0x38;
	[tilespmem:$0x1E400] =	vst v63  }
0xbc: {  	_ =	swait.ge [sflag:s28], $0x50  }
0xbd: {  	[sflag:s28] =	ssyncset.done $0x0  }
0xbe: {  	[sflag:s28] =	ssyncadd.s32 $0xFFFFFFB0  }
0xbf: {  	[tilespmem:s12], [sflag:$0x3] =	stream.indirect.gather [hbm4b:s4+s30], $0x80, s10, s30, $0xb8;
	[tilespmem:$0x1E400] =	vst v63  }
0xc0: {  	_ =	swait.ge [sflag:s7], $0x2800  }
0xc1: {  	[sflag:s7] =	ssyncset.done $0x0;
	s18 =	rddreg [dreg:$0x10]  }
0xc2: {  	[sflag:s7] =	ssyncadd.s32 $0xFFFFD800;
	s18 =	sadd.s32 s8, s18  }
0xc3: {  	[tilespmem:s13], [sflag:$0x9] =	stream.linear.gather [hbm4b:s18+s3], $0x50, $0x38;
	[tilespmem:$0x1E400] =	vst v63  }
0xc4: {  	_ =	swait.ge [sflag:s28], $0x50  }
0xc5: {  	[sflag:s28] =	ssyncset.done $0x0  }
0xc6: {  	s9 =	sadd.s32 $0x5A, s9;
	[sflag:s28] =	ssyncadd.s32 $0xFFFFFFB0  }
0xc7: {  	[tilespmem:s14], [sflag:$0x9] =	stream.linear.gather [hbm4b:s9+s3], $0x50, $0x38;
	[tilespmem:$0x1E400] =	vst v63  }
.Ltmp3:
0xc8: {  	_ = 	snop;
	(pc) =	sbr.rel .LBB2_2-.Ltmp3, $4  }
0xc9: {  	_ =	swait.ge [sflag:s28], $0x50  }
0xca: {  	[sflag:s28] =	ssyncset.done $0x0  }
0xcb: {  	s8 =	sadd.s32 $0x28, s8;
	[sflag:s28] =	ssyncadd.s32 $0xFFFFFFB0  }
0xcc: {  	[tilespmem:s15], [sflag:$0x4] =	stream.indirect.gather [hbm4b:s4+s30], $0x80, s13, s30, $0xb8;
	[tilespmem:$0x1E400] =	vst v63  }
.LBB2_5:
0xcd: {  	_ =	sfence.sel $0x180000  }
0xce: {  	[bflag:$0x0] =	sbarrier.arrive $0xFFFF  }
0xcf: {  	_ =	strace $0x9000004D  }
0xd0: {  	s0 =	stileid.u32;
	[bflag:$0x2] =	sbarrier.arrive $0xFFFF  }
0xd1: {  	p0 =	sne.s32 s0, $0x0;
	s0 =	rddreg [dreg:$0x3]  }
0xd2: {  	s0 =	sadd.s32 @!p0 $0x100000, s0  }
0xd3: {  	[sflag:s0] =	ssyncadd.tile.s32 @!p0 $0x1;
	_ =	shalt  }
.Lfunc_end2:
_tile_overlayer_lowered:
.L_overlay_start_2:
0xd4: {  	(tag) =	ssettag $0x2  }
0xd5: {  	s0 =	rddreg [dreg:$0x0];
	s2 =	stileid.u32  }
0xd6: {  	s1 =	rddreg [dreg:$0x1];
	p0 =	sne.s32 s2, $0x0  }
0xd7: {  	s3 =	rddreg [dreg:$0x2];
	[bflag:$0x3] =	sbarrier.arrive $0xFFFF;
	s2 =	simm.s32 @!p0 $0x1C09  }
0xd8: {  	[timem:s3], [sflag:s2] =	dma.local @!p0 [hbm:s0], s1  }
0xd9: {  	s0 =	simm.s32 @!p0 $0x9  }
0xda: {  	_ =	swait.ge @!p0 [sflag:s0], s1  }
0xdb: {  	s1 =	ssub.s32 @!p0 $0x0, s1;
	[sflag:s0] =	ssyncset.done @!p0 $0x0  }
0xdc: {  	[sflag:s0] =	ssyncadd.s32 @!p0 s1  }
0xdd: {  	[bflag:$0x3] =	sbarrier.arrive $0xFFFF  }
0xde: {  	_ =	shalt  }

// kernel: kernel.20.cloned.1.call-start
scs
__scs_entry_jumppad:
0x0: {  	(pc) =	sbr.rel $0x88, $3  }
0x1: {  	(tag) =	ssettag $0x0;
	lr =	simm.s32 $0x1  }
0x2: {  	[smem:$0x3F99] =	sst lr;
	_ =	strace $0xD0000000  }
0x3: {  	_ = 	snop  }
0x4: {  	_ = 	snop  }
0x5: {  	_ = 	snop  }
0x6: {  	_ = 	snop  }
0x7: {  	_ = 	snop  }
__scs_overlays_trampoline_lowered:
0x8: {  	[smem:$0x3FA8] =	sst s0  }
0x9: {  	[smem:$0x3FA9] =	sst s1  }
0xa: {  	[smem:$0x3FAA] =	sst s2  }
0xb: {  	[smem:$0x3FAB] =	sst s3  }
0xc: {  	[smem:$0x3FAC] =	sst s4  }
0xd: {  	[smem:$0x3FAD] =	sst s5  }
0xe: {  	[smem:$0x3FAE] =	sst s6  }
0xf: {  	[smem:$0x3FAF] =	sst s7  }
0x10: {  	[smem:$0x3FB0] =	sst s8  }
0x11: {  	[smem:$0x3FB1] =	sst s9;
	s0 =	simm.s32 @!p0 $0x0  }
0x12: {  	s1 =	sld [smem:$0x3F97];
	s0 =	simm.s32 @p0 $0x1  }
0x13: {  	[smem:$0x3FB2] =	sst s0;
	s0 =	simm.s32 @!p1 $0x0  }
0x14: {  	s2 =	sld [smem:$0x3F96];
	s0 =	simm.s32 @p1 $0x1  }
0x15: {  	[smem:$0x3FB3] =	sst s0;
	s0 =	simm.s32 @!p2 $0x0  }
0x16: {  	s3 =	sld [smem:$0x3FDB];
	s0 =	simm.s32 @p2 $0x1  }
0x17: {  	s4 =	simm.s32 $0x1BF5;
	[smem:$0x3FB5] =	sst s0  }
0x18: {  	s0 =	sld [smem:$0x3F98];
	_ =	swait.ge [sflag:s4], $0x0  }
0x19: {  	s7 =	sld [smem:$0x3F99]  }
0x1a: {  	s8 =	sadd.s32 $0xFFFFE003, lr  }
0x1b: {  	s9 =	sadd.s32 $0xFFFFFEF7, lr;
	s5 =	simm.s32 $0xFFFFFFFF;
	p2 =	slt.u32 s8, $0xFFFFF086  }
0x1c: {  	p1 =	slt.u32 s9, $0xF7A;
	s5 =	simm.s32 @!p2 $0x0  }
0x1d: {  	s5 =	simm.s32 @p1 $0x1;
	p0 =	seq.s32 s7, s2  }
0x1e: {  	s7 =	smul.u32 @!p0 $0xF7A, s2;
	p2 =	seq.s32 @!p0 s5, $0x0  }
0x1f: {  	s9 =	smul.u32 $0xF7A, s1;
	s8 =	simm.s32 @!p0 $0x1BF5;
	p2 =	por !p2, p0  }
0x20: {  	[sflag:s8] =	ssyncset.s32 @!p0 $0xFFFFF086;
	s6 =	sadd.s32 @!p0 s3, s7;
	s7 =	simm.s32 @!p0 $0x108  }
0x21: {  	s3 =	sadd.s32 s3, s9;
	s6 =	sadd.s32 @!p0 $0x88, s6;
	s7 =	simm.s32 @p2 $0x1082  }
0x22: {  	[simem:s7], [sflag:s8] =	dma.local @!p0 [hbm:s6], $0xF7A  }
0x23: {  	s9 =	sor.u32 $0xD0000000, s2;
	s6 =	simm.s32 $0x108;
	_ =	swait.ge @!p0 [sflag:s8], $0x0  }
0x24: {  	s3 =	sadd.s32 $0x88, s3;
	s6 =	simm.s32 @!p1 $0x1082;
	[sflag:s4] =	ssyncset.s32 $0xFFFFF086  }
0x25: {  	[simem:s6], [sflag:s4] =	dma.local [hbm:s3], $0xF7A  }
0x26: {  	[smem:$0x3F99] =	sst s1;
	(tag) =	ssettag s2;
	_ =	strace s9  }
0x27: {  	s1 =	sld [smem:$0x3FA9]  }
0x28: {  	s2 =	sld [smem:$0x3FAA]  }
0x29: {  	s4 =	sld [smem:$0x3FAC]  }
0x2a: {  	p0 =	seq.s32 s5, $0x0;
	s5 =	sld [smem:$0x3FAD]  }
0x2b: {  	s6 =	sld [smem:$0x3FAE]  }
0x2c: {  	s7 =	sld [smem:$0x3FAF]  }
0x2d: {  	s3 =	simm.s32 $0x108;
	s8 =	sld [smem:$0x3FB0]  }
0x2e: {  	s3 =	simm.s32 @!p0 $0x1082;
	s9 =	sld [smem:$0x3FB1]  }
0x2f: {  	lr =	sadd.s32 s0, s3;
	s0 =	sld [smem:$0x3FA8]  }
0x30: {  	s3 =	sld [smem:$0x3FAB]  }
0x31: {  	[smem:$0x3FB4] =	sst s10  }
0x32: {  	s10 =	sld [smem:$0x3FB2];
	_ =	sdelay $0x3  }
0x33: {  	p0 =	seq.s32 s10, $0x1;
	s10 =	sld [smem:$0x3FB4];
	_ =	sdelay $0x3  }
0x34: {  	[smem:$0x3FB4] =	sst s10  }
0x35: {  	s10 =	sld [smem:$0x3FB3];
	_ =	sdelay $0x3  }
0x36: {  	p1 =	seq.s32 s10, $0x1;
	s10 =	sld [smem:$0x3FB4];
	_ =	sdelay $0x3  }
0x37: {  	[smem:$0x3FB4] =	sst s10  }
0x38: {  	s10 =	sld [smem:$0x3FB5]  }
0x39: {  	_ = 	snop;
	(pc) =	sbr.ind lr, $3  }
0x3a: {  	_ = 	snop  }
0x3b: {  	_ = 	snop  }
0x3c: {  	p2 =	seq.s32 s10, $0x1;
	s10 =	sld [smem:$0x3FB4]  }
0x3d: {  	_ =	shalt  }
0x3e: {  	_ =	shalt  }
0x3f: {  	_ =	shalt  }
0x40: {  	_ =	shalt  }
0x41: {  	_ =	shalt  }
0x42: {  	_ =	shalt  }
0x43: {  	_ =	shalt  }
0x44: {  	_ =	shalt  }
0x45: {  	_ =	shalt  }
0x46: {  	_ =	shalt  }
0x47: {  	_ =	shalt  }
0x48: {  	_ =	shalt  }
0x49: {  	_ =	shalt  }
0x4a: {  	_ =	shalt  }
0x4b: {  	_ =	shalt  }
0x4c: {  	_ =	shalt  }
0x4d: {  	_ =	shalt  }
0x4e: {  	_ =	shalt  }
0x4f: {  	_ =	shalt  }
0x50: {  	_ =	shalt  }
0x51: {  	_ =	shalt  }
0x52: {  	_ =	shalt  }
0x53: {  	_ =	shalt  }
0x54: {  	_ =	shalt  }
0x55: {  	_ =	shalt  }
0x56: {  	_ =	shalt  }
0x57: {  	_ =	shalt  }
0x58: {  	_ =	shalt  }
0x59: {  	_ =	shalt  }
0x5a: {  	_ =	shalt  }
0x5b: {  	_ =	shalt  }
0x5c: {  	_ =	shalt  }
0x5d: {  	_ =	shalt  }
0x5e: {  	_ =	shalt  }
0x5f: {  	_ =	shalt  }
0x60: {  	_ =	shalt  }
0x61: {  	_ =	shalt  }
0x62: {  	_ =	shalt  }
0x63: {  	_ =	shalt  }
0x64: {  	_ =	shalt  }
0x65: {  	_ =	shalt  }
0x66: {  	_ =	shalt  }
0x67: {  	_ =	shalt  }
0x68: {  	_ =	shalt  }
0x69: {  	_ =	shalt  }
0x6a: {  	_ =	shalt  }
0x6b: {  	_ =	shalt  }
0x6c: {  	_ =	shalt  }
0x6d: {  	_ =	shalt  }
0x6e: {  	_ =	shalt  }
0x6f: {  	_ =	shalt  }
0x70: {  	_ =	shalt  }
0x71: {  	_ =	shalt  }
0x72: {  	_ =	shalt  }
0x73: {  	_ =	shalt  }
0x74: {  	_ =	shalt  }
0x75: {  	_ =	shalt  }
0x76: {  	_ =	shalt  }
0x77: {  	_ =	shalt  }
0x78: {  	_ =	shalt  }
0x79: {  	_ =	shalt  }
0x7a: {  	_ =	shalt  }
0x7b: {  	_ =	shalt  }
0x7c: {  	_ =	shalt  }
0x7d: {  	_ =	shalt  }
0x7e: {  	_ =	shalt  }
0x7f: {  	_ =	shalt  }
0x80: {  	_ =	shalt  }
0x81: {  	_ =	shalt  }
0x82: {  	_ =	shalt  }
0x83: {  	_ =	shalt  }
0x84: {  	_ =	shalt  }
0x85: {  	_ =	shalt  }
0x86: {  	_ =	shalt  }
0x87: {  	_ =	shalt  }
.Lfunc_end0:
.L_simem_size_0:
called_computation.3_lowered:
.L_overlay_start_0:
0x88: {  	s2 =	sld [smem:$0x3FD9]  }
0x89: {  	s3 =	sld [smem:$0x3FFE];
	_ =	sdelay $0x1  }
0x8a: {  	s1 =	srdreg.scid  }
0x8b: {  	s0 =	sand.u32 $0x1, s1  }
0x8c: {  	s16 =	sshll.u32 s0, $0xA;
	s2 =	sadd.s32 s3, s2  }
0x8d: {  	s2 =	sadd.s32 s2, s16  }
0x8e: {  	[smem:$0x3FC0] =	sst s2  }
0x8f: {  	_ = 	snop  }
0x90: {  	(tm) =	ssettm $0x1  }
0x91: {  	s17 =	sld [smem:$0x3FFB];
	_ =	sdelay $0x3  }
0x92: {  	_ =	strace s17  }
0x93: {  	s2 =	sld [smem:$0x3FFC];
	_ =	sdelay $0x3  }
0x94: {  	_ =	strace s2  }
0x95: {  	s2 =	sld [smem:$0x3FFD];
	_ =	sdelay $0x3  }
0x96: {  	_ =	strace s2  }
0x97: {  	_ =	strace $0x8FFFFFFF  }
0x98: {  	s18 =	sld [smem:$0x3FDB];
	_ =	sdelay $0x1  }
0x99: {  	s19 =	simm.s32 $_scs_section_size  }
0x9a: {  	s4 =	simm.s32 $_size__tile_overlayer_lowered;
	s5 =	simm.s32 $_tile_overlayer_lowered  }
0x9b: {  	s22 =	simm.s32 $0x1BFF;
	s21 =	sshll.u32 s5, $0x1;
	s2 =	sadd.s32 s19, s18  }
0x9c: {  	s6 =	simm.s32 $0x0;
	s20 =	sshll.u32 s4, $0x1;
	s4 =	sadd.s32 s21, s2  }
0x9d: {  	[timem:s6], [sflag:s22] =	dma.local [hbm:s4], s20  }
0x9e: {  	_ =	swait.ge [sflag:s22], s20  }
0x9f: {  	s3 =	ssub.s32 $0x0, s20;
	[sflag:s22] =	ssyncset.done $0x0  }
0xa0: {  	[sflag:s22] =	ssyncadd.s32 s3;
	_ =	sdelay $0x1  }
0xa1: {  	s23 =	simm.s32 $0x1B8B  }
0xa2: {  	_ =	swait.ge [sflag:s23], $0x1  }
0xa3: {  	[sflag:s23] =	ssyncset.done $0x0  }
0xa4: {  	s25 =	simm.s32 $0x1B8E;
	s24 =	sld [smem:$0x3FFE];
	[sflag:s23] =	ssyncadd.s32 $0xFFFFFFFF  }
0xa5: {  	s26 =	simm.s32 $execute0_lowered;
	[smem:$0x3FD2] =	sst s25  }
0xa6: {  	s4 =	sshll.u32 s26, $0x1;
	_ =	strace $0x8000004F;
	[dreg:$0x1] =	wrdreg $0xFFFFFFFF  }
0xa7: {  	s28 =	simm.s32 $_size_execute0_lowered;
	s2 =	sadd.s32 s2, s4;
	[dreg:$0x0] =	wrdreg $0x0  }
0xa8: {  	s4 =	sshll.u32 s28, $0x1;
	[dreg:$0x2] =	wrdreg s2  }
0xa9: {  	[dreg:$0x3] =	wrdreg s4  }
0xaa: {  	[dreg:$0x4] =	wrdreg $0xC0  }
0xab: {  	_ =	task [dreg:s6], $0x5FFFF  }
0xac: {  	[dreg:$0x1] =	wrdreg $0xFFFFFFFF  }
0xad: {  	[dreg:$0x0] =	wrdreg $0x60  }
0xae: {  	[dreg:$0x2] =	wrdreg s24  }
0xaf: {  	[dreg:$0x3] =	wrdreg $0xA4000  }
0xb0: {  	[dreg:$0x4] =	wrdreg $0x9  }
0xb1: {  	_ =	task.clear_ibuf [dreg:s6], $0x5FFFF;
	_ =	strace $0x9000004F  }
0xb2: {  	s29 =	simm.s32 $0x9;
	_ =	strace $0x80000051  }
0xb3: {  	_ =	swait.ge [sflag:s29], $0x1  }
0xb4: {  	[sflag:s29] =	ssyncadd.s32 $0xFFFFFFFF  }
0xb5: {  	_ =	strace $0x90000051  }
0xb6: {  	_ =	sfence  }
0xb7: {  	s30 =	sld [smem:$0x0];
	_ =	sdelay $0x2  }
0xb8: {  	s31 =	sshll.u32 s1, $0xD;
	s1 =	sshrl.u32 s1, $0x2  }
0xb9: {  	s3 =	sand.u32 $0x4000, s31;
	s1 =	sadd.s32 s1, s30  }
0xba: {  	s0 =	sor.u32 s3, s0;
	s1 =	sshll.u32 s1, $0x11  }
0xbb: {  	s0 =	sor.u32 s1, s0  }
0xbc: {  	s0 =	sadd.s32 $0x8F2B, s0  }
0xbd: {  	[sflag:s0] =	ssyncadd.remote.s32 $0x1  }
0xbe: {  	_ =	sfence.sel $0xFFFF  }
0xbf: {  	[dreg:$0x0] =	wrdreg $0xFFFFFFFF;
	(pc) =	sbr.abs _section_cstart, $3  }
0xc0: {  	[dreg:$0x1] =	wrdreg $0xFFFFFFFF  }
0xc1: {  	_ =	task.clear_ibuf [dreg:s6], $0x2FFFF;
	_ =	strace $0x9FFFFFFF  }
0xc2: {  	(tm) =	ssettm $0x7FFFFFFF  }
0xc3: {  	_ =	shalt  }
tec
execute0_lowered:
.L_overlay_start_1:
0x0: {  	(tag) =	ssettag $0x1  }
0x1: {  	s0 =	rddreg [dreg:$0x0]  }
0x2: {  	s1 =	rddreg [dreg:$0x1];
	s2 =	simm.s32 $0x0  }
0x3: {  	s3 =	srdreg.scid;
	s14 =	stileid.u32;
	s29 =	simm.s32 $0x9  }
0x4: {  	s30 =	simm.s32 $0x200;
	s31 =	simm.s32 $0x50;
	s28 =	simm.s32 $0x7  }
0x5: {  	[smem:$0x7FF] =	sst s2;
	s4 =	sand.u32 $0x1, s3;
	s5 =	smul.u32 $0x2800, s14  }
0x6: {  	s3 =	sadd.s32 $0x3EE00, s0;
	s8 =	sadd.s32 $0x16E00, s0;
	s25 =	smul.u32 $0x2710, s14  }
0x7: {  	s9 =	sadd.s32 $0x2A00, s0;
	s11 =	sadd.s32 $0xC800, s0;
	s6 =	smul.u32 $0x28000, s4  }
0x8: {  	s7 =	sshll.u32 s4, $0x4;
	s10 =	ssub.s32 $0x2, s4;
	p0 =	seq.s32 s4, $0x0  }
0x9: {  	s4 =	smul.u32 $0x27100, s4;
	s7 =	sor.u32 s14, s7;
	s21 =	sshrl.u32 s10, $0x1  }
0xa: {  	s8 =	smov.u32 @p0 s3;
	s6 =	sadd.s32 s5, s6;
	s7 =	smul.u32 $0x2710, s7  }
0xb: {  	s4 =	sadd.s32 s25, s4;
	s5 =	sadd.s32 s8, s5;
	s25 =	sshll.u32 s14, $0x6  }
0xc: {  	s8 =	simm.s32 $0x300;
	s0 =	sadd.s32 s6, s0;
	s6 =	ssub.s32 s10, s21  }
0xd: {  	s10 =	smul.u32 $0x50000, s14;
	s18 =	sadd.s32 $0x280, s4;
	[dreg:$0xd] =	wrdreg s5  }
0xe: {  	s21 =	sadd.s32 $0x230, s4;
	s14 =	simm.s32 $0x3;
	s7 =	sshrl.u32 s7, $0x3  }
0xf: {  	s19 =	sshrl.u32 s18, $0x3;
	s5 =	sshrl.u32 s21, $0x3;
	s12 =	sadd.s32 s9, s7  }
0x10: {  	s0 =	sadd.s32 $0x66E00, s0;
	s13 =	sadd.s32 s11, s7;
	[dreg:$0x3] =	wrdreg s12  }
0x11: {  	s22 =	sadd.s32 $0xA, s7;
	s20 =	sadd.s32 s19, s11;
	[dreg:$0x4] =	wrdreg s13  }
0x12: {  	s18 =	simm.s32 $0x400;
	s23 =	sadd.s32 s9, s22;
	[dreg:$0xe] =	wrdreg s20  }
0x13: {  	s24 =	sadd.s32 $0x14, s7;
	s12 =	sadd.s32 s11, s22;
	[dreg:$0x5] =	wrdreg s23  }
0x14: {  	s26 =	sadd.s32 $0x1E, s7;
	s15 =	sadd.s32 s9, s24;
	[dreg:$0x6] =	wrdreg s12  }
0x15: {  	s7 =	sadd.s32 $0x28, s7;
	s16 =	sadd.s32 s9, s26;
	[dreg:$0x7] =	wrdreg s15  }
0x16: {  	s17 =	sadd.s32 s9, s7;
	s7 =	sadd.s32 s11, s7;
	[dreg:$0x9] =	wrdreg s16  }
0x17: {  	s22 =	sadd.s32 $0x1E0, s4;
	s4 =	sadd.s32 $0x190, s4;
	[dreg:$0xb] =	wrdreg s17  }
0x18: {  	s13 =	simm.s32 $0x2;
	s12 =	sadd.s32 s11, s24;
	[dreg:$0xc] =	wrdreg s7  }
0x19: {  	s7 =	sadd.s32 s19, s9;
	s23 =	sadd.s32 s5, s11;
	s5 =	sadd.s32 s5, s9  }
0x1a: {  	s4 =	sshrl.u32 s4, $0x3;
	s24 =	sshrl.u32 s10, $0x2;
	s17 =	sor.u32 $0x1C09, s25  }
0x1b: {  	s10 =	simm.s32 $0x180;
	s25 =	simm.s32 $0x5;
	[dreg:$0x8] =	wrdreg s12  }
0x1c: {  	s15 =	simm.s32 $0x8;
	s16 =	simm.s32 $0x0;
	[dreg:$0xf] =	wrdreg s7  }
0x1d: {  	s12 =	sadd.s32 s11, s26;
	[dreg:$0x10] =	wrdreg s23;
	s7 =	sshrl.u32 s22, $0x3  }
0x1e: {  	[dreg:$0x14] =	wrdreg s5;
	s22 =	sadd.s32 s4, s11;
	s23 =	sadd.s32 s4, s9  }
0x1f: {  	s4 =	sadd.s32 s24, s1;
	s26 =	smax.u32 s6, $0x1;
	s5 =	simm.s32 $0x280  }
0x20: {  	s6 =	simm.s32 $0x2C00;
	s24 =	simm.s32 $0x4;
	[dreg:$0xa] =	wrdreg s12  }
.Ltmp0:
0x21: {  	s20 =	sadd.s32 s7, s11;
	s21 =	sadd.s32 s7, s9;
	(pc) =	sbr.rel .LBB2_1-.Ltmp0, $4  }
0x22: {  	s7 =	simm.s32 $0x100;
	_ =	strace $0x80000050;
	[dreg:$0x11] =	wrdreg s4  }
0x23: {  	s9 =	simm.s32 $0x5400;
	s11 =	simm.s32 $0x380;
	[dreg:$0x12] =	wrdreg s0  }
0x24: {  	s12 =	simm.s32 $0x7C00;
	[dreg:$0x13] =	wrdreg s26;
	s0 =	simm.s32 $0x1  }
0x25: {  	s4 =	simm.s32 $0x80;
	s26 =	simm.s32 $0x6;
	[dreg:$0x15] =	wrdreg s16  }
.LBB2_4:
0x26: {  	_ =	swait.ge [sflag:s26], $0x2800  }
0x27: {  	[sflag:s26] =	ssyncset.done $0x0  }
0x28: {  	[sflag:s26] =	ssyncadd.s32 $0xFFFFD800  }
0x29: {  	_ =	swait.ge [sflag:s28], $0x2800  }
0x2a: {  	[sflag:s28] =	ssyncset.done $0x0  }
0x2b: {  	[sflag:s28] =	ssyncadd.s32 $0xFFFFD800  }
0x2c: {  	_ =	swait.ge [sflag:s15], $0x2800  }
0x2d: {  	[sflag:s15] =	ssyncset.done $0x0  }
0x2e: {  	[sflag:s15] =	ssyncadd.s32 $0xFFFFD800  }
0x2f: {  	[bflag:$0x0] =	sbarrier.arrive $0xFFFF  }
0x30: {  	s16 =	rddreg [dreg:$0x12]  }
0x31: {  	s19 =	rddreg [dreg:$0x16]  }
0x32: {  	[hbm:s16], [sflag:s17] =	dma.local [spmem:s19], $0x2800  }
0x33: {  	_ =	swait.ge [sflag:s29], $0x2800  }
0x34: {  	s16 =	rddreg [dreg:$0x15]  }
0x35: {  	s19 =	sadd.s32 $0x1, s16;
	s16 =	rddreg [dreg:$0x13]  }
0x36: {  	p0 =	sne.s32 s19, s16  }
.Ltmp1:
0x37: {  	_ = 	snop;
	(pc) =	sbr.rel @!p0 .LBB2_5-.Ltmp1, $3  }
0x38: {  	_ =	sdelay $0x1  }
0x39: {  	[sflag:s29] =	ssyncset.done $0x0  }
0x3a: {  	[sflag:s29] =	ssyncadd.s32 $0xFFFFD800;
	[dreg:$0x15] =	wrdreg s19  }
.LBB2_1:
0x3b: {  	s16 =	rddreg [dreg:$0x11]  }
0x3c: {  	s19 =	sshrl.u32 s16, $0x3;
	s16 =	rddreg [dreg:$0xd]  }
0x3d: {  	[dreg:$0x16] =	wrdreg s19  }
0x3e: {  	[spmem:s19], [sflag:s17] =	dma.local [hbm:s16], $0x2800  }
0x3f: {  	_ =	swait.ge [sflag:s29], $0x2800  }
0x40: {  	[sflag:s29] =	ssyncset.done $0x0  }
0x41: {  	[sflag:s29] =	ssyncadd.s32 $0xFFFFD800  }
0x42: {  	[bflag:$0x0] =	sbarrier.arrive $0xFFFF  }
0x43: {  	s19 =	rddreg [dreg:$0x3]  }
0x44: {  	[tilespmem:s2], [sflag:$0x9] =	stream.linear.gather [hbm4b:s19+s2], $0x50, $0x38;
	[tilespmem:$0x1E400] =	vst v63  }
0x45: {  	_ =	swait.ge [sflag:s29], $0x50  }
0x46: {  	[sflag:s29] =	ssyncset.done $0x0  }
0x47: {  	s19 =	rddreg [dreg:$0x4];
	[sflag:s29] =	ssyncadd.s32 $0xFFFFFFB0  }
0x48: {  	[tilespmem:s30], [sflag:$0x9] =	stream.linear.gather [hbm4b:s19+s2], $0x50, $0x38;
	[tilespmem:$0x1E400] =	vst v63  }
0x49: {  	_ =	swait.ge [sflag:s29], $0x50  }
0x4a: {  	[sflag:s29] =	ssyncset.done $0x0  }
0x4b: {  	[sflag:s29] =	ssyncadd.s32 $0xFFFFFFB0  }
0x4c: {  	[tilespmem:s18], [sflag:$0x1] =	stream.indirect.gather [hbm4b:s3+s31], $0x80, s2, s31, $0xb8;
	[tilespmem:$0x1E400] =	vst v63  }
0x4d: {  	_ =	swait.ge [sflag:s0], $0x2800  }
0x4e: {  	[sflag:s0] =	ssyncset.done $0x0  }
0x4f: {  	[sflag:s0] =	ssyncadd.s32 $0xFFFFD800  }
0x50: {  	[spmem:s1] =	stream.indirect.scatter.add.f32 [tilespmem:s18], [sflag:$0x9], $0x80, s30, s31, $0xb8;
	[tilespmem:$0x1E400] =	vst v63  }
0x51: {  	_ =	swait.ge [sflag:s29], $0x2800  }
0x52: {  	[sflag:s29] =	ssyncset.done $0x0  }
0x53: {  	s19 =	rddreg [dreg:$0x5];
	[sflag:s29] =	ssyncadd.s32 $0xFFFFD800  }
0x54: {  	[tilespmem:s2], [sflag:$0x9] =	stream.linear.gather [hbm4b:s19+s2], $0x50, $0x38;
	[tilespmem:$0x1E400] =	vst v63  }
0x55: {  	_ =	swait.ge [sflag:s29], $0x50  }
0x56: {  	[sflag:s29] =	ssyncset.done $0x0  }
0x57: {  	s19 =	rddreg [dreg:$0x6];
	[sflag:s29] =	ssyncadd.s32 $0xFFFFFFB0  }
0x58: {  	[tilespmem:s30], [sflag:$0x9] =	stream.linear.gather [hbm4b:s19+s2], $0x50, $0x38;
	[tilespmem:$0x1E400] =	vst v63  }
0x59: {  	_ =	swait.ge [sflag:s29], $0x50  }
0x5a: {  	[sflag:s29] =	ssyncset.done $0x0  }
0x5b: {  	[sflag:s29] =	ssyncadd.s32 $0xFFFFFFB0  }
0x5c: {  	[tilespmem:s18], [sflag:$0x1] =	stream.indirect.gather [hbm4b:s3+s31], $0x80, s2, s31, $0xb8;
	[tilespmem:$0x1E400] =	vst v63  }
0x5d: {  	s19 =	rddreg [dreg:$0x7]  }
0x5e: {  	[tilespmem:s4], [sflag:$0x9] =	stream.linear.gather [hbm4b:s19+s2], $0x50, $0x38;
	[tilespmem:$0x1E400] =	vst v63  }
0x5f: {  	_ =	swait.ge [sflag:s29], $0x50  }
0x60: {  	[sflag:s29] =	ssyncset.done $0x0  }
0x61: {  	s19 =	rddreg [dreg:$0x8];
	[sflag:s29] =	ssyncadd.s32 $0xFFFFFFB0  }
0x62: {  	[tilespmem:s5], [sflag:$0x9] =	stream.linear.gather [hbm4b:s19+s2], $0x50, $0x38;
	[tilespmem:$0x1E400] =	vst v63  }
0x63: {  	_ =	swait.ge [sflag:s29], $0x50  }
0x64: {  	[sflag:s29] =	ssyncset.done $0x0  }
0x65: {  	[sflag:s29] =	ssyncadd.s32 $0xFFFFFFB0  }
0x66: {  	[tilespmem:s6], [sflag:$0x2] =	stream.indirect.gather [hbm4b:s3+s31], $0x80, s4, s31, $0xb8;
	[tilespmem:$0x1E400] =	vst v63  }
0x67: {  	s19 =	rddreg [dreg:$0x9]  }
0x68: {  	[tilespmem:s7], [sflag:$0x9] =	stream.linear.gather [hbm4b:s19+s2], $0x50, $0x38;
	[tilespmem:$0x1E400] =	vst v63  }
0x69: {  	_ =	swait.ge [sflag:s29], $0x50  }
0x6a: {  	[sflag:s29] =	ssyncset.done $0x0  }
0x6b: {  	s19 =	rddreg [dreg:$0xa];
	[sflag:s29] =	ssyncadd.s32 $0xFFFFFFB0  }
0x6c: {  	[tilespmem:s8], [sflag:$0x9] =	stream.linear.gather [hbm4b:s19+s2], $0x50, $0x38;
	[tilespmem:$0x1E400] =	vst v63  }
0x6d: {  	_ =	swait.ge [sflag:s29], $0x50  }
0x6e: {  	[sflag:s29] =	ssyncset.done $0x0  }
0x6f: {  	[sflag:s29] =	ssyncadd.s32 $0xFFFFFFB0  }
0x70: {  	[tilespmem:s9], [sflag:$0x3] =	stream.indirect.gather [hbm4b:s3+s31], $0x80, s7, s31, $0xb8;
	[tilespmem:$0x1E400] =	vst v63  }
0x71: {  	s19 =	rddreg [dreg:$0xb]  }
0x72: {  	[tilespmem:s10], [sflag:$0x9] =	stream.linear.gather [hbm4b:s19+s2], $0x50, $0x38;
	[tilespmem:$0x1E400] =	vst v63  }
0x73: {  	_ =	swait.ge [sflag:s29], $0x50  }
0x74: {  	[sflag:s29] =	ssyncset.done $0x0  }
0x75: {  	s19 =	rddreg [dreg:$0xc];
	[sflag:s29] =	ssyncadd.s32 $0xFFFFFFB0  }
0x76: {  	[tilespmem:s11], [sflag:$0x9] =	stream.linear.gather [hbm4b:s19+s2], $0x50, $0x38;
	[tilespmem:$0x1E400] =	vst v63  }
0x77: {  	_ =	swait.ge [sflag:s29], $0x50  }
0x78: {  	[sflag:s29] =	ssyncset.done $0x0  }
0x79: {  	s16 =	simm.s32 $0x0;
	[sflag:s29] =	ssyncadd.s32 $0xFFFFFFB0  }
0x7a: {  	[tilespmem:s12], [sflag:$0x4] =	stream.indirect.gather [hbm4b:s3+s31], $0x80, s10, s31, $0xb8;
	[tilespmem:$0x1E400] =	vst v63  }
.LBB2_2:
0x7b: {  	_ =	swait.ge [sflag:s0], $0x2800  }
0x7c: {  	[sflag:s0] =	ssyncset.done $0x0  }
0x7d: {  	[sflag:s0] =	ssyncadd.s32 $0xFFFFD800  }
0x7e: {  	[spmem:s1] =	stream.indirect.scatter.add.f32 [tilespmem:s18], [sflag:$0x5], $0x80, s30, s31, $0xb8;
	[tilespmem:$0x1E400] =	vst v63  }
0x7f: {  	_ =	swait.ge [sflag:s13], $0x2800  }
0x80: {  	[sflag:s13] =	ssyncset.done $0x0  }
0x81: {  	[sflag:s13] =	ssyncadd.s32 $0xFFFFD800  }
0x82: {  	[spmem:s1] =	stream.indirect.scatter.add.f32 [tilespmem:s6], [sflag:$0x6], $0x80, s5, s31, $0xb8;
	[tilespmem:$0x1E400] =	vst v63  }
0x83: {  	_ =	swait.ge [sflag:s14], $0x2800  }
0x84: {  	[sflag:s14] =	ssyncset.done $0x0  }
0x85: {  	[sflag:s14] =	ssyncadd.s32 $0xFFFFD800  }
0x86: {  	[spmem:s1] =	stream.indirect.scatter.add.f32 [tilespmem:s9], [sflag:$0x7], $0x80, s8, s31, $0xb8;
	[tilespmem:$0x1E400] =	vst v63  }
0x87: {  	_ =	swait.ge [sflag:s24], $0x2800  }
0x88: {  	p0 =	seq.s32 s16, $0x4B0;
	[sflag:s24] =	ssyncset.done $0x0  }
.Ltmp2:
0x89: {  	[sflag:s24] =	ssyncadd.s32 $0xFFFFD800;
	(pc) =	sbr.rel @p0 .LBB2_4-.Ltmp2, $4  }
0x8a: {  	[spmem:s1] =	stream.indirect.scatter.add.f32 [tilespmem:s12], [sflag:$0x8], $0x80, s11, s31, $0xb8;
	[tilespmem:$0x1E400] =	vst v63  }
0x8b: {  	_ =	swait.ge [sflag:s25], $0x2800  }
0x8c: {  	[sflag:s25] =	ssyncset.done $0x0  }
0x8d: {  	[sflag:s25] =	ssyncadd.s32 $0xFFFFD800  }
0x8e: {  	s19 =	smov.u32 s17;
	s17 =	sadd.s32 s16, s23  }
0x8f: {  	[tilespmem:s2], [sflag:$0x9] =	stream.linear.gather [hbm4b:s17+s2], $0x50, $0x38;
	[tilespmem:$0x1E400] =	vst v63  }
0x90: {  	_ =	swait.ge [sflag:s29], $0x50  }
0x91: {  	[sflag:s29] =	ssyncset.done $0x0  }
0x92: {  	s17 =	sadd.s32 s16, s22;
	[sflag:s29] =	ssyncadd.s32 $0xFFFFFFB0  }
0x93: {  	[tilespmem:s30], [sflag:$0x9] =	stream.linear.gather [hbm4b:s17+s2], $0x50, $0x38;
	[tilespmem:$0x1E400] =	vst v63  }
0x94: {  	_ =	swait.ge [sflag:s29], $0x50  }
0x95: {  	[sflag:s29] =	ssyncset.done $0x0  }
0x96: {  	[sflag:s29] =	ssyncadd.s32 $0xFFFFFFB0  }
0x97: {  	[tilespmem:s18], [sflag:$0x1] =	stream.indirect.gather [hbm4b:s3+s31], $0x80, s2, s31, $0xb8;
	[tilespmem:$0x1E400] =	vst v63  }
0x98: {  	_ =	swait.ge [sflag:s26], $0x2800  }
0x99: {  	[sflag:s26] =	ssyncset.done $0x0  }
0x9a: {  	s17 =	sadd.s32 s16, s21;
	[sflag:s26] =	ssyncadd.s32 $0xFFFFD800  }
0x9b: {  	[tilespmem:s4], [sflag:$0x9] =	stream.linear.gather [hbm4b:s17+s2], $0x50, $0x38;
	[tilespmem:$0x1E400] =	vst v63  }
0x9c: {  	_ =	swait.ge [sflag:s29], $0x50  }
0x9d: {  	[sflag:s29] =	ssyncset.done $0x0  }
0x9e: {  	s17 =	sadd.s32 s16, s20;
	[sflag:s29] =	ssyncadd.s32 $0xFFFFFFB0  }
0x9f: {  	[tilespmem:s5], [sflag:$0x9] =	stream.linear.gather [hbm4b:s17+s2], $0x50, $0x38;
	[tilespmem:$0x1E400] =	vst v63  }
0xa0: {  	_ =	swait.ge [sflag:s29], $0x50  }
0xa1: {  	[sflag:s29] =	ssyncset.done $0x0  }
0xa2: {  	[sflag:s29] =	ssyncadd.s32 $0xFFFFFFB0  }
0xa3: {  	[tilespmem:s6], [sflag:$0x2] =	stream.indirect.gather [hbm4b:s3+s31], $0x80, s4, s31, $0xb8;
	[tilespmem:$0x1E400] =	vst v63  }
0xa4: {  	_ =	swait.ge [sflag:s28], $0x2800  }
0xa5: {  	[sflag:s28] =	ssyncset.done $0x0;
	s17 =	rddreg [dreg:$0x14]  }
0xa6: {  	[sflag:s28] =	ssyncadd.s32 $0xFFFFD800;
	s17 =	sadd.s32 s16, s17  }
0xa7: {  	[tilespmem:s7], [sflag:$0x9] =	stream.linear.gather [hbm4b:s17+s2], $0x50, $0x38;
	[tilespmem:$0x1E400] =	vst v63  }
0xa8: {  	_ =	swait.ge [sflag:s29], $0x50  }
0xa9: {  	[sflag:s29] =	ssyncset.done $0x0;
	s17 =	rddreg [dreg:$0x10]  }
0xaa: {  	[sflag:s29] =	ssyncadd.s32 $0xFFFFFFB0;
	s17 =	sadd.s32 s16, s17  }
0xab: {  	[tilespmem:s8], [sflag:$0x9] =	stream.linear.gather [hbm4b:s17+s2], $0x50, $0x38;
	[tilespmem:$0x1E400] =	vst v63  }
0xac: {  	_ =	swait.ge [sflag:s29], $0x50  }
0xad: {  	[sflag:s29] =	ssyncset.done $0x0  }
0xae: {  	[sflag:s29] =	ssyncadd.s32 $0xFFFFFFB0  }
0xaf: {  	[tilespmem:s9], [sflag:$0x3] =	stream.indirect.gather [hbm4b:s3+s31], $0x80, s7, s31, $0xb8;
	[tilespmem:$0x1E400] =	vst v63  }
0xb0: {  	_ =	swait.ge [sflag:s15], $0x2800  }
0xb1: {  	[sflag:s15] =	ssyncset.done $0x0;
	s17 =	rddreg [dreg:$0xf]  }
0xb2: {  	[sflag:s15] =	ssyncadd.s32 $0xFFFFD800;
	s17 =	sadd.s32 s16, s17  }
0xb3: {  	[tilespmem:s10], [sflag:$0x9] =	stream.linear.gather [hbm4b:s17+s2], $0x50, $0x38;
	[tilespmem:$0x1E400] =	vst v63  }
0xb4: {  	_ =	swait.ge [sflag:s29], $0x50  }
0xb5: {  	[sflag:s29] =	ssyncset.done $0x0;
	s17 =	rddreg [dreg:$0xe]  }
0xb6: {  	[sflag:s29] =	ssyncadd.s32 $0xFFFFFFB0;
	s17 =	sadd.s32 s16, s17  }
0xb7: {  	[tilespmem:s11], [sflag:$0x9] =	stream.linear.gather [hbm4b:s17+s2], $0x50, $0x38;
	[tilespmem:$0x1E400] =	vst v63  }
.Ltmp3:
0xb8: {  	_ = 	snop;
	(pc) =	sbr.rel .LBB2_2-.Ltmp3, $4  }
0xb9: {  	_ =	swait.ge [sflag:s29], $0x50  }
0xba: {  	[sflag:s29] =	ssyncset.done $0x0  }
0xbb: {  	s16 =	sadd.s32 $0x28, s16;
	s17 =	smov.u32 s19;
	[sflag:s29] =	ssyncadd.s32 $0xFFFFFFB0  }
0xbc: {  	[tilespmem:s12], [sflag:$0x4] =	stream.indirect.gather [hbm4b:s3+s31], $0x80, s10, s31, $0xb8;
	[tilespmem:$0x1E400] =	vst v63  }
.LBB2_5:
0xbd: {  	_ =	sfence.sel $0x180000  }
0xbe: {  	[bflag:$0x0] =	sbarrier.arrive $0xFFFF  }
0xbf: {  	_ =	strace $0x90000050  }
0xc0: {  	s0 =	stileid.u32;
	[bflag:$0x2] =	sbarrier.arrive $0xFFFF  }
0xc1: {  	p0 =	sne.s32 s0, $0x0;
	s0 =	rddreg [dreg:$0x2]  }
0xc2: {  	s0 =	sadd.s32 @!p0 $0x100000, s0  }
0xc3: {  	[sflag:s0] =	ssyncadd.tile.s32 @!p0 $0x1;
	_ =	shalt  }
.Lfunc_end2:
_tile_overlayer_lowered:
.L_overlay_start_2:
0xc4: {  	(tag) =	ssettag $0x2  }
0xc5: {  	s0 =	rddreg [dreg:$0x0];
	s2 =	stileid.u32  }
0xc6: {  	s1 =	rddreg [dreg:$0x1];
	p0 =	sne.s32 s2, $0x0  }
0xc7: {  	s3 =	rddreg [dreg:$0x2];
	[bflag:$0x3] =	sbarrier.arrive $0xFFFF;
	s2 =	simm.s32 @!p0 $0x1C09  }
0xc8: {  	[timem:s3], [sflag:s2] =	dma.local @!p0 [hbm:s0], s1  }
0xc9: {  	s0 =	simm.s32 @!p0 $0x9  }
0xca: {  	_ =	swait.ge @!p0 [sflag:s0], s1  }
0xcb: {  	s1 =	ssub.s32 @!p0 $0x0, s1;
	[sflag:s0] =	ssyncset.done @!p0 $0x0  }
0xcc: {  	[sflag:s0] =	ssyncadd.s32 @!p0 s1  }
0xcd: {  	[bflag:$0x3] =	sbarrier.arrive $0xFFFF  }
0xce: {  	_ =	shalt  }

</sc_bundles>
